<compile_context>
chip_gen: v7x
topology: tpu7x:2x2x1
jax: 0.10.2.dev20260603
libtpu: 0.0.44.dev20260713+nightly
codegen_flags: <defaults>
</compile_context>

<pallas_src>
import jax
import jax.numpy as jnp
from jax import lax
from jax.experimental import pallas as pl
from jax.experimental.pallas import tpu as pltpu
from jax.experimental.pallas import tpu_sc as plsc

GRID = 128
MAX_S = 256
N_RAYS = 8192
RPB = 128
NBLK = N_RAYS // RPB
SEG = 8
NGRP = RPB // 16
CAP_S = 168


def _tc_prepass(rays_t_ref, idx_ref, ns_ref, dist_ref):
    ox = rays_t_ref[0:1, :]
    oy = rays_t_ref[1:2, :]
    oz = rays_t_ref[2:3, :]
    dxr = rays_t_ref[3:4, :]
    dyr = rays_t_ref[4:5, :]
    dzr = rays_t_ref[5:6, :]
    nrm = jnp.sqrt(dxr * dxr + dyr * dyr + dzr * dzr)
    dx = dxr / nrm
    dy = dyr / nrm
    dz = dzr / nrm

    big = jnp.float32(1e30)

    def slab(o, d):
        zero = d == 0.0
        safe = jnp.where(zero, 1.0, d)
        i1 = jnp.where(zero, -big, (-1.5 - o) / safe)
        i2 = jnp.where(zero, big, (1.5 - o) / safe)
        nn = jnp.minimum(i1, i2)
        ff = jnp.maximum(i1, i2)
        okax = jnp.logical_or(~zero, (o >= -1.5) & (o <= 1.5))
        return nn, ff, okax

    nnx, ffx, okx = slab(ox, dx)
    nny, ffy, oky = slab(oy, dy)
    nnz, ffz, okz = slab(oz, dz)
    near = jnp.maximum(jnp.maximum(nnx, nny), nnz)
    far = jnp.minimum(jnp.minimum(ffx, ffy), ffz)
    ok = okx & oky & okz
    isect = (near <= far) & ok
    span = far - near
    ns = jnp.where(isect,
                   jnp.minimum(span * 32.0, 256.0).astype(jnp.int32),
                   jnp.int32(0))
    ns_f = jnp.maximum(ns, 1).astype(jnp.float32)
    dist = span / ns_f

    j = lax.broadcasted_iota(jnp.int32, (CAP_S, RPB), 0).astype(jnp.float32)
    t = near + span * (j + 0.5) / ns_f

    def axis_idx(o, d):
        pos = (o + d * t) / 1.5 * 0.5 + 0.5
        return jnp.clip(jnp.floor(pos * GRID).astype(jnp.int32), 0, GRID - 1)

    ix = axis_idx(ox, dx)
    iy = axis_idx(oy, dy)
    iz = axis_idx(oz, dz)
    idx = (ix * GRID + iy) * GRID + iz
    idx_ref[...] = idx.reshape(1, CAP_S, RPB)
    ns_ref[...] = ns.reshape(1, 1, RPB)
    dist_ref[...] = dist.reshape(1, 1, RPB)


def _sc_render(table_ref, idx_hbm, ns_hbm, dist_hbm, c_hbm,
               idx_v, sig_v, ns_v, dist_v,
               idx_v2, sig_v2, ns_v2, dist_v2, c_v, sem, sem2):
    cid = lax.axis_index("c")
    sid = lax.axis_index("s")
    wid = sid * 2 + cid
    seg_elems = SEG * RPB

    def stage(p, idx_r, ns_r, dist_r, sig_r, sm):
        pltpu.sync_copy(idx_hbm.at[p], idx_r)
        pltpu.sync_copy(ns_hbm.at[p], ns_r)
        pltpu.sync_copy(dist_hbm.at[p], dist_r)
        mv = ns_r[pl.ds(0, 16)]
        for g in range(1, NGRP):
            mv = jnp.maximum(mv, ns_r[pl.ds(g * 16, 16)])
        m = mv[0]
        for l in range(1, 16):
            m = jnp.maximum(m, mv[l])
        nseg = (m + (SEG - 1)) >> 3

        def fire(b, _):
            pltpu.make_async_copy(
                table_ref.at[idx_r.at[pl.ds(b * seg_elems, seg_elems)]],
                sig_r.at[pl.ds(b * seg_elems, seg_elems)],
                sm,
            ).start()
            return 0

        lax.fori_loop(0, nseg, fire, 0)
        return m, nseg

    def finish(p, m, nseg, idx_r, ns_r, dist_r, sig_r, sm):
        def drain(b, _):
            pltpu.make_async_copy(
                table_ref.at[idx_r.at[pl.ds(b * seg_elems, seg_elems)]],
                sig_r.at[pl.ds(b * seg_elems, seg_elems)],
                sm,
            ).wait()
            return 0

        lax.fori_loop(0, nseg, drain, 0)

        nsg = [ns_r[pl.ds(g * 16, 16)] for g in range(NGRP)]
        dsg = [dist_r[pl.ds(g * 16, 16)] for g in range(NGRP)]
        ones = jnp.ones((16,), jnp.float32)

        def body(jj, carry):
            newc = []
            for g in range(NGRP):
                P, C = carry[2 * g], carry[2 * g + 1]
                sig = sig_r[pl.ds(jj * RPB + g * 16, 16)]
                valid = nsg[g] > jj
                s = jnp.maximum(sig, 0.0)
                e = jnp.exp(s * dsg[g])
                a = 1.0 - e
                om = jnp.where(valid, 1.0 - a, 1.0)
                P = P * om
                w = jnp.where(valid, a * P, 0.0)
                C = C * (1.0 + w)
                newc.append(P)
                newc.append(C)
            return tuple(newc)

        carry = lax.fori_loop(0, m, body, tuple([ones] * (2 * NGRP)))
        for g in range(NGRP):
            c_v[pl.ds(g * 16, 16)] = carry[2 * g + 1]
        pltpu.sync_copy(c_v, c_hbm.at[p])

    p1 = wid * 2
    p2 = wid * 2 + 1
    m1, n1 = stage(p1, idx_v, ns_v, dist_v, sig_v, sem)
    m2, n2 = stage(p2, idx_v2, ns_v2, dist_v2, sig_v2, sem2)
    finish(p1, m1, n1, idx_v, ns_v, dist_v, sig_v, sem)
    finish(p2, m2, n2, idx_v2, ns_v2, dist_v2, sig_v2, sem2)


@jax.jit
def kernel(w_sigma, w_rgb, rays):
    del w_rgb
    rays_t = rays.T

    idx, ns3, dist3 = pl.pallas_call(
        _tc_prepass,
        grid=(NBLK,),
        in_specs=[pl.BlockSpec((6, RPB), lambda p: (0, p))],
        out_specs=[
            pl.BlockSpec((1, CAP_S, RPB), lambda p: (p, 0, 0)),
            pl.BlockSpec((1, 1, RPB), lambda p: (p, 0, 0)),
            pl.BlockSpec((1, 1, RPB), lambda p: (p, 0, 0)),
        ],
        out_shape=[
            jax.ShapeDtypeStruct((NBLK, CAP_S, RPB), jnp.int32),
            jax.ShapeDtypeStruct((NBLK, 1, RPB), jnp.int32),
            jax.ShapeDtypeStruct((NBLK, 1, RPB), jnp.float32),
        ],
    )(rays_t)

    table = w_sigma.reshape(GRID * GRID * GRID)
    idx = idx.reshape(NBLK, CAP_S * RPB)
    ns2 = ns3.reshape(NBLK, RPB)
    dist2 = dist3.reshape(NBLK, RPB)

    c2 = pl.kernel(
        _sc_render,
        out_type=jax.ShapeDtypeStruct((NBLK, RPB), jnp.float32),
        mesh=plsc.VectorSubcoreMesh(core_axis_name="c", subcore_axis_name="s"),
        scratch_types=[
            pltpu.VMEM((CAP_S * RPB,), jnp.int32),
            pltpu.VMEM((CAP_S * RPB,), jnp.float32),
            pltpu.VMEM((RPB,), jnp.int32),
            pltpu.VMEM((RPB,), jnp.float32),
            pltpu.VMEM((CAP_S * RPB,), jnp.int32),
            pltpu.VMEM((CAP_S * RPB,), jnp.float32),
            pltpu.VMEM((RPB,), jnp.int32),
            pltpu.VMEM((RPB,), jnp.float32),
            pltpu.VMEM((RPB,), jnp.float32),
            pltpu.SemaphoreType.DMA,
            pltpu.SemaphoreType.DMA,
        ],
    )(table, idx, ns2, dist2)

    c = c2.reshape(N_RAYS)
    return jnp.stack([c, c, c, 1.0 - c], axis=1)

# --- scband reference (transcript-rebuilt; emitter-appended) ---
"""Pipeline reference for scband-volume-renderer-module-1675037245903 (READ-ONLY COPY).

The authoritative reference and input builder live on the scoring server;
editing this copy changes nothing except your own understanding.
"""

import jax, jax.numpy as jnp
import numpy as np

GRID = 128
MAX_S = 256
PI = np.pi
N_RAYS = 8192


def _forward(w_sigma, w_rgb, rays):
    o = rays[:, 0:3]
    d_raw = rays[:, 3:6]
    d = d_raw / jnp.sqrt(jnp.sum(d_raw * d_raw, axis=1, keepdims=True))
    # ray-AABB slab intersection with box [-1.5, 1.5]^3
    zero = d == 0.0
    safe_d = jnp.where(zero, 1.0, d)
    big = 1e30
    i1 = jnp.where(zero, -big, (-1.5 - o) / safe_d)
    i2 = jnp.where(zero, big, (1.5 - o) / safe_d)
    nn = jnp.minimum(i1, i2)
    ff = jnp.maximum(i1, i2)
    near = jnp.max(nn, axis=1)
    far = jnp.min(ff, axis=1)
    inside = (o >= -1.5) & (o <= 1.5)
    ok = jnp.all(jnp.logical_or(~zero, inside), axis=1)
    isect = (near <= far) & ok
    # generate_samples: num_samples = int(min((far-near)*32, 256)) (trunc cast)
    ns = jnp.where(isect, jnp.minimum((far - near) * 32.0, 256.0).astype(jnp.int32), 0)
    j = jnp.arange(MAX_S)
    mask = j[None, :] < ns[:, None]
    ns_f = jnp.maximum(ns, 1).astype(jnp.float32)
    t = near[:, None] + (far - near)[:, None] * (j[None, :].astype(jnp.float32) + 0.5) / ns_f[:, None]
    pos = (o[:, None, :] + d[:, None, :] * t[:, :, None]) / 1.5 * 0.5 + 0.5
    dists = jnp.broadcast_to(((far - near) / ns_f)[:, None], (rays.shape[0], MAX_S))
    # volume_interp: floor to voxel index, clamp, gather sigma + SH coeffs
    p = pos * GRID
    ipos = jnp.clip(jnp.floor(p).astype(jnp.int32), 0, GRID - 1)
    ix, iy, iz = ipos[..., 0], ipos[..., 1], ipos[..., 2]
    sigma = w_sigma[ix, iy, iz]  # [N, S]
    sh = w_rgb[ix, iy, iz]  # [N, S, 3, 9]
    # l2 spherical harmonics evaluated at the UNNORMALIZED input direction (as in original)
    x, y, z = d_raw[:, 0], d_raw[:, 1], d_raw[:, 2]
    basis = jnp.stack([
        jnp.full_like(x, float(np.sqrt(1.0 / (4.0 * PI)))),
        float(np.sqrt(3.0 / (4.0 * PI))) * x,
        float(np.sqrt(3.0 / (4.0 * PI))) * y,
        float(np.sqrt(3.0 / (4.0 * PI))) * z,
        float(np.sqrt(15.0 / (4.0 * PI))) * x * y,
        float(np.sqrt(15.0 / (4.0 * PI))) * y * z,
        float(np.sqrt(5.0 / (16.0 * PI))) * (3.0 * z ** 2 - 1.0),
        float(np.sqrt(15.0 / (8.0 * PI))) * x * z,
        float(np.sqrt(15.0 / (32.0 * PI))) * (x ** 2 - y ** 2),
    ], axis=1)  # [N, 9]
    rgb = jnp.einsum('nscj,nj->nsc', sh, basis)
    sample = jnp.maximum(0.0, jnp.concatenate([rgb, sigma[..., None]], axis=-1))  # [N,S,4]
    # volume_render (faithful to original, including alpha = 1 - exp(+sigma*dist) and color *= (1+weight))
    alpha = 1.0 - jnp.exp(sample[..., 3] * dists)
    one_minus = jnp.where(mask, 1.0 - alpha, 1.0)
    cumprod = jnp.cumprod(one_minus, axis=1)  # includes current step, matching update order
    weight = jnp.where(mask, alpha * cumprod, 0.0)
    c = jnp.prod(1.0 + weight, axis=1)
    out = jnp.stack([c, c, c, 1.0 - c], axis=1)
    return out


def setup_inputs(seed: int = 0) -> dict:
    key = jax.random.key(seed)
    k1, k2, k3 = jax.random.split(key, 3)
    w_sigma = jax.random.normal(k1, (GRID, GRID, GRID), dtype=jnp.float32)
    w_rgb = jax.random.normal(k2, (GRID, GRID, GRID, 3, 9), dtype=jnp.float32)
    rays = jax.random.normal(k3, (N_RAYS, 6), dtype=jnp.float32)
    return {"w_sigma": w_sigma, "w_rgb": w_rgb, "rays": rays}


def reference(w_sigma, w_rgb, rays):
    return _forward(w_sigma, w_rgb, rays)

if __name__ == "__main__":
    import jax
    _d = setup_inputs()
    print(jax.jit(kernel)(*tuple(_d.values())))

</pallas_src>

<mosaic_0001>
#map = affine_map<(d0, d1) -> (0)>
#map1 = affine_map<(d0, d1) -> (0, 0)>
module attributes {stable_mosaic.version = 14 : i64} {
  func.func @_sc_render(%arg0: i32, %arg1: i32, %arg2: memref<2097152xf32, #tpu.memory_space<hbm>>, %arg3: memref<64x21504xi32, #tpu.memory_space<hbm>>, %arg4: memref<64x128xi32, #tpu.memory_space<hbm>>, %arg5: memref<64x128xf32, #tpu.memory_space<hbm>>, %arg6: memref<64x128xf32, #tpu.memory_space<hbm>>, %arg7: memref<21504xi32, #tpu.memory_space<vmem>>, %arg8: memref<21504xf32, #tpu.memory_space<vmem>>, %arg9: memref<128xi32, #tpu.memory_space<vmem>>, %arg10: memref<128xf32, #tpu.memory_space<vmem>>, %arg11: memref<21504xi32, #tpu.memory_space<vmem>>, %arg12: memref<21504xf32, #tpu.memory_space<vmem>>, %arg13: memref<128xi32, #tpu.memory_space<vmem>>, %arg14: memref<128xf32, #tpu.memory_space<vmem>>, %arg15: memref<128xf32, #tpu.memory_space<vmem>>, %arg16: memref<!tpu.dma_semaphore, #tpu.memory_space<semaphore_mem>>, %arg17: memref<!tpu.dma_semaphore, #tpu.memory_space<semaphore_mem>>) attributes {dimension_semantics = [#tpu.dimension_semantics<core_parallel>, #tpu.dimension_semantics<subcore_parallel>], iteration_bounds = array<i64: 2, 16>, scalar_prefetch = 0 : i64, scratch_operands = 11 : i64, tpu.core_type = #tpu.core_type<sc_vector_subcore>, window_params = [{transform_indices = #map}, {transform_indices = #map1}, {transform_indices = #map1}, {transform_indices = #map1}, {transform_indices = #map1}]} {
    %mul3A = arith.constant 2 : i32
    %mul3A_0 = arith.muli %arg1, %mul3A : i32
    %add3A = arith.addi %mul3A_0, %arg0 : i32
    %mul3A_1 = arith.constant 2 : i32
    %mul3A_2 = arith.muli %add3A, %mul3A_1 : i32
    %mul3A_3 = arith.constant 2 : i32
    %mul3A_4 = arith.muli %add3A, %mul3A_3 : i32
    %add3A_5 = arith.constant 1 : i32
    %add3A_6 = arith.addi %mul3A_4, %add3A_5 : i32
    "tpu.region"() ({
      %run_scoped3A = tpu.sem_alloc : memref<!tpu.dma_semaphore, #tpu.memory_space<semaphore_mem>>
      %dma_start3A = arith.constant 0 : i32
      %dma_start3A_397 = tpu.memref_slice %arg3[%mul3A_2, %dma_start3A] : memref<64x21504xi32, #tpu.memory_space<hbm>> -> memref<1x21504xi32, #tpu.memory_space<hbm>>
      %dma_start3A_398 = tpu.memref_squeeze %dma_start3A_397 : memref<1x21504xi32, #tpu.memory_space<hbm>> -> memref<21504xi32, #tpu.memory_space<hbm>>
      %dma_start3A_399 = arith.constant 0 : i32
      %dma_start3A_400 = tpu.memref_slice %arg3[%mul3A_2, %dma_start3A_399] : memref<64x21504xi32, #tpu.memory_space<hbm>> -> memref<1x21504xi32, #tpu.memory_space<hbm>>
      %dma_start3A_401 = tpu.memref_squeeze %dma_start3A_400 : memref<1x21504xi32, #tpu.memory_space<hbm>> -> memref<21504xi32, #tpu.memory_space<hbm>>
      tpu.enqueue_dma source(%dma_start3A_401 : memref<21504xi32, #tpu.memory_space<hbm>>) target(%arg7 : memref<21504xi32, #tpu.memory_space<vmem>>) target_semaphore(%run_scoped3A : memref<!tpu.dma_semaphore, #tpu.memory_space<semaphore_mem>>)
      %dma_wait3A = arith.constant 0 : i32
      %dma_wait3A_402 = tpu.memref_slice %arg3[%mul3A_2, %dma_wait3A] : memref<64x21504xi32, #tpu.memory_space<hbm>> -> memref<1x21504xi32, #tpu.memory_space<hbm>>
      %dma_wait3A_403 = tpu.memref_squeeze %dma_wait3A_402 : memref<1x21504xi32, #tpu.memory_space<hbm>> -> memref<21504xi32, #tpu.memory_space<hbm>>
      %dma_wait3A_404 = arith.constant 0 : i32
      %dma_wait3A_405 = tpu.memref_slice %arg3[%mul3A_2, %dma_wait3A_404] : memref<64x21504xi32, #tpu.memory_space<hbm>> -> memref<1x21504xi32, #tpu.memory_space<hbm>>
      %dma_wait3A_406 = tpu.memref_squeeze %dma_wait3A_405 : memref<1x21504xi32, #tpu.memory_space<hbm>> -> memref<21504xi32, #tpu.memory_space<hbm>>
      tpu.wait_dma2 semaphore(%run_scoped3A : memref<!tpu.dma_semaphore, #tpu.memory_space<semaphore_mem>>) src(%dma_wait3A_406 : memref<21504xi32, #tpu.memory_space<hbm>>) dst(%arg7 : memref<21504xi32, #tpu.memory_space<vmem>>)
      tpu.yield
    }) : () -> ()
    "tpu.region"() ({
      %run_scoped3A = tpu.sem_alloc : memref<!tpu.dma_semaphore, #tpu.memory_space<semaphore_mem>>
      %dma_start3A = arith.constant 0 : i32
      %dma_start3A_397 = tpu.memref_slice %arg4[%mul3A_2, %dma_start3A] : memref<64x128xi32, #tpu.memory_space<hbm>> -> memref<1x128xi32, #tpu.memory_space<hbm>>
      %dma_start3A_398 = tpu.memref_squeeze %dma_start3A_397 : memref<1x128xi32, #tpu.memory_space<hbm>> -> memref<128xi32, #tpu.memory_space<hbm>>
      %dma_start3A_399 = arith.constant 0 : i32
      %dma_start3A_400 = tpu.memref_slice %arg4[%mul3A_2, %dma_start3A_399] : memref<64x128xi32, #tpu.memory_space<hbm>> -> memref<1x128xi32, #tpu.memory_space<hbm>>
      %dma_start3A_401 = tpu.memref_squeeze %dma_start3A_400 : memref<1x128xi32, #tpu.memory_space<hbm>> -> memref<128xi32, #tpu.memory_space<hbm>>
      tpu.enqueue_dma source(%dma_start3A_401 : memref<128xi32, #tpu.memory_space<hbm>>) target(%arg9 : memref<128xi32, #tpu.memory_space<vmem>>) target_semaphore(%run_scoped3A : memref<!tpu.dma_semaphore, #tpu.memory_space<semaphore_mem>>)
      %dma_wait3A = arith.constant 0 : i32
      %dma_wait3A_402 = tpu.memref_slice %arg4[%mul3A_2, %dma_wait3A] : memref<64x128xi32, #tpu.memory_space<hbm>> -> memref<1x128xi32, #tpu.memory_space<hbm>>
      %dma_wait3A_403 = tpu.memref_squeeze %dma_wait3A_402 : memref<1x128xi32, #tpu.memory_space<hbm>> -> memref<128xi32, #tpu.memory_space<hbm>>
      %dma_wait3A_404 = arith.constant 0 : i32
      %dma_wait3A_405 = tpu.memref_slice %arg4[%mul3A_2, %dma_wait3A_404] : memref<64x128xi32, #tpu.memory_space<hbm>> -> memref<1x128xi32, #tpu.memory_space<hbm>>
      %dma_wait3A_406 = tpu.memref_squeeze %dma_wait3A_405 : memref<1x128xi32, #tpu.memory_space<hbm>> -> memref<128xi32, #tpu.memory_space<hbm>>
      tpu.wait_dma2 semaphore(%run_scoped3A : memref<!tpu.dma_semaphore, #tpu.memory_space<semaphore_mem>>) src(%dma_wait3A_406 : memref<128xi32, #tpu.memory_space<hbm>>) dst(%arg9 : memref<128xi32, #tpu.memory_space<vmem>>)
      tpu.yield
    }) : () -> ()
    "tpu.region"() ({
      %run_scoped3A = tpu.sem_alloc : memref<!tpu.dma_semaphore, #tpu.memory_space<semaphore_mem>>
      %dma_start3A = arith.constant 0 : i32
      %dma_start3A_397 = tpu.memref_slice %arg5[%mul3A_2, %dma_start3A] : memref<64x128xf32, #tpu.memory_space<hbm>> -> memref<1x128xf32, #tpu.memory_space<hbm>>
      %dma_start3A_398 = tpu.memref_squeeze %dma_start3A_397 : memref<1x128xf32, #tpu.memory_space<hbm>> -> memref<128xf32, #tpu.memory_space<hbm>>
      %dma_start3A_399 = arith.constant 0 : i32
      %dma_start3A_400 = tpu.memref_slice %arg5[%mul3A_2, %dma_start3A_399] : memref<64x128xf32, #tpu.memory_space<hbm>> -> memref<1x128xf32, #tpu.memory_space<hbm>>
      %dma_start3A_401 = tpu.memref_squeeze %dma_start3A_400 : memref<1x128xf32, #tpu.memory_space<hbm>> -> memref<128xf32, #tpu.memory_space<hbm>>
      tpu.enqueue_dma source(%dma_start3A_401 : memref<128xf32, #tpu.memory_space<hbm>>) target(%arg10 : memref<128xf32, #tpu.memory_space<vmem>>) target_semaphore(%run_scoped3A : memref<!tpu.dma_semaphore, #tpu.memory_space<semaphore_mem>>)
      %dma_wait3A = arith.constant 0 : i32
      %dma_wait3A_402 = tpu.memref_slice %arg5[%mul3A_2, %dma_wait3A] : memref<64x128xf32, #tpu.memory_space<hbm>> -> memref<1x128xf32, #tpu.memory_space<hbm>>
      %dma_wait3A_403 = tpu.memref_squeeze %dma_wait3A_402 : memref<1x128xf32, #tpu.memory_space<hbm>> -> memref<128xf32, #tpu.memory_space<hbm>>
      %dma_wait3A_404 = arith.constant 0 : i32
      %dma_wait3A_405 = tpu.memref_slice %arg5[%mul3A_2, %dma_wait3A_404] : memref<64x128xf32, #tpu.memory_space<hbm>> -> memref<1x128xf32, #tpu.memory_space<hbm>>
      %dma_wait3A_406 = tpu.memref_squeeze %dma_wait3A_405 : memref<1x128xf32, #tpu.memory_space<hbm>> -> memref<128xf32, #tpu.memory_space<hbm>>
      tpu.wait_dma2 semaphore(%run_scoped3A : memref<!tpu.dma_semaphore, #tpu.memory_space<semaphore_mem>>) src(%dma_wait3A_406 : memref<128xf32, #tpu.memory_space<hbm>>) dst(%arg10 : memref<128xf32, #tpu.memory_space<vmem>>)
      tpu.yield
    }) : () -> ()
    %get3A = arith.constant 0 : index
    %get3A_7 = tpu.vector_load %arg9[%get3A] {strides = array<i32>} : memref<128xi32, #tpu.memory_space<vmem>>, vector<16xi32>,
    %get3A_8 = vector.shape_cast %get3A_7 : vector<16xi32> to vector<16xi32>
    %get3A_9 = arith.constant 16 : index
    %get3A_10 = tpu.vector_load %arg9[%get3A_9] {strides = array<i32>} : memref<128xi32, #tpu.memory_space<vmem>>, vector<16xi32>,
    %get3A_11 = vector.shape_cast %get3A_10 : vector<16xi32> to vector<16xi32>
    %max3A = arith.maxsi %get3A_8, %get3A_11 : vector<16xi32>
    %get3A_12 = arith.constant 32 : index
    %get3A_13 = tpu.vector_load %arg9[%get3A_12] {strides = array<i32>} : memref<128xi32, #tpu.memory_space<vmem>>, vector<16xi32>,
    %get3A_14 = vector.shape_cast %get3A_13 : vector<16xi32> to vector<16xi32>
    %max3A_15 = arith.maxsi %max3A, %get3A_14 : vector<16xi32>
    %get3A_16 = arith.constant 48 : index
    %get3A_17 = tpu.vector_load %arg9[%get3A_16] {strides = array<i32>} : memref<128xi32, #tpu.memory_space<vmem>>, vector<16xi32>,
    %get3A_18 = vector.shape_cast %get3A_17 : vector<16xi32> to vector<16xi32>
    %max3A_19 = arith.maxsi %max3A_15, %get3A_18 : vector<16xi32>
    %get3A_20 = arith.constant 64 : index
    %get3A_21 = tpu.vector_load %arg9[%get3A_20] {strides = array<i32>} : memref<128xi32, #tpu.memory_space<vmem>>, vector<16xi32>,
    %get3A_22 = vector.shape_cast %get3A_21 : vector<16xi32> to vector<16xi32>
    %max3A_23 = arith.maxsi %max3A_19, %get3A_22 : vector<16xi32>
    %get3A_24 = arith.constant 80 : index
    %get3A_25 = tpu.vector_load %arg9[%get3A_24] {strides = array<i32>} : memref<128xi32, #tpu.memory_space<vmem>>, vector<16xi32>,
    %get3A_26 = vector.shape_cast %get3A_25 : vector<16xi32> to vector<16xi32>
    %max3A_27 = arith.maxsi %max3A_23, %get3A_26 : vector<16xi32>
    %get3A_28 = arith.constant 96 : index
    %get3A_29 = tpu.vector_load %arg9[%get3A_28] {strides = array<i32>} : memref<128xi32, #tpu.memory_space<vmem>>, vector<16xi32>,
    %get3A_30 = vector.shape_cast %get3A_29 : vector<16xi32> to vector<16xi32>
    %max3A_31 = arith.maxsi %max3A_27, %get3A_30 : vector<16xi32>
    %get3A_32 = arith.constant 112 : index
    %get3A_33 = tpu.vector_load %arg9[%get3A_32] {strides = array<i32>} : memref<128xi32, #tpu.memory_space<vmem>>, vector<16xi32>,
    %get3A_34 = vector.shape_cast %get3A_33 : vector<16xi32> to vector<16xi32>
    %max3A_35 = arith.maxsi %max3A_31, %get3A_34 : vector<16xi32>
    %slice3A = vector.extract_strided_slice %max3A_35 {offsets = [0], sizes = [1], strides = [1]} : vector<16xi32> to vector<1xi32>
    %squeeze3A = vector.extract %slice3A[0] : i32 from vector<1xi32>
    %slice3A_36 = vector.extract_strided_slice %max3A_35 {offsets = [1], sizes = [1], strides = [1]} : vector<16xi32> to vector<1xi32>
    %squeeze3A_37 = vector.extract %slice3A_36[0] : i32 from vector<1xi32>
    %max3A_38 = arith.maxsi %squeeze3A, %squeeze3A_37 : i32
    %slice3A_39 = vector.extract_strided_slice %max3A_35 {offsets = [2], sizes = [1], strides = [1]} : vector<16xi32> to vector<1xi32>
    %squeeze3A_40 = vector.extract %slice3A_39[0] : i32 from vector<1xi32>
    %max3A_41 = arith.maxsi %max3A_38, %squeeze3A_40 : i32
    %slice3A_42 = vector.extract_strided_slice %max3A_35 {offsets = [3], sizes = [1], strides = [1]} : vector<16xi32> to vector<1xi32>
    %squeeze3A_43 = vector.extract %slice3A_42[0] : i32 from vector<1xi32>
    %max3A_44 = arith.maxsi %max3A_41, %squeeze3A_43 : i32
    %slice3A_45 = vector.extract_strided_slice %max3A_35 {offsets = [4], sizes = [1], strides = [1]} : vector<16xi32> to vector<1xi32>
    %squeeze3A_46 = vector.extract %slice3A_45[0] : i32 from vector<1xi32>
    %max3A_47 = arith.maxsi %max3A_44, %squeeze3A_46 : i32
    %slice3A_48 = vector.extract_strided_slice %max3A_35 {offsets = [5], sizes = [1], strides = [1]} : vector<16xi32> to vector<1xi32>
    %squeeze3A_49 = vector.extract %slice3A_48[0] : i32 from vector<1xi32>
    %max3A_50 = arith.maxsi %max3A_47, %squeeze3A_49 : i32
    %slice3A_51 = vector.extract_strided_slice %max3A_35 {offsets = [6], sizes = [1], strides = [1]} : vector<16xi32> to vector<1xi32>
    %squeeze3A_52 = vector.extract %slice3A_51[0] : i32 from vector<1xi32>
    %max3A_53 = arith.maxsi %max3A_50, %squeeze3A_52 : i32
    %slice3A_54 = vector.extract_strided_slice %max3A_35 {offsets = [7], sizes = [1], strides = [1]} : vector<16xi32> to vector<1xi32>
    %squeeze3A_55 = vector.extract %slice3A_54[0] : i32 from vector<1xi32>
    %max3A_56 = arith.maxsi %max3A_53, %squeeze3A_55 : i32
    %slice3A_57 = vector.extract_strided_slice %max3A_35 {offsets = [8], sizes = [1], strides = [1]} : vector<16xi32> to vector<1xi32>
    %squeeze3A_58 = vector.extract %slice3A_57[0] : i32 from vector<1xi32>
    %max3A_59 = arith.maxsi %max3A_56, %squeeze3A_58 : i32
    %slice3A_60 = vector.extract_strided_slice %max3A_35 {offsets = [9], sizes = [1], strides = [1]} : vector<16xi32> to vector<1xi32>
    %squeeze3A_61 = vector.extract %slice3A_60[0] : i32 from vector<1xi32>
    %max3A_62 = arith.maxsi %max3A_59, %squeeze3A_61 : i32
    %slice3A_63 = vector.extract_strided_slice %max3A_35 {offsets = [10], sizes = [1], strides = [1]} : vector<16xi32> to vector<1xi32>
    %squeeze3A_64 = vector.extract %slice3A_63[0] : i32 from vector<1xi32>
    %max3A_65 = arith.maxsi %max3A_62, %squeeze3A_64 : i32
    %slice3A_66 = vector.extract_strided_slice %max3A_35 {offsets = [11], sizes = [1], strides = [1]} : vector<16xi32> to vector<1xi32>
    %squeeze3A_67 = vector.extract %slice3A_66[0] : i32 from vector<1xi32>
    %max3A_68 = arith.maxsi %max3A_65, %squeeze3A_67 : i32
    %slice3A_69 = vector.extract_strided_slice %max3A_35 {offsets = [12], sizes = [1], strides = [1]} : vector<16xi32> to vector<1xi32>
    %squeeze3A_70 = vector.extract %slice3A_69[0] : i32 from vector<1xi32>
    %max3A_71 = arith.maxsi %max3A_68, %squeeze3A_70 : i32
    %slice3A_72 = vector.extract_strided_slice %max3A_35 {offsets = [13], sizes = [1], strides = [1]} : vector<16xi32> to vector<1xi32>
    %squeeze3A_73 = vector.extract %slice3A_72[0] : i32 from vector<1xi32>
    %max3A_74 = arith.maxsi %max3A_71, %squeeze3A_73 : i32
    %slice3A_75 = vector.extract_strided_slice %max3A_35 {offsets = [14], sizes = [1], strides = [1]} : vector<16xi32> to vector<1xi32>
    %squeeze3A_76 = vector.extract %slice3A_75[0] : i32 from vector<1xi32>
    %max3A_77 = arith.maxsi %max3A_74, %squeeze3A_76 : i32
    %slice3A_78 = vector.extract_strided_slice %max3A_35 {offsets = [15], sizes = [1], strides = [1]} : vector<16xi32> to vector<1xi32>
    %squeeze3A_79 = vector.extract %slice3A_78[0] : i32 from vector<1xi32>
    %max3A_80 = arith.maxsi %max3A_77, %squeeze3A_79 : i32
    %add3A_81 = arith.constant 7 : i32
    %add3A_82 = arith.addi %max3A_80, %add3A_81 : i32
    %shift_right_arithmetic3A = arith.constant 3 : i32
    %shift_right_arithmetic3A_83 = arith.shrsi %add3A_82, %shift_right_arithmetic3A : i32
    %while3A = arith.constant 0 : i32
    %while3A_84 = arith.constant 0 : i32
    %while3A_85 = arith.subi %shift_right_arithmetic3A_83, %while3A : i32
    %while3A_86 = arith.addi %while3A, %while3A_85 : i32
    %while3A_87 = arith.constant 1 : i32
    %while3A_88 = arith.divsi %while3A_85, %while3A_87 : i32
    %while3A_89 = arith.muli %while3A_88, %while3A_87 : i32
    %while3A_90 = arith.addi %while3A, %while3A_89 : i32
    %while3A_91 = arith.constant 1 : i32
    %while3A_92 = scf.for %while3A_397 = %while3A to %while3A_90 step %while3A_91 iter_args(%while3A_398 = %while3A_84) -> (i32)  : i32 {
      %mul3A_399 = arith.constant 1024 : i32
      %mul3A_400 = arith.muli %while3A_397, %mul3A_399 : i32
      %mul3A_401 = arith.constant 1024 : i32
      %mul3A_402 = arith.muli %while3A_397, %mul3A_401 : i32
      %dma_start3A = tpu.memref_slice %arg8[%mul3A_402] : memref<21504xf32, #tpu.memory_space<vmem>> -> memref<1024xf32, #tpu.memory_space<vmem>>
      %dma_start3A_403 = tpu.memref_slice %arg7[%mul3A_400] : memref<21504xi32, #tpu.memory_space<vmem>> -> memref<1024xi32, #tpu.memory_space<vmem>>
      %dma_start3A_404 = arith.constant 0 : i32
      %dma_start3A_405 = tpu.memref_slice %arg2[%dma_start3A_404] : memref<2097152xf32, #tpu.memory_space<hbm>> -> memref<2097152xf32, #tpu.memory_space<hbm>>
      tpu.enqueue_indirect_dma source(%dma_start3A_405 : memref<2097152xf32, #tpu.memory_space<hbm>>) target(%dma_start3A : memref<1024xf32, #tpu.memory_space<vmem>>) offsets(%dma_start3A_403 : memref<1024xi32, #tpu.memory_space<vmem>>) semaphore(%arg16 : memref<!tpu.dma_semaphore, #tpu.memory_space<semaphore_mem>>)
      %while3A_406 = arith.constant 0 : i32
      scf.yield %while3A_406 : i32
    }
    %while3A_93 = arith.constant 1 : i32
    %while3A_94 = scf.for %while3A_397 = %while3A_90 to %while3A_86 step %while3A_93 iter_args(%while3A_398 = %while3A_92) -> (i32)  : i32 {
      %mul3A_399 = arith.constant 1024 : i32
      %mul3A_400 = arith.muli %while3A_397, %mul3A_399 : i32
      %mul3A_401 = arith.constant 1024 : i32
      %mul3A_402 = arith.muli %while3A_397, %mul3A_401 : i32
      %dma_start3A = tpu.memref_slice %arg8[%mul3A_402] : memref<21504xf32, #tpu.memory_space<vmem>> -> memref<1024xf32, #tpu.memory_space<vmem>>
      %dma_start3A_403 = tpu.memref_slice %arg7[%mul3A_400] : memref<21504xi32, #tpu.memory_space<vmem>> -> memref<1024xi32, #tpu.memory_space<vmem>>
      %dma_start3A_404 = arith.constant 0 : i32
      %dma_start3A_405 = tpu.memref_slice %arg2[%dma_start3A_404] : memref<2097152xf32, #tpu.memory_space<hbm>> -> memref<2097152xf32, #tpu.memory_space<hbm>>
      tpu.enqueue_indirect_dma source(%dma_start3A_405 : memref<2097152xf32, #tpu.memory_space<hbm>>) target(%dma_start3A : memref<1024xf32, #tpu.memory_space<vmem>>) offsets(%dma_start3A_403 : memref<1024xi32, #tpu.memory_space<vmem>>) semaphore(%arg16 : memref<!tpu.dma_semaphore, #tpu.memory_space<semaphore_mem>>)
      %while3A_406 = arith.constant 0 : i32
      scf.yield %while3A_406 : i32
    }
    "tpu.region"() ({
      %run_scoped3A = tpu.sem_alloc : memref<!tpu.dma_semaphore, #tpu.memory_space<semaphore_mem>>
      %dma_start3A = arith.constant 0 : i32
      %dma_start3A_397 = tpu.memref_slice %arg3[%add3A_6, %dma_start3A] : memref<64x21504xi32, #tpu.memory_space<hbm>> -> memref<1x21504xi32, #tpu.memory_space<hbm>>
      %dma_start3A_398 = tpu.memref_squeeze %dma_start3A_397 : memref<1x21504xi32, #tpu.memory_space<hbm>> -> memref<21504xi32, #tpu.memory_space<hbm>>
      %dma_start3A_399 = arith.constant 0 : i32
      %dma_start3A_400 = tpu.memref_slice %arg3[%add3A_6, %dma_start3A_399] : memref<64x21504xi32, #tpu.memory_space<hbm>> -> memref<1x21504xi32, #tpu.memory_space<hbm>>
      %dma_start3A_401 = tpu.memref_squeeze %dma_start3A_400 : memref<1x21504xi32, #tpu.memory_space<hbm>> -> memref<21504xi32, #tpu.memory_space<hbm>>
      tpu.enqueue_dma source(%dma_start3A_401 : memref<21504xi32, #tpu.memory_space<hbm>>) target(%arg11 : memref<21504xi32, #tpu.memory_space<vmem>>) target_semaphore(%run_scoped3A : memref<!tpu.dma_semaphore, #tpu.memory_space<semaphore_mem>>)
      %dma_wait3A = arith.constant 0 : i32
      %dma_wait3A_402 = tpu.memref_slice %arg3[%add3A_6, %dma_wait3A] : memref<64x21504xi32, #tpu.memory_space<hbm>> -> memref<1x21504xi32, #tpu.memory_space<hbm>>
      %dma_wait3A_403 = tpu.memref_squeeze %dma_wait3A_402 : memref<1x21504xi32, #tpu.memory_space<hbm>> -> memref<21504xi32, #tpu.memory_space<hbm>>
      %dma_wait3A_404 = arith.constant 0 : i32
      %dma_wait3A_405 = tpu.memref_slice %arg3[%add3A_6, %dma_wait3A_404] : memref<64x21504xi32, #tpu.memory_space<hbm>> -> memref<1x21504xi32, #tpu.memory_space<hbm>>
      %dma_wait3A_406 = tpu.memref_squeeze %dma_wait3A_405 : memref<1x21504xi32, #tpu.memory_space<hbm>> -> memref<21504xi32, #tpu.memory_space<hbm>>
      tpu.wait_dma2 semaphore(%run_scoped3A : memref<!tpu.dma_semaphore, #tpu.memory_space<semaphore_mem>>) src(%dma_wait3A_406 : memref<21504xi32, #tpu.memory_space<hbm>>) dst(%arg11 : memref<21504xi32, #tpu.memory_space<vmem>>)
      tpu.yield
    }) : () -> ()
    "tpu.region"() ({
      %run_scoped3A = tpu.sem_alloc : memref<!tpu.dma_semaphore, #tpu.memory_space<semaphore_mem>>
      %dma_start3A = arith.constant 0 : i32
      %dma_start3A_397 = tpu.memref_slice %arg4[%add3A_6, %dma_start3A] : memref<64x128xi32, #tpu.memory_space<hbm>> -> memref<1x128xi32, #tpu.memory_space<hbm>>
      %dma_start3A_398 = tpu.memref_squeeze %dma_start3A_397 : memref<1x128xi32, #tpu.memory_space<hbm>> -> memref<128xi32, #tpu.memory_space<hbm>>
      %dma_start3A_399 = arith.constant 0 : i32
      %dma_start3A_400 = tpu.memref_slice %arg4[%add3A_6, %dma_start3A_399] : memref<64x128xi32, #tpu.memory_space<hbm>> -> memref<1x128xi32, #tpu.memory_space<hbm>>
      %dma_start3A_401 = tpu.memref_squeeze %dma_start3A_400 : memref<1x128xi32, #tpu.memory_space<hbm>> -> memref<128xi32, #tpu.memory_space<hbm>>
      tpu.enqueue_dma source(%dma_start3A_401 : memref<128xi32, #tpu.memory_space<hbm>>) target(%arg13 : memref<128xi32, #tpu.memory_space<vmem>>) target_semaphore(%run_scoped3A : memref<!tpu.dma_semaphore, #tpu.memory_space<semaphore_mem>>)
      %dma_wait3A = arith.constant 0 : i32
      %dma_wait3A_402 = tpu.memref_slice %arg4[%add3A_6, %dma_wait3A] : memref<64x128xi32, #tpu.memory_space<hbm>> -> memref<1x128xi32, #tpu.memory_space<hbm>>
      %dma_wait3A_403 = tpu.memref_squeeze %dma_wait3A_402 : memref<1x128xi32, #tpu.memory_space<hbm>> -> memref<128xi32, #tpu.memory_space<hbm>>
      %dma_wait3A_404 = arith.constant 0 : i32
      %dma_wait3A_405 = tpu.memref_slice %arg4[%add3A_6, %dma_wait3A_404] : memref<64x128xi32, #tpu.memory_space<hbm>> -> memref<1x128xi32, #tpu.memory_space<hbm>>
      %dma_wait3A_406 = tpu.memref_squeeze %dma_wait3A_405 : memref<1x128xi32, #tpu.memory_space<hbm>> -> memref<128xi32, #tpu.memory_space<hbm>>
      tpu.wait_dma2 semaphore(%run_scoped3A : memref<!tpu.dma_semaphore, #tpu.memory_space<semaphore_mem>>) src(%dma_wait3A_406 : memref<128xi32, #tpu.memory_space<hbm>>) dst(%arg13 : memref<128xi32, #tpu.memory_space<vmem>>)
      tpu.yield
    }) : () -> ()
    "tpu.region"() ({
      %run_scoped3A = tpu.sem_alloc : memref<!tpu.dma_semaphore, #tpu.memory_space<semaphore_mem>>
      %dma_start3A = arith.constant 0 : i32
      %dma_start3A_397 = tpu.memref_slice %arg5[%add3A_6, %dma_start3A] : memref<64x128xf32, #tpu.memory_space<hbm>> -> memref<1x128xf32, #tpu.memory_space<hbm>>
      %dma_start3A_398 = tpu.memref_squeeze %dma_start3A_397 : memref<1x128xf32, #tpu.memory_space<hbm>> -> memref<128xf32, #tpu.memory_space<hbm>>
      %dma_start3A_399 = arith.constant 0 : i32
      %dma_start3A_400 = tpu.memref_slice %arg5[%add3A_6, %dma_start3A_399] : memref<64x128xf32, #tpu.memory_space<hbm>> -> memref<1x128xf32, #tpu.memory_space<hbm>>
      %dma_start3A_401 = tpu.memref_squeeze %dma_start3A_400 : memref<1x128xf32, #tpu.memory_space<hbm>> -> memref<128xf32, #tpu.memory_space<hbm>>
      tpu.enqueue_dma source(%dma_start3A_401 : memref<128xf32, #tpu.memory_space<hbm>>) target(%arg14 : memref<128xf32, #tpu.memory_space<vmem>>) target_semaphore(%run_scoped3A : memref<!tpu.dma_semaphore, #tpu.memory_space<semaphore_mem>>)
      %dma_wait3A = arith.constant 0 : i32
      %dma_wait3A_402 = tpu.memref_slice %arg5[%add3A_6, %dma_wait3A] : memref<64x128xf32, #tpu.memory_space<hbm>> -> memref<1x128xf32, #tpu.memory_space<hbm>>
      %dma_wait3A_403 = tpu.memref_squeeze %dma_wait3A_402 : memref<1x128xf32, #tpu.memory_space<hbm>> -> memref<128xf32, #tpu.memory_space<hbm>>
      %dma_wait3A_404 = arith.constant 0 : i32
      %dma_wait3A_405 = tpu.memref_slice %arg5[%add3A_6, %dma_wait3A_404] : memref<64x128xf32, #tpu.memory_space<hbm>> -> memref<1x128xf32, #tpu.memory_space<hbm>>
      %dma_wait3A_406 = tpu.memref_squeeze %dma_wait3A_405 : memref<1x128xf32, #tpu.memory_space<hbm>> -> memref<128xf32, #tpu.memory_space<hbm>>
      tpu.wait_dma2 semaphore(%run_scoped3A : memref<!tpu.dma_semaphore, #tpu.memory_space<semaphore_mem>>) src(%dma_wait3A_406 : memref<128xf32, #tpu.memory_space<hbm>>) dst(%arg14 : memref<128xf32, #tpu.memory_space<vmem>>)
      tpu.yield
    }) : () -> ()
    %get3A_95 = arith.constant 0 : index
    %get3A_96 = tpu.vector_load %arg13[%get3A_95] {strides = array<i32>} : memref<128xi32, #tpu.memory_space<vmem>>, vector<16xi32>,
    %get3A_97 = vector.shape_cast %get3A_96 : vector<16xi32> to vector<16xi32>
    %get3A_98 = arith.constant 16 : index
    %get3A_99 = tpu.vector_load %arg13[%get3A_98] {strides = array<i32>} : memref<128xi32, #tpu.memory_space<vmem>>, vector<16xi32>,
    %get3A_100 = vector.shape_cast %get3A_99 : vector<16xi32> to vector<16xi32>
    %max3A_101 = arith.maxsi %get3A_97, %get3A_100 : vector<16xi32>
    %get3A_102 = arith.constant 32 : index
    %get3A_103 = tpu.vector_load %arg13[%get3A_102] {strides = array<i32>} : memref<128xi32, #tpu.memory_space<vmem>>, vector<16xi32>,
    %get3A_104 = vector.shape_cast %get3A_103 : vector<16xi32> to vector<16xi32>
    %max3A_105 = arith.maxsi %max3A_101, %get3A_104 : vector<16xi32>
    %get3A_106 = arith.constant 48 : index
    %get3A_107 = tpu.vector_load %arg13[%get3A_106] {strides = array<i32>} : memref<128xi32, #tpu.memory_space<vmem>>, vector<16xi32>,
    %get3A_108 = vector.shape_cast %get3A_107 : vector<16xi32> to vector<16xi32>
    %max3A_109 = arith.maxsi %max3A_105, %get3A_108 : vector<16xi32>
    %get3A_110 = arith.constant 64 : index
    %get3A_111 = tpu.vector_load %arg13[%get3A_110] {strides = array<i32>} : memref<128xi32, #tpu.memory_space<vmem>>, vector<16xi32>,
    %get3A_112 = vector.shape_cast %get3A_111 : vector<16xi32> to vector<16xi32>
    %max3A_113 = arith.maxsi %max3A_109, %get3A_112 : vector<16xi32>
    %get3A_114 = arith.constant 80 : index
    %get3A_115 = tpu.vector_load %arg13[%get3A_114] {strides = array<i32>} : memref<128xi32, #tpu.memory_space<vmem>>, vector<16xi32>,
    %get3A_116 = vector.shape_cast %get3A_115 : vector<16xi32> to vector<16xi32>
    %max3A_117 = arith.maxsi %max3A_113, %get3A_116 : vector<16xi32>
    %get3A_118 = arith.constant 96 : index
    %get3A_119 = tpu.vector_load %arg13[%get3A_118] {strides = array<i32>} : memref<128xi32, #tpu.memory_space<vmem>>, vector<16xi32>,
    %get3A_120 = vector.shape_cast %get3A_119 : vector<16xi32> to vector<16xi32>
    %max3A_121 = arith.maxsi %max3A_117, %get3A_120 : vector<16xi32>
    %get3A_122 = arith.constant 112 : index
    %get3A_123 = tpu.vector_load %arg13[%get3A_122] {strides = array<i32>} : memref<128xi32, #tpu.memory_space<vmem>>, vector<16xi32>,
    %get3A_124 = vector.shape_cast %get3A_123 : vector<16xi32> to vector<16xi32>
    %max3A_125 = arith.maxsi %max3A_121, %get3A_124 : vector<16xi32>
    %slice3A_126 = vector.extract_strided_slice %max3A_125 {offsets = [0], sizes = [1], strides = [1]} : vector<16xi32> to vector<1xi32>
    %squeeze3A_127 = vector.extract %slice3A_126[0] : i32 from vector<1xi32>
    %slice3A_128 = vector.extract_strided_slice %max3A_125 {offsets = [1], sizes = [1], strides = [1]} : vector<16xi32> to vector<1xi32>
    %squeeze3A_129 = vector.extract %slice3A_128[0] : i32 from vector<1xi32>
    %max3A_130 = arith.maxsi %squeeze3A_127, %squeeze3A_129 : i32
    %slice3A_131 = vector.extract_strided_slice %max3A_125 {offsets = [2], sizes = [1], strides = [1]} : vector<16xi32> to vector<1xi32>
    %squeeze3A_132 = vector.extract %slice3A_131[0] : i32 from vector<1xi32>
    %max3A_133 = arith.maxsi %max3A_130, %squeeze3A_132 : i32
    %slice3A_134 = vector.extract_strided_slice %max3A_125 {offsets = [3], sizes = [1], strides = [1]} : vector<16xi32> to vector<1xi32>
    %squeeze3A_135 = vector.extract %slice3A_134[0] : i32 from vector<1xi32>
    %max3A_136 = arith.maxsi %max3A_133, %squeeze3A_135 : i32
    %slice3A_137 = vector.extract_strided_slice %max3A_125 {offsets = [4], sizes = [1], strides = [1]} : vector<16xi32> to vector<1xi32>
    %squeeze3A_138 = vector.extract %slice3A_137[0] : i32 from vector<1xi32>
    %max3A_139 = arith.maxsi %max3A_136, %squeeze3A_138 : i32
    %slice3A_140 = vector.extract_strided_slice %max3A_125 {offsets = [5], sizes = [1], strides = [1]} : vector<16xi32> to vector<1xi32>
    %squeeze3A_141 = vector.extract %slice3A_140[0] : i32 from vector<1xi32>
    %max3A_142 = arith.maxsi %max3A_139, %squeeze3A_141 : i32
    %slice3A_143 = vector.extract_strided_slice %max3A_125 {offsets = [6], sizes = [1], strides = [1]} : vector<16xi32> to vector<1xi32>
    %squeeze3A_144 = vector.extract %slice3A_143[0] : i32 from vector<1xi32>
    %max3A_145 = arith.maxsi %max3A_142, %squeeze3A_144 : i32
    %slice3A_146 = vector.extract_strided_slice %max3A_125 {offsets = [7], sizes = [1], strides = [1]} : vector<16xi32> to vector<1xi32>
    %squeeze3A_147 = vector.extract %slice3A_146[0] : i32 from vector<1xi32>
    %max3A_148 = arith.maxsi %max3A_145, %squeeze3A_147 : i32
    %slice3A_149 = vector.extract_strided_slice %max3A_125 {offsets = [8], sizes = [1], strides = [1]} : vector<16xi32> to vector<1xi32>
    %squeeze3A_150 = vector.extract %slice3A_149[0] : i32 from vector<1xi32>
    %max3A_151 = arith.maxsi %max3A_148, %squeeze3A_150 : i32
    %slice3A_152 = vector.extract_strided_slice %max3A_125 {offsets = [9], sizes = [1], strides = [1]} : vector<16xi32> to vector<1xi32>
    %squeeze3A_153 = vector.extract %slice3A_152[0] : i32 from vector<1xi32>
    %max3A_154 = arith.maxsi %max3A_151, %squeeze3A_153 : i32
    %slice3A_155 = vector.extract_strided_slice %max3A_125 {offsets = [10], sizes = [1], strides = [1]} : vector<16xi32> to vector<1xi32>
    %squeeze3A_156 = vector.extract %slice3A_155[0] : i32 from vector<1xi32>
    %max3A_157 = arith.maxsi %max3A_154, %squeeze3A_156 : i32
    %slice3A_158 = vector.extract_strided_slice %max3A_125 {offsets = [11], sizes = [1], strides = [1]} : vector<16xi32> to vector<1xi32>
    %squeeze3A_159 = vector.extract %slice3A_158[0] : i32 from vector<1xi32>
    %max3A_160 = arith.maxsi %max3A_157, %squeeze3A_159 : i32
    %slice3A_161 = vector.extract_strided_slice %max3A_125 {offsets = [12], sizes = [1], strides = [1]} : vector<16xi32> to vector<1xi32>
    %squeeze3A_162 = vector.extract %slice3A_161[0] : i32 from vector<1xi32>
    %max3A_163 = arith.maxsi %max3A_160, %squeeze3A_162 : i32
    %slice3A_164 = vector.extract_strided_slice %max3A_125 {offsets = [13], sizes = [1], strides = [1]} : vector<16xi32> to vector<1xi32>
    %squeeze3A_165 = vector.extract %slice3A_164[0] : i32 from vector<1xi32>
    %max3A_166 = arith.maxsi %max3A_163, %squeeze3A_165 : i32
    %slice3A_167 = vector.extract_strided_slice %max3A_125 {offsets = [14], sizes = [1], strides = [1]} : vector<16xi32> to vector<1xi32>
    %squeeze3A_168 = vector.extract %slice3A_167[0] : i32 from vector<1xi32>
    %max3A_169 = arith.maxsi %max3A_166, %squeeze3A_168 : i32
    %slice3A_170 = vector.extract_strided_slice %max3A_125 {offsets = [15], sizes = [1], strides = [1]} : vector<16xi32> to vector<1xi32>
    %squeeze3A_171 = vector.extract %slice3A_170[0] : i32 from vector<1xi32>
    %max3A_172 = arith.maxsi %max3A_169, %squeeze3A_171 : i32
    %add3A_173 = arith.constant 7 : i32
    %add3A_174 = arith.addi %max3A_172, %add3A_173 : i32
    %shift_right_arithmetic3A_175 = arith.constant 3 : i32
    %shift_right_arithmetic3A_176 = arith.shrsi %add3A_174, %shift_right_arithmetic3A_175 : i32
    %while3A_177 = arith.constant 0 : i32
    %while3A_178 = arith.constant 0 : i32
    %while3A_179 = arith.subi %shift_right_arithmetic3A_176, %while3A_177 : i32
    %while3A_180 = arith.addi %while3A_177, %while3A_179 : i32
    %while3A_181 = arith.constant 1 : i32
    %while3A_182 = arith.divsi %while3A_179, %while3A_181 : i32
    %while3A_183 = arith.muli %while3A_182, %while3A_181 : i32
    %while3A_184 = arith.addi %while3A_177, %while3A_183 : i32
    %while3A_185 = arith.constant 1 : i32
    %while3A_186 = scf.for %while3A_397 = %while3A_177 to %while3A_184 step %while3A_185 iter_args(%while3A_398 = %while3A_178) -> (i32)  : i32 {
      %mul3A_399 = arith.constant 1024 : i32
      %mul3A_400 = arith.muli %while3A_397, %mul3A_399 : i32
      %mul3A_401 = arith.constant 1024 : i32
      %mul3A_402 = arith.muli %while3A_397, %mul3A_401 : i32
      %dma_start3A = tpu.memref_slice %arg12[%mul3A_402] : memref<21504xf32, #tpu.memory_space<vmem>> -> memref<1024xf32, #tpu.memory_space<vmem>>
      %dma_start3A_403 = tpu.memref_slice %arg11[%mul3A_400] : memref<21504xi32, #tpu.memory_space<vmem>> -> memref<1024xi32, #tpu.memory_space<vmem>>
      %dma_start3A_404 = arith.constant 0 : i32
      %dma_start3A_405 = tpu.memref_slice %arg2[%dma_start3A_404] : memref<2097152xf32, #tpu.memory_space<hbm>> -> memref<2097152xf32, #tpu.memory_space<hbm>>
      tpu.enqueue_indirect_dma source(%dma_start3A_405 : memref<2097152xf32, #tpu.memory_space<hbm>>) target(%dma_start3A : memref<1024xf32, #tpu.memory_space<vmem>>) offsets(%dma_start3A_403 : memref<1024xi32, #tpu.memory_space<vmem>>) semaphore(%arg17 : memref<!tpu.dma_semaphore, #tpu.memory_space<semaphore_mem>>)
      %while3A_406 = arith.constant 0 : i32
      scf.yield %while3A_406 : i32
    }
    %while3A_187 = arith.constant 1 : i32
    %while3A_188 = scf.for %while3A_397 = %while3A_184 to %while3A_180 step %while3A_187 iter_args(%while3A_398 = %while3A_186) -> (i32)  : i32 {
      %mul3A_399 = arith.constant 1024 : i32
      %mul3A_400 = arith.muli %while3A_397, %mul3A_399 : i32
      %mul3A_401 = arith.constant 1024 : i32
      %mul3A_402 = arith.muli %while3A_397, %mul3A_401 : i32
      %dma_start3A = tpu.memref_slice %arg12[%mul3A_402] : memref<21504xf32, #tpu.memory_space<vmem>> -> memref<1024xf32, #tpu.memory_space<vmem>>
      %dma_start3A_403 = tpu.memref_slice %arg11[%mul3A_400] : memref<21504xi32, #tpu.memory_space<vmem>> -> memref<1024xi32, #tpu.memory_space<vmem>>
      %dma_start3A_404 = arith.constant 0 : i32
      %dma_start3A_405 = tpu.memref_slice %arg2[%dma_start3A_404] : memref<2097152xf32, #tpu.memory_space<hbm>> -> memref<2097152xf32, #tpu.memory_space<hbm>>
      tpu.enqueue_indirect_dma source(%dma_start3A_405 : memref<2097152xf32, #tpu.memory_space<hbm>>) target(%dma_start3A : memref<1024xf32, #tpu.memory_space<vmem>>) offsets(%dma_start3A_403 : memref<1024xi32, #tpu.memory_space<vmem>>) semaphore(%arg17 : memref<!tpu.dma_semaphore, #tpu.memory_space<semaphore_mem>>)
      %while3A_406 = arith.constant 0 : i32
      scf.yield %while3A_406 : i32
    }
    %while3A_189 = arith.constant 0 : i32
    %while3A_190 = arith.constant 0 : i32
    %while3A_191 = arith.subi %shift_right_arithmetic3A_83, %while3A_189 : i32
    %while3A_192 = arith.addi %while3A_189, %while3A_191 : i32
    %while3A_193 = arith.constant 1 : i32
    %while3A_194 = arith.divsi %while3A_191, %while3A_193 : i32
    %while3A_195 = arith.muli %while3A_194, %while3A_193 : i32
    %while3A_196 = arith.addi %while3A_189, %while3A_195 : i32
    %while3A_197 = arith.constant 1 : i32
    %while3A_198 = scf.for %while3A_397 = %while3A_189 to %while3A_196 step %while3A_197 iter_args(%while3A_398 = %while3A_190) -> (i32)  : i32 {
      %mul3A_399 = arith.constant 1024 : i32
      %mul3A_400 = arith.muli %while3A_397, %mul3A_399 : i32
      %mul3A_401 = arith.constant 1024 : i32
      %mul3A_402 = arith.muli %while3A_397, %mul3A_401 : i32
      %dma_wait3A = tpu.memref_slice %arg8[%mul3A_402] : memref<21504xf32, #tpu.memory_space<vmem>> -> memref<1024xf32, #tpu.memory_space<vmem>>
      %dma_wait3A_403 = tpu.memref_slice %arg7[%mul3A_400] : memref<21504xi32, #tpu.memory_space<vmem>> -> memref<1024xi32, #tpu.memory_space<vmem>>
      %dma_wait3A_404 = arith.constant 0 : i32
      %dma_wait3A_405 = tpu.memref_slice %arg2[%dma_wait3A_404] : memref<2097152xf32, #tpu.memory_space<hbm>> -> memref<2097152xf32, #tpu.memory_space<hbm>>
      tpu.wait_indirect_dma semaphore(%arg16 : memref<!tpu.dma_semaphore, #tpu.memory_space<semaphore_mem>>) src(%dma_wait3A_405 : memref<2097152xf32, #tpu.memory_space<hbm>>) dst(%dma_wait3A : memref<1024xf32, #tpu.memory_space<vmem>>)
      %while3A_406 = arith.constant 0 : i32
      scf.yield %while3A_406 : i32
    }
    %while3A_199 = arith.constant 1 : i32
    %while3A_200 = scf.for %while3A_397 = %while3A_196 to %while3A_192 step %while3A_199 iter_args(%while3A_398 = %while3A_198) -> (i32)  : i32 {
      %mul3A_399 = arith.constant 1024 : i32
      %mul3A_400 = arith.muli %while3A_397, %mul3A_399 : i32
      %mul3A_401 = arith.constant 1024 : i32
      %mul3A_402 = arith.muli %while3A_397, %mul3A_401 : i32
      %dma_wait3A = tpu.memref_slice %arg8[%mul3A_402] : memref<21504xf32, #tpu.memory_space<vmem>> -> memref<1024xf32, #tpu.memory_space<vmem>>
      %dma_wait3A_403 = tpu.memref_slice %arg7[%mul3A_400] : memref<21504xi32, #tpu.memory_space<vmem>> -> memref<1024xi32, #tpu.memory_space<vmem>>
      %dma_wait3A_404 = arith.constant 0 : i32
      %dma_wait3A_405 = tpu.memref_slice %arg2[%dma_wait3A_404] : memref<2097152xf32, #tpu.memory_space<hbm>> -> memref<2097152xf32, #tpu.memory_space<hbm>>
      tpu.wait_indirect_dma semaphore(%arg16 : memref<!tpu.dma_semaphore, #tpu.memory_space<semaphore_mem>>) src(%dma_wait3A_405 : memref<2097152xf32, #tpu.memory_space<hbm>>) dst(%dma_wait3A : memref<1024xf32, #tpu.memory_space<vmem>>)
      %while3A_406 = arith.constant 0 : i32
      scf.yield %while3A_406 : i32
    }
    %get3A_201 = arith.constant 0 : index
    %get3A_202 = tpu.vector_load %arg9[%get3A_201] {strides = array<i32>} : memref<128xi32, #tpu.memory_space<vmem>>, vector<16xi32>,
    %get3A_203 = vector.shape_cast %get3A_202 : vector<16xi32> to vector<16xi32>
    %get3A_204 = arith.constant 16 : index
    %get3A_205 = tpu.vector_load %arg9[%get3A_204] {strides = array<i32>} : memref<128xi32, #tpu.memory_space<vmem>>, vector<16xi32>,
    %get3A_206 = vector.shape_cast %get3A_205 : vector<16xi32> to vector<16xi32>
    %get3A_207 = arith.constant 32 : index
    %get3A_208 = tpu.vector_load %arg9[%get3A_207] {strides = array<i32>} : memref<128xi32, #tpu.memory_space<vmem>>, vector<16xi32>,
    %get3A_209 = vector.shape_cast %get3A_208 : vector<16xi32> to vector<16xi32>
    %get3A_210 = arith.constant 48 : index
    %get3A_211 = tpu.vector_load %arg9[%get3A_210] {strides = array<i32>} : memref<128xi32, #tpu.memory_space<vmem>>, vector<16xi32>,
    %get3A_212 = vector.shape_cast %get3A_211 : vector<16xi32> to vector<16xi32>
    %get3A_213 = arith.constant 64 : index
    %get3A_214 = tpu.vector_load %arg9[%get3A_213] {strides = array<i32>} : memref<128xi32, #tpu.memory_space<vmem>>, vector<16xi32>,
    %get3A_215 = vector.shape_cast %get3A_214 : vector<16xi32> to vector<16xi32>
    %get3A_216 = arith.constant 80 : index
    %get3A_217 = tpu.vector_load %arg9[%get3A_216] {strides = array<i32>} : memref<128xi32, #tpu.memory_space<vmem>>, vector<16xi32>,
    %get3A_218 = vector.shape_cast %get3A_217 : vector<16xi32> to vector<16xi32>
    %get3A_219 = arith.constant 96 : index
    %get3A_220 = tpu.vector_load %arg9[%get3A_219] {strides = array<i32>} : memref<128xi32, #tpu.memory_space<vmem>>, vector<16xi32>,
    %get3A_221 = vector.shape_cast %get3A_220 : vector<16xi32> to vector<16xi32>
    %get3A_222 = arith.constant 112 : index
    %get3A_223 = tpu.vector_load %arg9[%get3A_222] {strides = array<i32>} : memref<128xi32, #tpu.memory_space<vmem>>, vector<16xi32>,
    %get3A_224 = vector.shape_cast %get3A_223 : vector<16xi32> to vector<16xi32>
    %get3A_225 = arith.constant 0 : index
    %get3A_226 = tpu.vector_load %arg10[%get3A_225] {strides = array<i32>} : memref<128xf32, #tpu.memory_space<vmem>>, vector<16xf32>,
    %get3A_227 = vector.shape_cast %get3A_226 : vector<16xf32> to vector<16xf32>
    %get3A_228 = arith.constant 16 : index
    %get3A_229 = tpu.vector_load %arg10[%get3A_228] {strides = array<i32>} : memref<128xf32, #tpu.memory_space<vmem>>, vector<16xf32>,
    %get3A_230 = vector.shape_cast %get3A_229 : vector<16xf32> to vector<16xf32>
    %get3A_231 = arith.constant 32 : index
    %get3A_232 = tpu.vector_load %arg10[%get3A_231] {strides = array<i32>} : memref<128xf32, #tpu.memory_space<vmem>>, vector<16xf32>,
    %get3A_233 = vector.shape_cast %get3A_232 : vector<16xf32> to vector<16xf32>
    %get3A_234 = arith.constant 48 : index
    %get3A_235 = tpu.vector_load %arg10[%get3A_234] {strides = array<i32>} : memref<128xf32, #tpu.memory_space<vmem>>, vector<16xf32>,
    %get3A_236 = vector.shape_cast %get3A_235 : vector<16xf32> to vector<16xf32>
    %get3A_237 = arith.constant 64 : index
    %get3A_238 = tpu.vector_load %arg10[%get3A_237] {strides = array<i32>} : memref<128xf32, #tpu.memory_space<vmem>>, vector<16xf32>,
    %get3A_239 = vector.shape_cast %get3A_238 : vector<16xf32> to vector<16xf32>
    %get3A_240 = arith.constant 80 : index
    %get3A_241 = tpu.vector_load %arg10[%get3A_240] {strides = array<i32>} : memref<128xf32, #tpu.memory_space<vmem>>, vector<16xf32>,
    %get3A_242 = vector.shape_cast %get3A_241 : vector<16xf32> to vector<16xf32>
    %get3A_243 = arith.constant 96 : index
    %get3A_244 = tpu.vector_load %arg10[%get3A_243] {strides = array<i32>} : memref<128xf32, #tpu.memory_space<vmem>>, vector<16xf32>,
    %get3A_245 = vector.shape_cast %get3A_244 : vector<16xf32> to vector<16xf32>
    %get3A_246 = arith.constant 112 : index
    %get3A_247 = tpu.vector_load %arg10[%get3A_246] {strides = array<i32>} : memref<128xf32, #tpu.memory_space<vmem>>, vector<16xf32>,
    %get3A_248 = vector.shape_cast %get3A_247 : vector<16xf32> to vector<16xf32>
    %broadcast_in_dim3A = arith.constant 1.000000e+00 : f32
    %broadcast_in_dim3A_249 = vector.broadcast %broadcast_in_dim3A : f32 to vector<16xf32>
    %while3A_250 = arith.constant 0 : i32
    %while3A_251 = arith.subi %max3A_80, %while3A_250 : i32
    %while3A_252 = arith.addi %while3A_250, %while3A_251 : i32
    %while3A_253 = arith.constant 1 : i32
    %while3A_254 = arith.divsi %while3A_251, %while3A_253 : i32
    %while3A_255 = arith.muli %while3A_254, %while3A_253 : i32
    %while3A_256 = arith.addi %while3A_250, %while3A_255 : i32
    %while3A_257 = arith.constant 1 : i32
    %while3A_258:16 = scf.for %while3A_397 = %while3A_250 to %while3A_256 step %while3A_257 iter_args(%while3A_398 = %broadcast_in_dim3A_249, %while3A_399 = %broadcast_in_dim3A_249, %while3A_400 = %broadcast_in_dim3A_249, %while3A_401 = %broadcast_in_dim3A_249, %while3A_402 = %broadcast_in_dim3A_249, %while3A_403 = %broadcast_in_dim3A_249, %while3A_404 = %broadcast_in_dim3A_249, %while3A_405 = %broadcast_in_dim3A_249, %while3A_406 = %broadcast_in_dim3A_249, %while3A_407 = %broadcast_in_dim3A_249, %while3A_408 = %broadcast_in_dim3A_249, %while3A_409 = %broadcast_in_dim3A_249, %while3A_410 = %broadcast_in_dim3A_249, %while3A_411 = %broadcast_in_dim3A_249, %while3A_412 = %broadcast_in_dim3A_249, %while3A_413 = %broadcast_in_dim3A_249) -> (vector<16xf32>, vector<16xf32>, vector<16xf32>, vector<16xf32>, vector<16xf32>, vector<16xf32>, vector<16xf32>, vector<16xf32>, vector<16xf32>, vector<16xf32>, vector<16xf32>, vector<16xf32>, vector<16xf32>, vector<16xf32>, vector<16xf32>, vector<16xf32>)  : i32 {
      %mul3A_414 = arith.constant 128 : i32
      %mul3A_415 = arith.muli %while3A_397, %mul3A_414 : i32
      %add3A_416 = arith.constant 0 : i32
      %add3A_417 = arith.addi %mul3A_415, %add3A_416 : i32
      %get3A_418 = arith.index_cast %add3A_417 : i32 to index
      %get3A_419 = tpu.vector_load %arg8[%get3A_418] {strides = array<i32>} : memref<21504xf32, #tpu.memory_space<vmem>>, vector<16xf32>,
      %get3A_420 = vector.shape_cast %get3A_419 : vector<16xf32> to vector<16xf32>
      %gt3A = vector.broadcast %while3A_397 : i32 to vector<16xi32>
      %gt3A_421 = arith.cmpi sgt, %get3A_203, %gt3A : vector<16xi32>
      %max3A_422 = arith.constant 0.000000e+00 : f32
      %max3A_423 = vector.broadcast %max3A_422 : f32 to vector<16xf32>
      %max3A_424 = arith.maximumf %get3A_420, %max3A_423 : vector<16xf32>
      %mul3A_425 = arith.mulf %max3A_424, %get3A_227 : vector<16xf32>
      %exp3A = math.exp %mul3A_425 : vector<16xf32>
      %sub3A = arith.constant 1.000000e+00 : f32
      %sub3A_426 = vector.broadcast %sub3A : f32 to vector<16xf32>
      %sub3A_427 = arith.subf %sub3A_426, %exp3A : vector<16xf32>
      %sub3A_428 = arith.constant 1.000000e+00 : f32
      %sub3A_429 = vector.broadcast %sub3A_428 : f32 to vector<16xf32>
      %sub3A_430 = arith.subf %sub3A_429, %sub3A_427 : vector<16xf32>
      %jit3A = arith.constant 1.000000e+00 : f32
      %broadcast_in_dim3A_431 = vector.broadcast %jit3A : f32 to vector<16xf32>
      %select_n3A = arith.select %gt3A_421, %sub3A_430, %broadcast_in_dim3A_431 : vector<16xi1>, vector<16xf32>
      %mul3A_432 = arith.mulf %while3A_398, %select_n3A : vector<16xf32>
      %mul3A_433 = arith.mulf %sub3A_427, %mul3A_432 : vector<16xf32>
      %jit3A_434 = arith.constant 0.000000e+00 : f32
      %broadcast_in_dim3A_435 = vector.broadcast %jit3A_434 : f32 to vector<16xf32>
      %select_n3A_436 = arith.select %gt3A_421, %mul3A_433, %broadcast_in_dim3A_435 : vector<16xi1>, vector<16xf32>
      %add3A_437 = arith.constant 1.000000e+00 : f32
      %add3A_438 = vector.broadcast %add3A_437 : f32 to vector<16xf32>
      %add3A_439 = arith.addf %add3A_438, %select_n3A_436 : vector<16xf32>
      %mul3A_440 = arith.mulf %while3A_399, %add3A_439 : vector<16xf32>
      %mul3A_441 = arith.constant 128 : i32
      %mul3A_442 = arith.muli %while3A_397, %mul3A_441 : i32
      %add3A_443 = arith.constant 16 : i32
      %add3A_444 = arith.addi %mul3A_442, %add3A_443 : i32
      %get3A_445 = arith.index_cast %add3A_444 : i32 to index
      %get3A_446 = tpu.vector_load %arg8[%get3A_445] {strides = array<i32>} : memref<21504xf32, #tpu.memory_space<vmem>>, vector<16xf32>,
      %get3A_447 = vector.shape_cast %get3A_446 : vector<16xf32> to vector<16xf32>
      %gt3A_448 = vector.broadcast %while3A_397 : i32 to vector<16xi32>
      %gt3A_449 = arith.cmpi sgt, %get3A_206, %gt3A_448 : vector<16xi32>
      %max3A_450 = arith.constant 0.000000e+00 : f32
      %max3A_451 = vector.broadcast %max3A_450 : f32 to vector<16xf32>
      %max3A_452 = arith.maximumf %get3A_447, %max3A_451 : vector<16xf32>
      %mul3A_453 = arith.mulf %max3A_452, %get3A_230 : vector<16xf32>
      %exp3A_454 = math.exp %mul3A_453 : vector<16xf32>
      %sub3A_455 = arith.constant 1.000000e+00 : f32
      %sub3A_456 = vector.broadcast %sub3A_455 : f32 to vector<16xf32>
      %sub3A_457 = arith.subf %sub3A_456, %exp3A_454 : vector<16xf32>
      %sub3A_458 = arith.constant 1.000000e+00 : f32
      %sub3A_459 = vector.broadcast %sub3A_458 : f32 to vector<16xf32>
      %sub3A_460 = arith.subf %sub3A_459, %sub3A_457 : vector<16xf32>
      %jit3A_461 = arith.constant 1.000000e+00 : f32
      %broadcast_in_dim3A_462 = vector.broadcast %jit3A_461 : f32 to vector<16xf32>
      %select_n3A_463 = arith.select %gt3A_449, %sub3A_460, %broadcast_in_dim3A_462 : vector<16xi1>, vector<16xf32>
      %mul3A_464 = arith.mulf %while3A_400, %select_n3A_463 : vector<16xf32>
      %mul3A_465 = arith.mulf %sub3A_457, %mul3A_464 : vector<16xf32>
      %jit3A_466 = arith.constant 0.000000e+00 : f32
      %broadcast_in_dim3A_467 = vector.broadcast %jit3A_466 : f32 to vector<16xf32>
      %select_n3A_468 = arith.select %gt3A_449, %mul3A_465, %broadcast_in_dim3A_467 : vector<16xi1>, vector<16xf32>
      %add3A_469 = arith.constant 1.000000e+00 : f32
      %add3A_470 = vector.broadcast %add3A_469 : f32 to vector<16xf32>
      %add3A_471 = arith.addf %add3A_470, %select_n3A_468 : vector<16xf32>
      %mul3A_472 = arith.mulf %while3A_401, %add3A_471 : vector<16xf32>
      %mul3A_473 = arith.constant 128 : i32
      %mul3A_474 = arith.muli %while3A_397, %mul3A_473 : i32
      %add3A_475 = arith.constant 32 : i32
      %add3A_476 = arith.addi %mul3A_474, %add3A_475 : i32
      %get3A_477 = arith.index_cast %add3A_476 : i32 to index
      %get3A_478 = tpu.vector_load %arg8[%get3A_477] {strides = array<i32>} : memref<21504xf32, #tpu.memory_space<vmem>>, vector<16xf32>,
      %get3A_479 = vector.shape_cast %get3A_478 : vector<16xf32> to vector<16xf32>
      %gt3A_480 = vector.broadcast %while3A_397 : i32 to vector<16xi32>
      %gt3A_481 = arith.cmpi sgt, %get3A_209, %gt3A_480 : vector<16xi32>
      %max3A_482 = arith.constant 0.000000e+00 : f32
      %max3A_483 = vector.broadcast %max3A_482 : f32 to vector<16xf32>
      %max3A_484 = arith.maximumf %get3A_479, %max3A_483 : vector<16xf32>
      %mul3A_485 = arith.mulf %max3A_484, %get3A_233 : vector<16xf32>
      %exp3A_486 = math.exp %mul3A_485 : vector<16xf32>
      %sub3A_487 = arith.constant 1.000000e+00 : f32
      %sub3A_488 = vector.broadcast %sub3A_487 : f32 to vector<16xf32>
      %sub3A_489 = arith.subf %sub3A_488, %exp3A_486 : vector<16xf32>
      %sub3A_490 = arith.constant 1.000000e+00 : f32
      %sub3A_491 = vector.broadcast %sub3A_490 : f32 to vector<16xf32>
      %sub3A_492 = arith.subf %sub3A_491, %sub3A_489 : vector<16xf32>
      %jit3A_493 = arith.constant 1.000000e+00 : f32
      %broadcast_in_dim3A_494 = vector.broadcast %jit3A_493 : f32 to vector<16xf32>
      %select_n3A_495 = arith.select %gt3A_481, %sub3A_492, %broadcast_in_dim3A_494 : vector<16xi1>, vector<16xf32>
      %mul3A_496 = arith.mulf %while3A_402, %select_n3A_495 : vector<16xf32>
      %mul3A_497 = arith.mulf %sub3A_489, %mul3A_496 : vector<16xf32>
      %jit3A_498 = arith.constant 0.000000e+00 : f32
      %broadcast_in_dim3A_499 = vector.broadcast %jit3A_498 : f32 to vector<16xf32>
      %select_n3A_500 = arith.select %gt3A_481, %mul3A_497, %broadcast_in_dim3A_499 : vector<16xi1>, vector<16xf32>
      %add3A_501 = arith.constant 1.000000e+00 : f32
      %add3A_502 = vector.broadcast %add3A_501 : f32 to vector<16xf32>
      %add3A_503 = arith.addf %add3A_502, %select_n3A_500 : vector<16xf32>
      %mul3A_504 = arith.mulf %while3A_403, %add3A_503 : vector<16xf32>
      %mul3A_505 = arith.constant 128 : i32
      %mul3A_506 = arith.muli %while3A_397, %mul3A_505 : i32
      %add3A_507 = arith.constant 48 : i32
      %add3A_508 = arith.addi %mul3A_506, %add3A_507 : i32
      %get3A_509 = arith.index_cast %add3A_508 : i32 to index
      %get3A_510 = tpu.vector_load %arg8[%get3A_509] {strides = array<i32>} : memref<21504xf32, #tpu.memory_space<vmem>>, vector<16xf32>,
      %get3A_511 = vector.shape_cast %get3A_510 : vector<16xf32> to vector<16xf32>
      %gt3A_512 = vector.broadcast %while3A_397 : i32 to vector<16xi32>
      %gt3A_513 = arith.cmpi sgt, %get3A_212, %gt3A_512 : vector<16xi32>
      %max3A_514 = arith.constant 0.000000e+00 : f32
      %max3A_515 = vector.broadcast %max3A_514 : f32 to vector<16xf32>
      %max3A_516 = arith.maximumf %get3A_511, %max3A_515 : vector<16xf32>
      %mul3A_517 = arith.mulf %max3A_516, %get3A_236 : vector<16xf32>
      %exp3A_518 = math.exp %mul3A_517 : vector<16xf32>
      %sub3A_519 = arith.constant 1.000000e+00 : f32
      %sub3A_520 = vector.broadcast %sub3A_519 : f32 to vector<16xf32>
      %sub3A_521 = arith.subf %sub3A_520, %exp3A_518 : vector<16xf32>
      %sub3A_522 = arith.constant 1.000000e+00 : f32
      %sub3A_523 = vector.broadcast %sub3A_522 : f32 to vector<16xf32>
      %sub3A_524 = arith.subf %sub3A_523, %sub3A_521 : vector<16xf32>
      %jit3A_525 = arith.constant 1.000000e+00 : f32
      %broadcast_in_dim3A_526 = vector.broadcast %jit3A_525 : f32 to vector<16xf32>
      %select_n3A_527 = arith.select %gt3A_513, %sub3A_524, %broadcast_in_dim3A_526 : vector<16xi1>, vector<16xf32>
      %mul3A_528 = arith.mulf %while3A_404, %select_n3A_527 : vector<16xf32>
      %mul3A_529 = arith.mulf %sub3A_521, %mul3A_528 : vector<16xf32>
      %jit3A_530 = arith.constant 0.000000e+00 : f32
      %broadcast_in_dim3A_531 = vector.broadcast %jit3A_530 : f32 to vector<16xf32>
      %select_n3A_532 = arith.select %gt3A_513, %mul3A_529, %broadcast_in_dim3A_531 : vector<16xi1>, vector<16xf32>
      %add3A_533 = arith.constant 1.000000e+00 : f32
      %add3A_534 = vector.broadcast %add3A_533 : f32 to vector<16xf32>
      %add3A_535 = arith.addf %add3A_534, %select_n3A_532 : vector<16xf32>
      %mul3A_536 = arith.mulf %while3A_405, %add3A_535 : vector<16xf32>
      %mul3A_537 = arith.constant 128 : i32
      %mul3A_538 = arith.muli %while3A_397, %mul3A_537 : i32
      %add3A_539 = arith.constant 64 : i32
      %add3A_540 = arith.addi %mul3A_538, %add3A_539 : i32
      %get3A_541 = arith.index_cast %add3A_540 : i32 to index
      %get3A_542 = tpu.vector_load %arg8[%get3A_541] {strides = array<i32>} : memref<21504xf32, #tpu.memory_space<vmem>>, vector<16xf32>,
      %get3A_543 = vector.shape_cast %get3A_542 : vector<16xf32> to vector<16xf32>
      %gt3A_544 = vector.broadcast %while3A_397 : i32 to vector<16xi32>
      %gt3A_545 = arith.cmpi sgt, %get3A_215, %gt3A_544 : vector<16xi32>
      %max3A_546 = arith.constant 0.000000e+00 : f32
      %max3A_547 = vector.broadcast %max3A_546 : f32 to vector<16xf32>
      %max3A_548 = arith.maximumf %get3A_543, %max3A_547 : vector<16xf32>
      %mul3A_549 = arith.mulf %max3A_548, %get3A_239 : vector<16xf32>
      %exp3A_550 = math.exp %mul3A_549 : vector<16xf32>
      %sub3A_551 = arith.constant 1.000000e+00 : f32
      %sub3A_552 = vector.broadcast %sub3A_551 : f32 to vector<16xf32>
      %sub3A_553 = arith.subf %sub3A_552, %exp3A_550 : vector<16xf32>
      %sub3A_554 = arith.constant 1.000000e+00 : f32
      %sub3A_555 = vector.broadcast %sub3A_554 : f32 to vector<16xf32>
      %sub3A_556 = arith.subf %sub3A_555, %sub3A_553 : vector<16xf32>
      %jit3A_557 = arith.constant 1.000000e+00 : f32
      %broadcast_in_dim3A_558 = vector.broadcast %jit3A_557 : f32 to vector<16xf32>
      %select_n3A_559 = arith.select %gt3A_545, %sub3A_556, %broadcast_in_dim3A_558 : vector<16xi1>, vector<16xf32>
      %mul3A_560 = arith.mulf %while3A_406, %select_n3A_559 : vector<16xf32>
      %mul3A_561 = arith.mulf %sub3A_553, %mul3A_560 : vector<16xf32>
      %jit3A_562 = arith.constant 0.000000e+00 : f32
      %broadcast_in_dim3A_563 = vector.broadcast %jit3A_562 : f32 to vector<16xf32>
      %select_n3A_564 = arith.select %gt3A_545, %mul3A_561, %broadcast_in_dim3A_563 : vector<16xi1>, vector<16xf32>
      %add3A_565 = arith.constant 1.000000e+00 : f32
      %add3A_566 = vector.broadcast %add3A_565 : f32 to vector<16xf32>
      %add3A_567 = arith.addf %add3A_566, %select_n3A_564 : vector<16xf32>
      %mul3A_568 = arith.mulf %while3A_407, %add3A_567 : vector<16xf32>
      %mul3A_569 = arith.constant 128 : i32
      %mul3A_570 = arith.muli %while3A_397, %mul3A_569 : i32
      %add3A_571 = arith.constant 80 : i32
      %add3A_572 = arith.addi %mul3A_570, %add3A_571 : i32
      %get3A_573 = arith.index_cast %add3A_572 : i32 to index
      %get3A_574 = tpu.vector_load %arg8[%get3A_573] {strides = array<i32>} : memref<21504xf32, #tpu.memory_space<vmem>>, vector<16xf32>,
      %get3A_575 = vector.shape_cast %get3A_574 : vector<16xf32> to vector<16xf32>
      %gt3A_576 = vector.broadcast %while3A_397 : i32 to vector<16xi32>
      %gt3A_577 = arith.cmpi sgt, %get3A_218, %gt3A_576 : vector<16xi32>
      %max3A_578 = arith.constant 0.000000e+00 : f32
      %max3A_579 = vector.broadcast %max3A_578 : f32 to vector<16xf32>
      %max3A_580 = arith.maximumf %get3A_575, %max3A_579 : vector<16xf32>
      %mul3A_581 = arith.mulf %max3A_580, %get3A_242 : vector<16xf32>
      %exp3A_582 = math.exp %mul3A_581 : vector<16xf32>
      %sub3A_583 = arith.constant 1.000000e+00 : f32
      %sub3A_584 = vector.broadcast %sub3A_583 : f32 to vector<16xf32>
      %sub3A_585 = arith.subf %sub3A_584, %exp3A_582 : vector<16xf32>
      %sub3A_586 = arith.constant 1.000000e+00 : f32
      %sub3A_587 = vector.broadcast %sub3A_586 : f32 to vector<16xf32>
      %sub3A_588 = arith.subf %sub3A_587, %sub3A_585 : vector<16xf32>
      %jit3A_589 = arith.constant 1.000000e+00 : f32
      %broadcast_in_dim3A_590 = vector.broadcast %jit3A_589 : f32 to vector<16xf32>
      %select_n3A_591 = arith.select %gt3A_577, %sub3A_588, %broadcast_in_dim3A_590 : vector<16xi1>, vector<16xf32>
      %mul3A_592 = arith.mulf %while3A_408, %select_n3A_591 : vector<16xf32>
      %mul3A_593 = arith.mulf %sub3A_585, %mul3A_592 : vector<16xf32>
      %jit3A_594 = arith.constant 0.000000e+00 : f32
      %broadcast_in_dim3A_595 = vector.broadcast %jit3A_594 : f32 to vector<16xf32>
      %select_n3A_596 = arith.select %gt3A_577, %mul3A_593, %broadcast_in_dim3A_595 : vector<16xi1>, vector<16xf32>
      %add3A_597 = arith.constant 1.000000e+00 : f32
      %add3A_598 = vector.broadcast %add3A_597 : f32 to vector<16xf32>
      %add3A_599 = arith.addf %add3A_598, %select_n3A_596 : vector<16xf32>
      %mul3A_600 = arith.mulf %while3A_409, %add3A_599 : vector<16xf32>
      %mul3A_601 = arith.constant 128 : i32
      %mul3A_602 = arith.muli %while3A_397, %mul3A_601 : i32
      %add3A_603 = arith.constant 96 : i32
      %add3A_604 = arith.addi %mul3A_602, %add3A_603 : i32
      %get3A_605 = arith.index_cast %add3A_604 : i32 to index
      %get3A_606 = tpu.vector_load %arg8[%get3A_605] {strides = array<i32>} : memref<21504xf32, #tpu.memory_space<vmem>>, vector<16xf32>,
      %get3A_607 = vector.shape_cast %get3A_606 : vector<16xf32> to vector<16xf32>
      %gt3A_608 = vector.broadcast %while3A_397 : i32 to vector<16xi32>
      %gt3A_609 = arith.cmpi sgt, %get3A_221, %gt3A_608 : vector<16xi32>
      %max3A_610 = arith.constant 0.000000e+00 : f32
      %max3A_611 = vector.broadcast %max3A_610 : f32 to vector<16xf32>
      %max3A_612 = arith.maximumf %get3A_607, %max3A_611 : vector<16xf32>
      %mul3A_613 = arith.mulf %max3A_612, %get3A_245 : vector<16xf32>
      %exp3A_614 = math.exp %mul3A_613 : vector<16xf32>
      %sub3A_615 = arith.constant 1.000000e+00 : f32
      %sub3A_616 = vector.broadcast %sub3A_615 : f32 to vector<16xf32>
      %sub3A_617 = arith.subf %sub3A_616, %exp3A_614 : vector<16xf32>
      %sub3A_618 = arith.constant 1.000000e+00 : f32
      %sub3A_619 = vector.broadcast %sub3A_618 : f32 to vector<16xf32>
      %sub3A_620 = arith.subf %sub3A_619, %sub3A_617 : vector<16xf32>
      %jit3A_621 = arith.constant 1.000000e+00 : f32
      %broadcast_in_dim3A_622 = vector.broadcast %jit3A_621 : f32 to vector<16xf32>
      %select_n3A_623 = arith.select %gt3A_609, %sub3A_620, %broadcast_in_dim3A_622 : vector<16xi1>, vector<16xf32>
      %mul3A_624 = arith.mulf %while3A_410, %select_n3A_623 : vector<16xf32>
      %mul3A_625 = arith.mulf %sub3A_617, %mul3A_624 : vector<16xf32>
      %jit3A_626 = arith.constant 0.000000e+00 : f32
      %broadcast_in_dim3A_627 = vector.broadcast %jit3A_626 : f32 to vector<16xf32>
      %select_n3A_628 = arith.select %gt3A_609, %mul3A_625, %broadcast_in_dim3A_627 : vector<16xi1>, vector<16xf32>
      %add3A_629 = arith.constant 1.000000e+00 : f32
      %add3A_630 = vector.broadcast %add3A_629 : f32 to vector<16xf32>
      %add3A_631 = arith.addf %add3A_630, %select_n3A_628 : vector<16xf32>
      %mul3A_632 = arith.mulf %while3A_411, %add3A_631 : vector<16xf32>
      %mul3A_633 = arith.constant 128 : i32
      %mul3A_634 = arith.muli %while3A_397, %mul3A_633 : i32
      %add3A_635 = arith.constant 112 : i32
      %add3A_636 = arith.addi %mul3A_634, %add3A_635 : i32
      %get3A_637 = arith.index_cast %add3A_636 : i32 to index
      %get3A_638 = tpu.vector_load %arg8[%get3A_637] {strides = array<i32>} : memref<21504xf32, #tpu.memory_space<vmem>>, vector<16xf32>,
      %get3A_639 = vector.shape_cast %get3A_638 : vector<16xf32> to vector<16xf32>
      %gt3A_640 = vector.broadcast %while3A_397 : i32 to vector<16xi32>
      %gt3A_641 = arith.cmpi sgt, %get3A_224, %gt3A_640 : vector<16xi32>
      %max3A_642 = arith.constant 0.000000e+00 : f32
      %max3A_643 = vector.broadcast %max3A_642 : f32 to vector<16xf32>
      %max3A_644 = arith.maximumf %get3A_639, %max3A_643 : vector<16xf32>
      %mul3A_645 = arith.mulf %max3A_644, %get3A_248 : vector<16xf32>
      %exp3A_646 = math.exp %mul3A_645 : vector<16xf32>
      %sub3A_647 = arith.constant 1.000000e+00 : f32
      %sub3A_648 = vector.broadcast %sub3A_647 : f32 to vector<16xf32>
      %sub3A_649 = arith.subf %sub3A_648, %exp3A_646 : vector<16xf32>
      %sub3A_650 = arith.constant 1.000000e+00 : f32
      %sub3A_651 = vector.broadcast %sub3A_650 : f32 to vector<16xf32>
      %sub3A_652 = arith.subf %sub3A_651, %sub3A_649 : vector<16xf32>
      %jit3A_653 = arith.constant 1.000000e+00 : f32
      %broadcast_in_dim3A_654 = vector.broadcast %jit3A_653 : f32 to vector<16xf32>
      %select_n3A_655 = arith.select %gt3A_641, %sub3A_652, %broadcast_in_dim3A_654 : vector<16xi1>, vector<16xf32>
      %mul3A_656 = arith.mulf %while3A_412, %select_n3A_655 : vector<16xf32>
      %mul3A_657 = arith.mulf %sub3A_649, %mul3A_656 : vector<16xf32>
      %jit3A_658 = arith.constant 0.000000e+00 : f32
      %broadcast_in_dim3A_659 = vector.broadcast %jit3A_658 : f32 to vector<16xf32>
      %select_n3A_660 = arith.select %gt3A_641, %mul3A_657, %broadcast_in_dim3A_659 : vector<16xi1>, vector<16xf32>
      %add3A_661 = arith.constant 1.000000e+00 : f32
      %add3A_662 = vector.broadcast %add3A_661 : f32 to vector<16xf32>
      %add3A_663 = arith.addf %add3A_662, %select_n3A_660 : vector<16xf32>
      %mul3A_664 = arith.mulf %while3A_413, %add3A_663 : vector<16xf32>
      scf.yield %mul3A_432, %mul3A_440, %mul3A_464, %mul3A_472, %mul3A_496, %mul3A_504, %mul3A_528, %mul3A_536, %mul3A_560, %mul3A_568, %mul3A_592, %mul3A_600, %mul3A_624, %mul3A_632, %mul3A_656, %mul3A_664 : vector<16xf32>, vector<16xf32>, vector<16xf32>, vector<16xf32>, vector<16xf32>, vector<16xf32>, vector<16xf32>, vector<16xf32>, vector<16xf32>, vector<16xf32>, vector<16xf32>, vector<16xf32>, vector<16xf32>, vector<16xf32>, vector<16xf32>, vector<16xf32>
    }
    %while3A_259 = arith.constant 1 : i32
    %while3A_260:16 = scf.for %while3A_397 = %while3A_256 to %while3A_252 step %while3A_259 iter_args(%while3A_398 = %while3A_258#0, %while3A_399 = %while3A_258#1, %while3A_400 = %while3A_258#2, %while3A_401 = %while3A_258#3, %while3A_402 = %while3A_258#4, %while3A_403 = %while3A_258#5, %while3A_404 = %while3A_258#6, %while3A_405 = %while3A_258#7, %while3A_406 = %while3A_258#8, %while3A_407 = %while3A_258#9, %while3A_408 = %while3A_258#10, %while3A_409 = %while3A_258#11, %while3A_410 = %while3A_258#12, %while3A_411 = %while3A_258#13, %while3A_412 = %while3A_258#14, %while3A_413 = %while3A_258#15) -> (vector<16xf32>, vector<16xf32>, vector<16xf32>, vector<16xf32>, vector<16xf32>, vector<16xf32>, vector<16xf32>, vector<16xf32>, vector<16xf32>, vector<16xf32>, vector<16xf32>, vector<16xf32>, vector<16xf32>, vector<16xf32>, vector<16xf32>, vector<16xf32>)  : i32 {
      %mul3A_414 = arith.constant 128 : i32
      %mul3A_415 = arith.muli %while3A_397, %mul3A_414 : i32
      %add3A_416 = arith.constant 0 : i32
      %add3A_417 = arith.addi %mul3A_415, %add3A_416 : i32
      %get3A_418 = arith.index_cast %add3A_417 : i32 to index
      %get3A_419 = tpu.vector_load %arg8[%get3A_418] {strides = array<i32>} : memref<21504xf32, #tpu.memory_space<vmem>>, vector<16xf32>,
      %get3A_420 = vector.shape_cast %get3A_419 : vector<16xf32> to vector<16xf32>
      %gt3A = vector.broadcast %while3A_397 : i32 to vector<16xi32>
      %gt3A_421 = arith.cmpi sgt, %get3A_203, %gt3A : vector<16xi32>
      %max3A_422 = arith.constant 0.000000e+00 : f32
      %max3A_423 = vector.broadcast %max3A_422 : f32 to vector<16xf32>
      %max3A_424 = arith.maximumf %get3A_420, %max3A_423 : vector<16xf32>
      %mul3A_425 = arith.mulf %max3A_424, %get3A_227 : vector<16xf32>
      %exp3A = math.exp %mul3A_425 : vector<16xf32>
      %sub3A = arith.constant 1.000000e+00 : f32
      %sub3A_426 = vector.broadcast %sub3A : f32 to vector<16xf32>
      %sub3A_427 = arith.subf %sub3A_426, %exp3A : vector<16xf32>
      %sub3A_428 = arith.constant 1.000000e+00 : f32
      %sub3A_429 = vector.broadcast %sub3A_428 : f32 to vector<16xf32>
      %sub3A_430 = arith.subf %sub3A_429, %sub3A_427 : vector<16xf32>
      %jit3A = arith.constant 1.000000e+00 : f32
      %broadcast_in_dim3A_431 = vector.broadcast %jit3A : f32 to vector<16xf32>
      %select_n3A = arith.select %gt3A_421, %sub3A_430, %broadcast_in_dim3A_431 : vector<16xi1>, vector<16xf32>
      %mul3A_432 = arith.mulf %while3A_398, %select_n3A : vector<16xf32>
      %mul3A_433 = arith.mulf %sub3A_427, %mul3A_432 : vector<16xf32>
      %jit3A_434 = arith.constant 0.000000e+00 : f32
      %broadcast_in_dim3A_435 = vector.broadcast %jit3A_434 : f32 to vector<16xf32>
      %select_n3A_436 = arith.select %gt3A_421, %mul3A_433, %broadcast_in_dim3A_435 : vector<16xi1>, vector<16xf32>
      %add3A_437 = arith.constant 1.000000e+00 : f32
      %add3A_438 = vector.broadcast %add3A_437 : f32 to vector<16xf32>
      %add3A_439 = arith.addf %add3A_438, %select_n3A_436 : vector<16xf32>
      %mul3A_440 = arith.mulf %while3A_399, %add3A_439 : vector<16xf32>
      %mul3A_441 = arith.constant 128 : i32
      %mul3A_442 = arith.muli %while3A_397, %mul3A_441 : i32
      %add3A_443 = arith.constant 16 : i32
      %add3A_444 = arith.addi %mul3A_442, %add3A_443 : i32
      %get3A_445 = arith.index_cast %add3A_444 : i32 to index
      %get3A_446 = tpu.vector_load %arg8[%get3A_445] {strides = array<i32>} : memref<21504xf32, #tpu.memory_space<vmem>>, vector<16xf32>,
      %get3A_447 = vector.shape_cast %get3A_446 : vector<16xf32> to vector<16xf32>
      %gt3A_448 = vector.broadcast %while3A_397 : i32 to vector<16xi32>
      %gt3A_449 = arith.cmpi sgt, %get3A_206, %gt3A_448 : vector<16xi32>
      %max3A_450 = arith.constant 0.000000e+00 : f32
      %max3A_451 = vector.broadcast %max3A_450 : f32 to vector<16xf32>
      %max3A_452 = arith.maximumf %get3A_447, %max3A_451 : vector<16xf32>
      %mul3A_453 = arith.mulf %max3A_452, %get3A_230 : vector<16xf32>
      %exp3A_454 = math.exp %mul3A_453 : vector<16xf32>
      %sub3A_455 = arith.constant 1.000000e+00 : f32
      %sub3A_456 = vector.broadcast %sub3A_455 : f32 to vector<16xf32>
      %sub3A_457 = arith.subf %sub3A_456, %exp3A_454 : vector<16xf32>
      %sub3A_458 = arith.constant 1.000000e+00 : f32
      %sub3A_459 = vector.broadcast %sub3A_458 : f32 to vector<16xf32>
      %sub3A_460 = arith.subf %sub3A_459, %sub3A_457 : vector<16xf32>
      %jit3A_461 = arith.constant 1.000000e+00 : f32
      %broadcast_in_dim3A_462 = vector.broadcast %jit3A_461 : f32 to vector<16xf32>
      %select_n3A_463 = arith.select %gt3A_449, %sub3A_460, %broadcast_in_dim3A_462 : vector<16xi1>, vector<16xf32>
      %mul3A_464 = arith.mulf %while3A_400, %select_n3A_463 : vector<16xf32>
      %mul3A_465 = arith.mulf %sub3A_457, %mul3A_464 : vector<16xf32>
      %jit3A_466 = arith.constant 0.000000e+00 : f32
      %broadcast_in_dim3A_467 = vector.broadcast %jit3A_466 : f32 to vector<16xf32>
      %select_n3A_468 = arith.select %gt3A_449, %mul3A_465, %broadcast_in_dim3A_467 : vector<16xi1>, vector<16xf32>
      %add3A_469 = arith.constant 1.000000e+00 : f32
      %add3A_470 = vector.broadcast %add3A_469 : f32 to vector<16xf32>
      %add3A_471 = arith.addf %add3A_470, %select_n3A_468 : vector<16xf32>
      %mul3A_472 = arith.mulf %while3A_401, %add3A_471 : vector<16xf32>
      %mul3A_473 = arith.constant 128 : i32
      %mul3A_474 = arith.muli %while3A_397, %mul3A_473 : i32
      %add3A_475 = arith.constant 32 : i32
      %add3A_476 = arith.addi %mul3A_474, %add3A_475 : i32
      %get3A_477 = arith.index_cast %add3A_476 : i32 to index
      %get3A_478 = tpu.vector_load %arg8[%get3A_477] {strides = array<i32>} : memref<21504xf32, #tpu.memory_space<vmem>>, vector<16xf32>,
      %get3A_479 = vector.shape_cast %get3A_478 : vector<16xf32> to vector<16xf32>
      %gt3A_480 = vector.broadcast %while3A_397 : i32 to vector<16xi32>
      %gt3A_481 = arith.cmpi sgt, %get3A_209, %gt3A_480 : vector<16xi32>
      %max3A_482 = arith.constant 0.000000e+00 : f32
      %max3A_483 = vector.broadcast %max3A_482 : f32 to vector<16xf32>
      %max3A_484 = arith.maximumf %get3A_479, %max3A_483 : vector<16xf32>
      %mul3A_485 = arith.mulf %max3A_484, %get3A_233 : vector<16xf32>
      %exp3A_486 = math.exp %mul3A_485 : vector<16xf32>
      %sub3A_487 = arith.constant 1.000000e+00 : f32
      %sub3A_488 = vector.broadcast %sub3A_487 : f32 to vector<16xf32>
      %sub3A_489 = arith.subf %sub3A_488, %exp3A_486 : vector<16xf32>
      %sub3A_490 = arith.constant 1.000000e+00 : f32
      %sub3A_491 = vector.broadcast %sub3A_490 : f32 to vector<16xf32>
      %sub3A_492 = arith.subf %sub3A_491, %sub3A_489 : vector<16xf32>
      %jit3A_493 = arith.constant 1.000000e+00 : f32
      %broadcast_in_dim3A_494 = vector.broadcast %jit3A_493 : f32 to vector<16xf32>
      %select_n3A_495 = arith.select %gt3A_481, %sub3A_492, %broadcast_in_dim3A_494 : vector<16xi1>, vector<16xf32>
      %mul3A_496 = arith.mulf %while3A_402, %select_n3A_495 : vector<16xf32>
      %mul3A_497 = arith.mulf %sub3A_489, %mul3A_496 : vector<16xf32>
      %jit3A_498 = arith.constant 0.000000e+00 : f32
      %broadcast_in_dim3A_499 = vector.broadcast %jit3A_498 : f32 to vector<16xf32>
      %select_n3A_500 = arith.select %gt3A_481, %mul3A_497, %broadcast_in_dim3A_499 : vector<16xi1>, vector<16xf32>
      %add3A_501 = arith.constant 1.000000e+00 : f32
      %add3A_502 = vector.broadcast %add3A_501 : f32 to vector<16xf32>
      %add3A_503 = arith.addf %add3A_502, %select_n3A_500 : vector<16xf32>
      %mul3A_504 = arith.mulf %while3A_403, %add3A_503 : vector<16xf32>
      %mul3A_505 = arith.constant 128 : i32
      %mul3A_506 = arith.muli %while3A_397, %mul3A_505 : i32
      %add3A_507 = arith.constant 48 : i32
      %add3A_508 = arith.addi %mul3A_506, %add3A_507 : i32
      %get3A_509 = arith.index_cast %add3A_508 : i32 to index
      %get3A_510 = tpu.vector_load %arg8[%get3A_509] {strides = array<i32>} : memref<21504xf32, #tpu.memory_space<vmem>>, vector<16xf32>,
      %get3A_511 = vector.shape_cast %get3A_510 : vector<16xf32> to vector<16xf32>
      %gt3A_512 = vector.broadcast %while3A_397 : i32 to vector<16xi32>
      %gt3A_513 = arith.cmpi sgt, %get3A_212, %gt3A_512 : vector<16xi32>
      %max3A_514 = arith.constant 0.000000e+00 : f32
      %max3A_515 = vector.broadcast %max3A_514 : f32 to vector<16xf32>
      %max3A_516 = arith.maximumf %get3A_511, %max3A_515 : vector<16xf32>
      %mul3A_517 = arith.mulf %max3A_516, %get3A_236 : vector<16xf32>
      %exp3A_518 = math.exp %mul3A_517 : vector<16xf32>
      %sub3A_519 = arith.constant 1.000000e+00 : f32
      %sub3A_520 = vector.broadcast %sub3A_519 : f32 to vector<16xf32>
      %sub3A_521 = arith.subf %sub3A_520, %exp3A_518 : vector<16xf32>
      %sub3A_522 = arith.constant 1.000000e+00 : f32
      %sub3A_523 = vector.broadcast %sub3A_522 : f32 to vector<16xf32>
      %sub3A_524 = arith.subf %sub3A_523, %sub3A_521 : vector<16xf32>
      %jit3A_525 = arith.constant 1.000000e+00 : f32
      %broadcast_in_dim3A_526 = vector.broadcast %jit3A_525 : f32 to vector<16xf32>
      %select_n3A_527 = arith.select %gt3A_513, %sub3A_524, %broadcast_in_dim3A_526 : vector<16xi1>, vector<16xf32>
      %mul3A_528 = arith.mulf %while3A_404, %select_n3A_527 : vector<16xf32>
      %mul3A_529 = arith.mulf %sub3A_521, %mul3A_528 : vector<16xf32>
      %jit3A_530 = arith.constant 0.000000e+00 : f32
      %broadcast_in_dim3A_531 = vector.broadcast %jit3A_530 : f32 to vector<16xf32>
      %select_n3A_532 = arith.select %gt3A_513, %mul3A_529, %broadcast_in_dim3A_531 : vector<16xi1>, vector<16xf32>
      %add3A_533 = arith.constant 1.000000e+00 : f32
      %add3A_534 = vector.broadcast %add3A_533 : f32 to vector<16xf32>
      %add3A_535 = arith.addf %add3A_534, %select_n3A_532 : vector<16xf32>
      %mul3A_536 = arith.mulf %while3A_405, %add3A_535 : vector<16xf32>
      %mul3A_537 = arith.constant 128 : i32
      %mul3A_538 = arith.muli %while3A_397, %mul3A_537 : i32
      %add3A_539 = arith.constant 64 : i32
      %add3A_540 = arith.addi %mul3A_538, %add3A_539 : i32
      %get3A_541 = arith.index_cast %add3A_540 : i32 to index
      %get3A_542 = tpu.vector_load %arg8[%get3A_541] {strides = array<i32>} : memref<21504xf32, #tpu.memory_space<vmem>>, vector<16xf32>,
      %get3A_543 = vector.shape_cast %get3A_542 : vector<16xf32> to vector<16xf32>
      %gt3A_544 = vector.broadcast %while3A_397 : i32 to vector<16xi32>
      %gt3A_545 = arith.cmpi sgt, %get3A_215, %gt3A_544 : vector<16xi32>
      %max3A_546 = arith.constant 0.000000e+00 : f32
      %max3A_547 = vector.broadcast %max3A_546 : f32 to vector<16xf32>
      %max3A_548 = arith.maximumf %get3A_543, %max3A_547 : vector<16xf32>
      %mul3A_549 = arith.mulf %max3A_548, %get3A_239 : vector<16xf32>
      %exp3A_550 = math.exp %mul3A_549 : vector<16xf32>
      %sub3A_551 = arith.constant 1.000000e+00 : f32
      %sub3A_552 = vector.broadcast %sub3A_551 : f32 to vector<16xf32>
      %sub3A_553 = arith.subf %sub3A_552, %exp3A_550 : vector<16xf32>
      %sub3A_554 = arith.constant 1.000000e+00 : f32
      %sub3A_555 = vector.broadcast %sub3A_554 : f32 to vector<16xf32>
      %sub3A_556 = arith.subf %sub3A_555, %sub3A_553 : vector<16xf32>
      %jit3A_557 = arith.constant 1.000000e+00 : f32
      %broadcast_in_dim3A_558 = vector.broadcast %jit3A_557 : f32 to vector<16xf32>
      %select_n3A_559 = arith.select %gt3A_545, %sub3A_556, %broadcast_in_dim3A_558 : vector<16xi1>, vector<16xf32>
      %mul3A_560 = arith.mulf %while3A_406, %select_n3A_559 : vector<16xf32>
      %mul3A_561 = arith.mulf %sub3A_553, %mul3A_560 : vector<16xf32>
      %jit3A_562 = arith.constant 0.000000e+00 : f32
      %broadcast_in_dim3A_563 = vector.broadcast %jit3A_562 : f32 to vector<16xf32>
      %select_n3A_564 = arith.select %gt3A_545, %mul3A_561, %broadcast_in_dim3A_563 : vector<16xi1>, vector<16xf32>
      %add3A_565 = arith.constant 1.000000e+00 : f32
      %add3A_566 = vector.broadcast %add3A_565 : f32 to vector<16xf32>
      %add3A_567 = arith.addf %add3A_566, %select_n3A_564 : vector<16xf32>
      %mul3A_568 = arith.mulf %while3A_407, %add3A_567 : vector<16xf32>
      %mul3A_569 = arith.constant 128 : i32
      %mul3A_570 = arith.muli %while3A_397, %mul3A_569 : i32
      %add3A_571 = arith.constant 80 : i32
      %add3A_572 = arith.addi %mul3A_570, %add3A_571 : i32
      %get3A_573 = arith.index_cast %add3A_572 : i32 to index
      %get3A_574 = tpu.vector_load %arg8[%get3A_573] {strides = array<i32>} : memref<21504xf32, #tpu.memory_space<vmem>>, vector<16xf32>,
      %get3A_575 = vector.shape_cast %get3A_574 : vector<16xf32> to vector<16xf32>
      %gt3A_576 = vector.broadcast %while3A_397 : i32 to vector<16xi32>
      %gt3A_577 = arith.cmpi sgt, %get3A_218, %gt3A_576 : vector<16xi32>
      %max3A_578 = arith.constant 0.000000e+00 : f32
      %max3A_579 = vector.broadcast %max3A_578 : f32 to vector<16xf32>
      %max3A_580 = arith.maximumf %get3A_575, %max3A_579 : vector<16xf32>
      %mul3A_581 = arith.mulf %max3A_580, %get3A_242 : vector<16xf32>
      %exp3A_582 = math.exp %mul3A_581 : vector<16xf32>
      %sub3A_583 = arith.constant 1.000000e+00 : f32
      %sub3A_584 = vector.broadcast %sub3A_583 : f32 to vector<16xf32>
      %sub3A_585 = arith.subf %sub3A_584, %exp3A_582 : vector<16xf32>
      %sub3A_586 = arith.constant 1.000000e+00 : f32
      %sub3A_587 = vector.broadcast %sub3A_586 : f32 to vector<16xf32>
      %sub3A_588 = arith.subf %sub3A_587, %sub3A_585 : vector<16xf32>
      %jit3A_589 = arith.constant 1.000000e+00 : f32
      %broadcast_in_dim3A_590 = vector.broadcast %jit3A_589 : f32 to vector<16xf32>
      %select_n3A_591 = arith.select %gt3A_577, %sub3A_588, %broadcast_in_dim3A_590 : vector<16xi1>, vector<16xf32>
      %mul3A_592 = arith.mulf %while3A_408, %select_n3A_591 : vector<16xf32>
      %mul3A_593 = arith.mulf %sub3A_585, %mul3A_592 : vector<16xf32>
      %jit3A_594 = arith.constant 0.000000e+00 : f32
      %broadcast_in_dim3A_595 = vector.broadcast %jit3A_594 : f32 to vector<16xf32>
      %select_n3A_596 = arith.select %gt3A_577, %mul3A_593, %broadcast_in_dim3A_595 : vector<16xi1>, vector<16xf32>
      %add3A_597 = arith.constant 1.000000e+00 : f32
      %add3A_598 = vector.broadcast %add3A_597 : f32 to vector<16xf32>
      %add3A_599 = arith.addf %add3A_598, %select_n3A_596 : vector<16xf32>
      %mul3A_600 = arith.mulf %while3A_409, %add3A_599 : vector<16xf32>
      %mul3A_601 = arith.constant 128 : i32
      %mul3A_602 = arith.muli %while3A_397, %mul3A_601 : i32
      %add3A_603 = arith.constant 96 : i32
      %add3A_604 = arith.addi %mul3A_602, %add3A_603 : i32
      %get3A_605 = arith.index_cast %add3A_604 : i32 to index
      %get3A_606 = tpu.vector_load %arg8[%get3A_605] {strides = array<i32>} : memref<21504xf32, #tpu.memory_space<vmem>>, vector<16xf32>,
      %get3A_607 = vector.shape_cast %get3A_606 : vector<16xf32> to vector<16xf32>
      %gt3A_608 = vector.broadcast %while3A_397 : i32 to vector<16xi32>
      %gt3A_609 = arith.cmpi sgt, %get3A_221, %gt3A_608 : vector<16xi32>
      %max3A_610 = arith.constant 0.000000e+00 : f32
      %max3A_611 = vector.broadcast %max3A_610 : f32 to vector<16xf32>
      %max3A_612 = arith.maximumf %get3A_607, %max3A_611 : vector<16xf32>
      %mul3A_613 = arith.mulf %max3A_612, %get3A_245 : vector<16xf32>
      %exp3A_614 = math.exp %mul3A_613 : vector<16xf32>
      %sub3A_615 = arith.constant 1.000000e+00 : f32
      %sub3A_616 = vector.broadcast %sub3A_615 : f32 to vector<16xf32>
      %sub3A_617 = arith.subf %sub3A_616, %exp3A_614 : vector<16xf32>
      %sub3A_618 = arith.constant 1.000000e+00 : f32
      %sub3A_619 = vector.broadcast %sub3A_618 : f32 to vector<16xf32>
      %sub3A_620 = arith.subf %sub3A_619, %sub3A_617 : vector<16xf32>
      %jit3A_621 = arith.constant 1.000000e+00 : f32
      %broadcast_in_dim3A_622 = vector.broadcast %jit3A_621 : f32 to vector<16xf32>
      %select_n3A_623 = arith.select %gt3A_609, %sub3A_620, %broadcast_in_dim3A_622 : vector<16xi1>, vector<16xf32>
      %mul3A_624 = arith.mulf %while3A_410, %select_n3A_623 : vector<16xf32>
      %mul3A_625 = arith.mulf %sub3A_617, %mul3A_624 : vector<16xf32>
      %jit3A_626 = arith.constant 0.000000e+00 : f32
      %broadcast_in_dim3A_627 = vector.broadcast %jit3A_626 : f32 to vector<16xf32>
      %select_n3A_628 = arith.select %gt3A_609, %mul3A_625, %broadcast_in_dim3A_627 : vector<16xi1>, vector<16xf32>
      %add3A_629 = arith.constant 1.000000e+00 : f32
      %add3A_630 = vector.broadcast %add3A_629 : f32 to vector<16xf32>
      %add3A_631 = arith.addf %add3A_630, %select_n3A_628 : vector<16xf32>
      %mul3A_632 = arith.mulf %while3A_411, %add3A_631 : vector<16xf32>
      %mul3A_633 = arith.constant 128 : i32
      %mul3A_634 = arith.muli %while3A_397, %mul3A_633 : i32
      %add3A_635 = arith.constant 112 : i32
      %add3A_636 = arith.addi %mul3A_634, %add3A_635 : i32
      %get3A_637 = arith.index_cast %add3A_636 : i32 to index
      %get3A_638 = tpu.vector_load %arg8[%get3A_637] {strides = array<i32>} : memref<21504xf32, #tpu.memory_space<vmem>>, vector<16xf32>,
      %get3A_639 = vector.shape_cast %get3A_638 : vector<16xf32> to vector<16xf32>
      %gt3A_640 = vector.broadcast %while3A_397 : i32 to vector<16xi32>
      %gt3A_641 = arith.cmpi sgt, %get3A_224, %gt3A_640 : vector<16xi32>
      %max3A_642 = arith.constant 0.000000e+00 : f32
      %max3A_643 = vector.broadcast %max3A_642 : f32 to vector<16xf32>
      %max3A_644 = arith.maximumf %get3A_639, %max3A_643 : vector<16xf32>
      %mul3A_645 = arith.mulf %max3A_644, %get3A_248 : vector<16xf32>
      %exp3A_646 = math.exp %mul3A_645 : vector<16xf32>
      %sub3A_647 = arith.constant 1.000000e+00 : f32
      %sub3A_648 = vector.broadcast %sub3A_647 : f32 to vector<16xf32>
      %sub3A_649 = arith.subf %sub3A_648, %exp3A_646 : vector<16xf32>
      %sub3A_650 = arith.constant 1.000000e+00 : f32
      %sub3A_651 = vector.broadcast %sub3A_650 : f32 to vector<16xf32>
      %sub3A_652 = arith.subf %sub3A_651, %sub3A_649 : vector<16xf32>
      %jit3A_653 = arith.constant 1.000000e+00 : f32
      %broadcast_in_dim3A_654 = vector.broadcast %jit3A_653 : f32 to vector<16xf32>
      %select_n3A_655 = arith.select %gt3A_641, %sub3A_652, %broadcast_in_dim3A_654 : vector<16xi1>, vector<16xf32>
      %mul3A_656 = arith.mulf %while3A_412, %select_n3A_655 : vector<16xf32>
      %mul3A_657 = arith.mulf %sub3A_649, %mul3A_656 : vector<16xf32>
      %jit3A_658 = arith.constant 0.000000e+00 : f32
      %broadcast_in_dim3A_659 = vector.broadcast %jit3A_658 : f32 to vector<16xf32>
      %select_n3A_660 = arith.select %gt3A_641, %mul3A_657, %broadcast_in_dim3A_659 : vector<16xi1>, vector<16xf32>
      %add3A_661 = arith.constant 1.000000e+00 : f32
      %add3A_662 = vector.broadcast %add3A_661 : f32 to vector<16xf32>
      %add3A_663 = arith.addf %add3A_662, %select_n3A_660 : vector<16xf32>
      %mul3A_664 = arith.mulf %while3A_413, %add3A_663 : vector<16xf32>
      scf.yield %mul3A_432, %mul3A_440, %mul3A_464, %mul3A_472, %mul3A_496, %mul3A_504, %mul3A_528, %mul3A_536, %mul3A_560, %mul3A_568, %mul3A_592, %mul3A_600, %mul3A_624, %mul3A_632, %mul3A_656, %mul3A_664 : vector<16xf32>, vector<16xf32>, vector<16xf32>, vector<16xf32>, vector<16xf32>, vector<16xf32>, vector<16xf32>, vector<16xf32>, vector<16xf32>, vector<16xf32>, vector<16xf32>, vector<16xf32>, vector<16xf32>, vector<16xf32>, vector<16xf32>, vector<16xf32>
    }
    %swap3A = arith.constant 0 : index
    %swap3A_261 = tpu.vector_load %arg15[%swap3A] {strides = array<i32>} : memref<128xf32, #tpu.memory_space<vmem>>, vector<16xf32>,
    %swap3A_262 = vector.shape_cast %swap3A_261 : vector<16xf32> to vector<16xf32>
    %swap3A_263 = vector.shape_cast %while3A_260#1 : vector<16xf32> to vector<16xf32>
    tpu.vector_store %arg15[%swap3A], %swap3A_263 {strides = array<i32>} : memref<128xf32, #tpu.memory_space<vmem>>, vector<16xf32>,
    %swap3A_264 = arith.constant 16 : index
    %swap3A_265 = tpu.vector_load %arg15[%swap3A_264] {strides = array<i32>} : memref<128xf32, #tpu.memory_space<vmem>>, vector<16xf32>,
    %swap3A_266 = vector.shape_cast %swap3A_265 : vector<16xf32> to vector<16xf32>
    %swap3A_267 = vector.shape_cast %while3A_260#3 : vector<16xf32> to vector<16xf32>
    tpu.vector_store %arg15[%swap3A_264], %swap3A_267 {strides = array<i32>} : memref<128xf32, #tpu.memory_space<vmem>>, vector<16xf32>,
    %swap3A_268 = arith.constant 32 : index
    %swap3A_269 = tpu.vector_load %arg15[%swap3A_268] {strides = array<i32>} : memref<128xf32, #tpu.memory_space<vmem>>, vector<16xf32>,
    %swap3A_270 = vector.shape_cast %swap3A_269 : vector<16xf32> to vector<16xf32>
    %swap3A_271 = vector.shape_cast %while3A_260#5 : vector<16xf32> to vector<16xf32>
    tpu.vector_store %arg15[%swap3A_268], %swap3A_271 {strides = array<i32>} : memref<128xf32, #tpu.memory_space<vmem>>, vector<16xf32>,
    %swap3A_272 = arith.constant 48 : index
    %swap3A_273 = tpu.vector_load %arg15[%swap3A_272] {strides = array<i32>} : memref<128xf32, #tpu.memory_space<vmem>>, vector<16xf32>,
    %swap3A_274 = vector.shape_cast %swap3A_273 : vector<16xf32> to vector<16xf32>
    %swap3A_275 = vector.shape_cast %while3A_260#7 : vector<16xf32> to vector<16xf32>
    tpu.vector_store %arg15[%swap3A_272], %swap3A_275 {strides = array<i32>} : memref<128xf32, #tpu.memory_space<vmem>>, vector<16xf32>,
    %swap3A_276 = arith.constant 64 : index
    %swap3A_277 = tpu.vector_load %arg15[%swap3A_276] {strides = array<i32>} : memref<128xf32, #tpu.memory_space<vmem>>, vector<16xf32>,
    %swap3A_278 = vector.shape_cast %swap3A_277 : vector<16xf32> to vector<16xf32>
    %swap3A_279 = vector.shape_cast %while3A_260#9 : vector<16xf32> to vector<16xf32>
    tpu.vector_store %arg15[%swap3A_276], %swap3A_279 {strides = array<i32>} : memref<128xf32, #tpu.memory_space<vmem>>, vector<16xf32>,
    %swap3A_280 = arith.constant 80 : index
    %swap3A_281 = tpu.vector_load %arg15[%swap3A_280] {strides = array<i32>} : memref<128xf32, #tpu.memory_space<vmem>>, vector<16xf32>,
    %swap3A_282 = vector.shape_cast %swap3A_281 : vector<16xf32> to vector<16xf32>
    %swap3A_283 = vector.shape_cast %while3A_260#11 : vector<16xf32> to vector<16xf32>
    tpu.vector_store %arg15[%swap3A_280], %swap3A_283 {strides = array<i32>} : memref<128xf32, #tpu.memory_space<vmem>>, vector<16xf32>,
    %swap3A_284 = arith.constant 96 : index
    %swap3A_285 = tpu.vector_load %arg15[%swap3A_284] {strides = array<i32>} : memref<128xf32, #tpu.memory_space<vmem>>, vector<16xf32>,
    %swap3A_286 = vector.shape_cast %swap3A_285 : vector<16xf32> to vector<16xf32>
    %swap3A_287 = vector.shape_cast %while3A_260#13 : vector<16xf32> to vector<16xf32>
    tpu.vector_store %arg15[%swap3A_284], %swap3A_287 {strides = array<i32>} : memref<128xf32, #tpu.memory_space<vmem>>, vector<16xf32>,
    %swap3A_288 = arith.constant 112 : index
    %swap3A_289 = tpu.vector_load %arg15[%swap3A_288] {strides = array<i32>} : memref<128xf32, #tpu.memory_space<vmem>>, vector<16xf32>,
    %swap3A_290 = vector.shape_cast %swap3A_289 : vector<16xf32> to vector<16xf32>
    %swap3A_291 = vector.shape_cast %while3A_260#15 : vector<16xf32> to vector<16xf32>
    tpu.vector_store %arg15[%swap3A_288], %swap3A_291 {strides = array<i32>} : memref<128xf32, #tpu.memory_space<vmem>>, vector<16xf32>,
    "tpu.region"() ({
      %run_scoped3A = tpu.sem_alloc : memref<!tpu.dma_semaphore, #tpu.memory_space<semaphore_mem>>
      %dma_start3A = arith.constant 0 : i32
      %dma_start3A_397 = tpu.memref_slice %arg6[%mul3A_2, %dma_start3A] : memref<64x128xf32, #tpu.memory_space<hbm>> -> memref<1x128xf32, #tpu.memory_space<hbm>>
      %dma_start3A_398 = tpu.memref_squeeze %dma_start3A_397 : memref<1x128xf32, #tpu.memory_space<hbm>> -> memref<128xf32, #tpu.memory_space<hbm>>
      %dma_start3A_399 = arith.constant 0 : i32
      %dma_start3A_400 = tpu.memref_slice %arg6[%mul3A_2, %dma_start3A_399] : memref<64x128xf32, #tpu.memory_space<hbm>> -> memref<1x128xf32, #tpu.memory_space<hbm>>
      %dma_start3A_401 = tpu.memref_squeeze %dma_start3A_400 : memref<1x128xf32, #tpu.memory_space<hbm>> -> memref<128xf32, #tpu.memory_space<hbm>>
      tpu.enqueue_dma source(%arg15 : memref<128xf32, #tpu.memory_space<vmem>>) target(%dma_start3A_401 : memref<128xf32, #tpu.memory_space<hbm>>) target_semaphore(%run_scoped3A : memref<!tpu.dma_semaphore, #tpu.memory_space<semaphore_mem>>)
      %dma_wait3A = arith.constant 0 : i32
      %dma_wait3A_402 = tpu.memref_slice %arg6[%mul3A_2, %dma_wait3A] : memref<64x128xf32, #tpu.memory_space<hbm>> -> memref<1x128xf32, #tpu.memory_space<hbm>>
      %dma_wait3A_403 = tpu.memref_squeeze %dma_wait3A_402 : memref<1x128xf32, #tpu.memory_space<hbm>> -> memref<128xf32, #tpu.memory_space<hbm>>
      %dma_wait3A_404 = arith.constant 0 : i32
      %dma_wait3A_405 = tpu.memref_slice %arg6[%mul3A_2, %dma_wait3A_404] : memref<64x128xf32, #tpu.memory_space<hbm>> -> memref<1x128xf32, #tpu.memory_space<hbm>>
      %dma_wait3A_406 = tpu.memref_squeeze %dma_wait3A_405 : memref<1x128xf32, #tpu.memory_space<hbm>> -> memref<128xf32, #tpu.memory_space<hbm>>
      tpu.wait_dma2 semaphore(%run_scoped3A : memref<!tpu.dma_semaphore, #tpu.memory_space<semaphore_mem>>) src(%arg15 : memref<128xf32, #tpu.memory_space<vmem>>) dst(%dma_wait3A_406 : memref<128xf32, #tpu.memory_space<hbm>>)
      tpu.yield
    }) : () -> ()
    %while3A_292 = arith.constant 0 : i32
    %while3A_293 = arith.constant 0 : i32
    %while3A_294 = arith.subi %shift_right_arithmetic3A_176, %while3A_292 : i32
    %while3A_295 = arith.addi %while3A_292, %while3A_294 : i32
    %while3A_296 = arith.constant 1 : i32
    %while3A_297 = arith.divsi %while3A_294, %while3A_296 : i32
    %while3A_298 = arith.muli %while3A_297, %while3A_296 : i32
    %while3A_299 = arith.addi %while3A_292, %while3A_298 : i32
    %while3A_300 = arith.constant 1 : i32
    %while3A_301 = scf.for %while3A_397 = %while3A_292 to %while3A_299 step %while3A_300 iter_args(%while3A_398 = %while3A_293) -> (i32)  : i32 {
      %mul3A_399 = arith.constant 1024 : i32
      %mul3A_400 = arith.muli %while3A_397, %mul3A_399 : i32
      %mul3A_401 = arith.constant 1024 : i32
      %mul3A_402 = arith.muli %while3A_397, %mul3A_401 : i32
      %dma_wait3A = tpu.memref_slice %arg12[%mul3A_402] : memref<21504xf32, #tpu.memory_space<vmem>> -> memref<1024xf32, #tpu.memory_space<vmem>>
      %dma_wait3A_403 = tpu.memref_slice %arg11[%mul3A_400] : memref<21504xi32, #tpu.memory_space<vmem>> -> memref<1024xi32, #tpu.memory_space<vmem>>
      %dma_wait3A_404 = arith.constant 0 : i32
      %dma_wait3A_405 = tpu.memref_slice %arg2[%dma_wait3A_404] : memref<2097152xf32, #tpu.memory_space<hbm>> -> memref<2097152xf32, #tpu.memory_space<hbm>>
      tpu.wait_indirect_dma semaphore(%arg17 : memref<!tpu.dma_semaphore, #tpu.memory_space<semaphore_mem>>) src(%dma_wait3A_405 : memref<2097152xf32, #tpu.memory_space<hbm>>) dst(%dma_wait3A : memref<1024xf32, #tpu.memory_space<vmem>>)
      %while3A_406 = arith.constant 0 : i32
      scf.yield %while3A_406 : i32
    }
    %while3A_302 = arith.constant 1 : i32
    %while3A_303 = scf.for %while3A_397 = %while3A_299 to %while3A_295 step %while3A_302 iter_args(%while3A_398 = %while3A_301) -> (i32)  : i32 {
      %mul3A_399 = arith.constant 1024 : i32
      %mul3A_400 = arith.muli %while3A_397, %mul3A_399 : i32
      %mul3A_401 = arith.constant 1024 : i32
      %mul3A_402 = arith.muli %while3A_397, %mul3A_401 : i32
      %dma_wait3A = tpu.memref_slice %arg12[%mul3A_402] : memref<21504xf32, #tpu.memory_space<vmem>> -> memref<1024xf32, #tpu.memory_space<vmem>>
      %dma_wait3A_403 = tpu.memref_slice %arg11[%mul3A_400] : memref<21504xi32, #tpu.memory_space<vmem>> -> memref<1024xi32, #tpu.memory_space<vmem>>
      %dma_wait3A_404 = arith.constant 0 : i32
      %dma_wait3A_405 = tpu.memref_slice %arg2[%dma_wait3A_404] : memref<2097152xf32, #tpu.memory_space<hbm>> -> memref<2097152xf32, #tpu.memory_space<hbm>>
      tpu.wait_indirect_dma semaphore(%arg17 : memref<!tpu.dma_semaphore, #tpu.memory_space<semaphore_mem>>) src(%dma_wait3A_405 : memref<2097152xf32, #tpu.memory_space<hbm>>) dst(%dma_wait3A : memref<1024xf32, #tpu.memory_space<vmem>>)
      %while3A_406 = arith.constant 0 : i32
      scf.yield %while3A_406 : i32
    }
    %get3A_304 = arith.constant 0 : index
    %get3A_305 = tpu.vector_load %arg13[%get3A_304] {strides = array<i32>} : memref<128xi32, #tpu.memory_space<vmem>>, vector<16xi32>,
    %get3A_306 = vector.shape_cast %get3A_305 : vector<16xi32> to vector<16xi32>
    %get3A_307 = arith.constant 16 : index
    %get3A_308 = tpu.vector_load %arg13[%get3A_307] {strides = array<i32>} : memref<128xi32, #tpu.memory_space<vmem>>, vector<16xi32>,
    %get3A_309 = vector.shape_cast %get3A_308 : vector<16xi32> to vector<16xi32>
    %get3A_310 = arith.constant 32 : index
    %get3A_311 = tpu.vector_load %arg13[%get3A_310] {strides = array<i32>} : memref<128xi32, #tpu.memory_space<vmem>>, vector<16xi32>,
    %get3A_312 = vector.shape_cast %get3A_311 : vector<16xi32> to vector<16xi32>
    %get3A_313 = arith.constant 48 : index
    %get3A_314 = tpu.vector_load %arg13[%get3A_313] {strides = array<i32>} : memref<128xi32, #tpu.memory_space<vmem>>, vector<16xi32>,
    %get3A_315 = vector.shape_cast %get3A_314 : vector<16xi32> to vector<16xi32>
    %get3A_316 = arith.constant 64 : index
    %get3A_317 = tpu.vector_load %arg13[%get3A_316] {strides = array<i32>} : memref<128xi32, #tpu.memory_space<vmem>>, vector<16xi32>,
    %get3A_318 = vector.shape_cast %get3A_317 : vector<16xi32> to vector<16xi32>
    %get3A_319 = arith.constant 80 : index
    %get3A_320 = tpu.vector_load %arg13[%get3A_319] {strides = array<i32>} : memref<128xi32, #tpu.memory_space<vmem>>, vector<16xi32>,
    %get3A_321 = vector.shape_cast %get3A_320 : vector<16xi32> to vector<16xi32>
    %get3A_322 = arith.constant 96 : index
    %get3A_323 = tpu.vector_load %arg13[%get3A_322] {strides = array<i32>} : memref<128xi32, #tpu.memory_space<vmem>>, vector<16xi32>,
    %get3A_324 = vector.shape_cast %get3A_323 : vector<16xi32> to vector<16xi32>
    %get3A_325 = arith.constant 112 : index
    %get3A_326 = tpu.vector_load %arg13[%get3A_325] {strides = array<i32>} : memref<128xi32, #tpu.memory_space<vmem>>, vector<16xi32>,
    %get3A_327 = vector.shape_cast %get3A_326 : vector<16xi32> to vector<16xi32>
    %get3A_328 = arith.constant 0 : index
    %get3A_329 = tpu.vector_load %arg14[%get3A_328] {strides = array<i32>} : memref<128xf32, #tpu.memory_space<vmem>>, vector<16xf32>,
    %get3A_330 = vector.shape_cast %get3A_329 : vector<16xf32> to vector<16xf32>
    %get3A_331 = arith.constant 16 : index
    %get3A_332 = tpu.vector_load %arg14[%get3A_331] {strides = array<i32>} : memref<128xf32, #tpu.memory_space<vmem>>, vector<16xf32>,
    %get3A_333 = vector.shape_cast %get3A_332 : vector<16xf32> to vector<16xf32>
    %get3A_334 = arith.constant 32 : index
    %get3A_335 = tpu.vector_load %arg14[%get3A_334] {strides = array<i32>} : memref<128xf32, #tpu.memory_space<vmem>>, vector<16xf32>,
    %get3A_336 = vector.shape_cast %get3A_335 : vector<16xf32> to vector<16xf32>
    %get3A_337 = arith.constant 48 : index
    %get3A_338 = tpu.vector_load %arg14[%get3A_337] {strides = array<i32>} : memref<128xf32, #tpu.memory_space<vmem>>, vector<16xf32>,
    %get3A_339 = vector.shape_cast %get3A_338 : vector<16xf32> to vector<16xf32>
    %get3A_340 = arith.constant 64 : index
    %get3A_341 = tpu.vector_load %arg14[%get3A_340] {strides = array<i32>} : memref<128xf32, #tpu.memory_space<vmem>>, vector<16xf32>,
    %get3A_342 = vector.shape_cast %get3A_341 : vector<16xf32> to vector<16xf32>
    %get3A_343 = arith.constant 80 : index
    %get3A_344 = tpu.vector_load %arg14[%get3A_343] {strides = array<i32>} : memref<128xf32, #tpu.memory_space<vmem>>, vector<16xf32>,
    %get3A_345 = vector.shape_cast %get3A_344 : vector<16xf32> to vector<16xf32>
    %get3A_346 = arith.constant 96 : index
    %get3A_347 = tpu.vector_load %arg14[%get3A_346] {strides = array<i32>} : memref<128xf32, #tpu.memory_space<vmem>>, vector<16xf32>,
    %get3A_348 = vector.shape_cast %get3A_347 : vector<16xf32> to vector<16xf32>
    %get3A_349 = arith.constant 112 : index
    %get3A_350 = tpu.vector_load %arg14[%get3A_349] {strides = array<i32>} : memref<128xf32, #tpu.memory_space<vmem>>, vector<16xf32>,
    %get3A_351 = vector.shape_cast %get3A_350 : vector<16xf32> to vector<16xf32>
    %broadcast_in_dim3A_352 = arith.constant 1.000000e+00 : f32
    %broadcast_in_dim3A_353 = vector.broadcast %broadcast_in_dim3A_352 : f32 to vector<16xf32>
    %while3A_354 = arith.constant 0 : i32
    %while3A_355 = arith.subi %max3A_172, %while3A_354 : i32
    %while3A_356 = arith.addi %while3A_354, %while3A_355 : i32
    %while3A_357 = arith.constant 1 : i32
    %while3A_358 = arith.divsi %while3A_355, %while3A_357 : i32
    %while3A_359 = arith.muli %while3A_358, %while3A_357 : i32
    %while3A_360 = arith.addi %while3A_354, %while3A_359 : i32
    %while3A_361 = arith.constant 1 : i32
    %while3A_362:16 = scf.for %while3A_397 = %while3A_354 to %while3A_360 step %while3A_361 iter_args(%while3A_398 = %broadcast_in_dim3A_353, %while3A_399 = %broadcast_in_dim3A_353, %while3A_400 = %broadcast_in_dim3A_353, %while3A_401 = %broadcast_in_dim3A_353, %while3A_402 = %broadcast_in_dim3A_353, %while3A_403 = %broadcast_in_dim3A_353, %while3A_404 = %broadcast_in_dim3A_353, %while3A_405 = %broadcast_in_dim3A_353, %while3A_406 = %broadcast_in_dim3A_353, %while3A_407 = %broadcast_in_dim3A_353, %while3A_408 = %broadcast_in_dim3A_353, %while3A_409 = %broadcast_in_dim3A_353, %while3A_410 = %broadcast_in_dim3A_353, %while3A_411 = %broadcast_in_dim3A_353, %while3A_412 = %broadcast_in_dim3A_353, %while3A_413 = %broadcast_in_dim3A_353) -> (vector<16xf32>, vector<16xf32>, vector<16xf32>, vector<16xf32>, vector<16xf32>, vector<16xf32>, vector<16xf32>, vector<16xf32>, vector<16xf32>, vector<16xf32>, vector<16xf32>, vector<16xf32>, vector<16xf32>, vector<16xf32>, vector<16xf32>, vector<16xf32>)  : i32 {
      %mul3A_414 = arith.constant 128 : i32
      %mul3A_415 = arith.muli %while3A_397, %mul3A_414 : i32
      %add3A_416 = arith.constant 0 : i32
      %add3A_417 = arith.addi %mul3A_415, %add3A_416 : i32
      %get3A_418 = arith.index_cast %add3A_417 : i32 to index
      %get3A_419 = tpu.vector_load %arg12[%get3A_418] {strides = array<i32>} : memref<21504xf32, #tpu.memory_space<vmem>>, vector<16xf32>,
      %get3A_420 = vector.shape_cast %get3A_419 : vector<16xf32> to vector<16xf32>
      %gt3A = vector.broadcast %while3A_397 : i32 to vector<16xi32>
      %gt3A_421 = arith.cmpi sgt, %get3A_306, %gt3A : vector<16xi32>
      %max3A_422 = arith.constant 0.000000e+00 : f32
      %max3A_423 = vector.broadcast %max3A_422 : f32 to vector<16xf32>
      %max3A_424 = arith.maximumf %get3A_420, %max3A_423 : vector<16xf32>
      %mul3A_425 = arith.mulf %max3A_424, %get3A_330 : vector<16xf32>
      %exp3A = math.exp %mul3A_425 : vector<16xf32>
      %sub3A = arith.constant 1.000000e+00 : f32
      %sub3A_426 = vector.broadcast %sub3A : f32 to vector<16xf32>
      %sub3A_427 = arith.subf %sub3A_426, %exp3A : vector<16xf32>
      %sub3A_428 = arith.constant 1.000000e+00 : f32
      %sub3A_429 = vector.broadcast %sub3A_428 : f32 to vector<16xf32>
      %sub3A_430 = arith.subf %sub3A_429, %sub3A_427 : vector<16xf32>
      %jit3A = arith.constant 1.000000e+00 : f32
      %broadcast_in_dim3A_431 = vector.broadcast %jit3A : f32 to vector<16xf32>
      %select_n3A = arith.select %gt3A_421, %sub3A_430, %broadcast_in_dim3A_431 : vector<16xi1>, vector<16xf32>
      %mul3A_432 = arith.mulf %while3A_398, %select_n3A : vector<16xf32>
      %mul3A_433 = arith.mulf %sub3A_427, %mul3A_432 : vector<16xf32>
      %jit3A_434 = arith.constant 0.000000e+00 : f32
      %broadcast_in_dim3A_435 = vector.broadcast %jit3A_434 : f32 to vector<16xf32>
      %select_n3A_436 = arith.select %gt3A_421, %mul3A_433, %broadcast_in_dim3A_435 : vector<16xi1>, vector<16xf32>
      %add3A_437 = arith.constant 1.000000e+00 : f32
      %add3A_438 = vector.broadcast %add3A_437 : f32 to vector<16xf32>
      %add3A_439 = arith.addf %add3A_438, %select_n3A_436 : vector<16xf32>
      %mul3A_440 = arith.mulf %while3A_399, %add3A_439 : vector<16xf32>
      %mul3A_441 = arith.constant 128 : i32
      %mul3A_442 = arith.muli %while3A_397, %mul3A_441 : i32
      %add3A_443 = arith.constant 16 : i32
      %add3A_444 = arith.addi %mul3A_442, %add3A_443 : i32
      %get3A_445 = arith.index_cast %add3A_444 : i32 to index
      %get3A_446 = tpu.vector_load %arg12[%get3A_445] {strides = array<i32>} : memref<21504xf32, #tpu.memory_space<vmem>>, vector<16xf32>,
      %get3A_447 = vector.shape_cast %get3A_446 : vector<16xf32> to vector<16xf32>
      %gt3A_448 = vector.broadcast %while3A_397 : i32 to vector<16xi32>
      %gt3A_449 = arith.cmpi sgt, %get3A_309, %gt3A_448 : vector<16xi32>
      %max3A_450 = arith.constant 0.000000e+00 : f32
      %max3A_451 = vector.broadcast %max3A_450 : f32 to vector<16xf32>
      %max3A_452 = arith.maximumf %get3A_447, %max3A_451 : vector<16xf32>
      %mul3A_453 = arith.mulf %max3A_452, %get3A_333 : vector<16xf32>
      %exp3A_454 = math.exp %mul3A_453 : vector<16xf32>
      %sub3A_455 = arith.constant 1.000000e+00 : f32
      %sub3A_456 = vector.broadcast %sub3A_455 : f32 to vector<16xf32>
      %sub3A_457 = arith.subf %sub3A_456, %exp3A_454 : vector<16xf32>
      %sub3A_458 = arith.constant 1.000000e+00 : f32
      %sub3A_459 = vector.broadcast %sub3A_458 : f32 to vector<16xf32>
      %sub3A_460 = arith.subf %sub3A_459, %sub3A_457 : vector<16xf32>
      %jit3A_461 = arith.constant 1.000000e+00 : f32
      %broadcast_in_dim3A_462 = vector.broadcast %jit3A_461 : f32 to vector<16xf32>
      %select_n3A_463 = arith.select %gt3A_449, %sub3A_460, %broadcast_in_dim3A_462 : vector<16xi1>, vector<16xf32>
      %mul3A_464 = arith.mulf %while3A_400, %select_n3A_463 : vector<16xf32>
      %mul3A_465 = arith.mulf %sub3A_457, %mul3A_464 : vector<16xf32>
      %jit3A_466 = arith.constant 0.000000e+00 : f32
      %broadcast_in_dim3A_467 = vector.broadcast %jit3A_466 : f32 to vector<16xf32>
      %select_n3A_468 = arith.select %gt3A_449, %mul3A_465, %broadcast_in_dim3A_467 : vector<16xi1>, vector<16xf32>
      %add3A_469 = arith.constant 1.000000e+00 : f32
      %add3A_470 = vector.broadcast %add3A_469 : f32 to vector<16xf32>
      %add3A_471 = arith.addf %add3A_470, %select_n3A_468 : vector<16xf32>
      %mul3A_472 = arith.mulf %while3A_401, %add3A_471 : vector<16xf32>
      %mul3A_473 = arith.constant 128 : i32
      %mul3A_474 = arith.muli %while3A_397, %mul3A_473 : i32
      %add3A_475 = arith.constant 32 : i32
      %add3A_476 = arith.addi %mul3A_474, %add3A_475 : i32
      %get3A_477 = arith.index_cast %add3A_476 : i32 to index
      %get3A_478 = tpu.vector_load %arg12[%get3A_477] {strides = array<i32>} : memref<21504xf32, #tpu.memory_space<vmem>>, vector<16xf32>,
      %get3A_479 = vector.shape_cast %get3A_478 : vector<16xf32> to vector<16xf32>
      %gt3A_480 = vector.broadcast %while3A_397 : i32 to vector<16xi32>
      %gt3A_481 = arith.cmpi sgt, %get3A_312, %gt3A_480 : vector<16xi32>
      %max3A_482 = arith.constant 0.000000e+00 : f32
      %max3A_483 = vector.broadcast %max3A_482 : f32 to vector<16xf32>
      %max3A_484 = arith.maximumf %get3A_479, %max3A_483 : vector<16xf32>
      %mul3A_485 = arith.mulf %max3A_484, %get3A_336 : vector<16xf32>
      %exp3A_486 = math.exp %mul3A_485 : vector<16xf32>
      %sub3A_487 = arith.constant 1.000000e+00 : f32
      %sub3A_488 = vector.broadcast %sub3A_487 : f32 to vector<16xf32>
      %sub3A_489 = arith.subf %sub3A_488, %exp3A_486 : vector<16xf32>
      %sub3A_490 = arith.constant 1.000000e+00 : f32
      %sub3A_491 = vector.broadcast %sub3A_490 : f32 to vector<16xf32>
      %sub3A_492 = arith.subf %sub3A_491, %sub3A_489 : vector<16xf32>
      %jit3A_493 = arith.constant 1.000000e+00 : f32
      %broadcast_in_dim3A_494 = vector.broadcast %jit3A_493 : f32 to vector<16xf32>
      %select_n3A_495 = arith.select %gt3A_481, %sub3A_492, %broadcast_in_dim3A_494 : vector<16xi1>, vector<16xf32>
      %mul3A_496 = arith.mulf %while3A_402, %select_n3A_495 : vector<16xf32>
      %mul3A_497 = arith.mulf %sub3A_489, %mul3A_496 : vector<16xf32>
      %jit3A_498 = arith.constant 0.000000e+00 : f32
      %broadcast_in_dim3A_499 = vector.broadcast %jit3A_498 : f32 to vector<16xf32>
      %select_n3A_500 = arith.select %gt3A_481, %mul3A_497, %broadcast_in_dim3A_499 : vector<16xi1>, vector<16xf32>
      %add3A_501 = arith.constant 1.000000e+00 : f32
      %add3A_502 = vector.broadcast %add3A_501 : f32 to vector<16xf32>
      %add3A_503 = arith.addf %add3A_502, %select_n3A_500 : vector<16xf32>
      %mul3A_504 = arith.mulf %while3A_403, %add3A_503 : vector<16xf32>
      %mul3A_505 = arith.constant 128 : i32
      %mul3A_506 = arith.muli %while3A_397, %mul3A_505 : i32
      %add3A_507 = arith.constant 48 : i32
      %add3A_508 = arith.addi %mul3A_506, %add3A_507 : i32
      %get3A_509 = arith.index_cast %add3A_508 : i32 to index
      %get3A_510 = tpu.vector_load %arg12[%get3A_509] {strides = array<i32>} : memref<21504xf32, #tpu.memory_space<vmem>>, vector<16xf32>,
      %get3A_511 = vector.shape_cast %get3A_510 : vector<16xf32> to vector<16xf32>
      %gt3A_512 = vector.broadcast %while3A_397 : i32 to vector<16xi32>
      %gt3A_513 = arith.cmpi sgt, %get3A_315, %gt3A_512 : vector<16xi32>
      %max3A_514 = arith.constant 0.000000e+00 : f32
      %max3A_515 = vector.broadcast %max3A_514 : f32 to vector<16xf32>
      %max3A_516 = arith.maximumf %get3A_511, %max3A_515 : vector<16xf32>
      %mul3A_517 = arith.mulf %max3A_516, %get3A_339 : vector<16xf32>
      %exp3A_518 = math.exp %mul3A_517 : vector<16xf32>
      %sub3A_519 = arith.constant 1.000000e+00 : f32
      %sub3A_520 = vector.broadcast %sub3A_519 : f32 to vector<16xf32>
      %sub3A_521 = arith.subf %sub3A_520, %exp3A_518 : vector<16xf32>
      %sub3A_522 = arith.constant 1.000000e+00 : f32
      %sub3A_523 = vector.broadcast %sub3A_522 : f32 to vector<16xf32>
      %sub3A_524 = arith.subf %sub3A_523, %sub3A_521 : vector<16xf32>
      %jit3A_525 = arith.constant 1.000000e+00 : f32
      %broadcast_in_dim3A_526 = vector.broadcast %jit3A_525 : f32 to vector<16xf32>
      %select_n3A_527 = arith.select %gt3A_513, %sub3A_524, %broadcast_in_dim3A_526 : vector<16xi1>, vector<16xf32>
      %mul3A_528 = arith.mulf %while3A_404, %select_n3A_527 : vector<16xf32>
      %mul3A_529 = arith.mulf %sub3A_521, %mul3A_528 : vector<16xf32>
      %jit3A_530 = arith.constant 0.000000e+00 : f32
      %broadcast_in_dim3A_531 = vector.broadcast %jit3A_530 : f32 to vector<16xf32>
      %select_n3A_532 = arith.select %gt3A_513, %mul3A_529, %broadcast_in_dim3A_531 : vector<16xi1>, vector<16xf32>
      %add3A_533 = arith.constant 1.000000e+00 : f32
      %add3A_534 = vector.broadcast %add3A_533 : f32 to vector<16xf32>
      %add3A_535 = arith.addf %add3A_534, %select_n3A_532 : vector<16xf32>
      %mul3A_536 = arith.mulf %while3A_405, %add3A_535 : vector<16xf32>
      %mul3A_537 = arith.constant 128 : i32
      %mul3A_538 = arith.muli %while3A_397, %mul3A_537 : i32
      %add3A_539 = arith.constant 64 : i32
      %add3A_540 = arith.addi %mul3A_538, %add3A_539 : i32
      %get3A_541 = arith.index_cast %add3A_540 : i32 to index
      %get3A_542 = tpu.vector_load %arg12[%get3A_541] {strides = array<i32>} : memref<21504xf32, #tpu.memory_space<vmem>>, vector<16xf32>,
      %get3A_543 = vector.shape_cast %get3A_542 : vector<16xf32> to vector<16xf32>
      %gt3A_544 = vector.broadcast %while3A_397 : i32 to vector<16xi32>
      %gt3A_545 = arith.cmpi sgt, %get3A_318, %gt3A_544 : vector<16xi32>
      %max3A_546 = arith.constant 0.000000e+00 : f32
      %max3A_547 = vector.broadcast %max3A_546 : f32 to vector<16xf32>
      %max3A_548 = arith.maximumf %get3A_543, %max3A_547 : vector<16xf32>
      %mul3A_549 = arith.mulf %max3A_548, %get3A_342 : vector<16xf32>
      %exp3A_550 = math.exp %mul3A_549 : vector<16xf32>
      %sub3A_551 = arith.constant 1.000000e+00 : f32
      %sub3A_552 = vector.broadcast %sub3A_551 : f32 to vector<16xf32>
      %sub3A_553 = arith.subf %sub3A_552, %exp3A_550 : vector<16xf32>
      %sub3A_554 = arith.constant 1.000000e+00 : f32
      %sub3A_555 = vector.broadcast %sub3A_554 : f32 to vector<16xf32>
      %sub3A_556 = arith.subf %sub3A_555, %sub3A_553 : vector<16xf32>
      %jit3A_557 = arith.constant 1.000000e+00 : f32
      %broadcast_in_dim3A_558 = vector.broadcast %jit3A_557 : f32 to vector<16xf32>
      %select_n3A_559 = arith.select %gt3A_545, %sub3A_556, %broadcast_in_dim3A_558 : vector<16xi1>, vector<16xf32>
      %mul3A_560 = arith.mulf %while3A_406, %select_n3A_559 : vector<16xf32>
      %mul3A_561 = arith.mulf %sub3A_553, %mul3A_560 : vector<16xf32>
      %jit3A_562 = arith.constant 0.000000e+00 : f32
      %broadcast_in_dim3A_563 = vector.broadcast %jit3A_562 : f32 to vector<16xf32>
      %select_n3A_564 = arith.select %gt3A_545, %mul3A_561, %broadcast_in_dim3A_563 : vector<16xi1>, vector<16xf32>
      %add3A_565 = arith.constant 1.000000e+00 : f32
      %add3A_566 = vector.broadcast %add3A_565 : f32 to vector<16xf32>
      %add3A_567 = arith.addf %add3A_566, %select_n3A_564 : vector<16xf32>
      %mul3A_568 = arith.mulf %while3A_407, %add3A_567 : vector<16xf32>
      %mul3A_569 = arith.constant 128 : i32
      %mul3A_570 = arith.muli %while3A_397, %mul3A_569 : i32
      %add3A_571 = arith.constant 80 : i32
      %add3A_572 = arith.addi %mul3A_570, %add3A_571 : i32
      %get3A_573 = arith.index_cast %add3A_572 : i32 to index
      %get3A_574 = tpu.vector_load %arg12[%get3A_573] {strides = array<i32>} : memref<21504xf32, #tpu.memory_space<vmem>>, vector<16xf32>,
      %get3A_575 = vector.shape_cast %get3A_574 : vector<16xf32> to vector<16xf32>
      %gt3A_576 = vector.broadcast %while3A_397 : i32 to vector<16xi32>
      %gt3A_577 = arith.cmpi sgt, %get3A_321, %gt3A_576 : vector<16xi32>
      %max3A_578 = arith.constant 0.000000e+00 : f32
      %max3A_579 = vector.broadcast %max3A_578 : f32 to vector<16xf32>
      %max3A_580 = arith.maximumf %get3A_575, %max3A_579 : vector<16xf32>
      %mul3A_581 = arith.mulf %max3A_580, %get3A_345 : vector<16xf32>
      %exp3A_582 = math.exp %mul3A_581 : vector<16xf32>
      %sub3A_583 = arith.constant 1.000000e+00 : f32
      %sub3A_584 = vector.broadcast %sub3A_583 : f32 to vector<16xf32>
      %sub3A_585 = arith.subf %sub3A_584, %exp3A_582 : vector<16xf32>
      %sub3A_586 = arith.constant 1.000000e+00 : f32
      %sub3A_587 = vector.broadcast %sub3A_586 : f32 to vector<16xf32>
      %sub3A_588 = arith.subf %sub3A_587, %sub3A_585 : vector<16xf32>
      %jit3A_589 = arith.constant 1.000000e+00 : f32
      %broadcast_in_dim3A_590 = vector.broadcast %jit3A_589 : f32 to vector<16xf32>
      %select_n3A_591 = arith.select %gt3A_577, %sub3A_588, %broadcast_in_dim3A_590 : vector<16xi1>, vector<16xf32>
      %mul3A_592 = arith.mulf %while3A_408, %select_n3A_591 : vector<16xf32>
      %mul3A_593 = arith.mulf %sub3A_585, %mul3A_592 : vector<16xf32>
      %jit3A_594 = arith.constant 0.000000e+00 : f32
      %broadcast_in_dim3A_595 = vector.broadcast %jit3A_594 : f32 to vector<16xf32>
      %select_n3A_596 = arith.select %gt3A_577, %mul3A_593, %broadcast_in_dim3A_595 : vector<16xi1>, vector<16xf32>
      %add3A_597 = arith.constant 1.000000e+00 : f32
      %add3A_598 = vector.broadcast %add3A_597 : f32 to vector<16xf32>
      %add3A_599 = arith.addf %add3A_598, %select_n3A_596 : vector<16xf32>
      %mul3A_600 = arith.mulf %while3A_409, %add3A_599 : vector<16xf32>
      %mul3A_601 = arith.constant 128 : i32
      %mul3A_602 = arith.muli %while3A_397, %mul3A_601 : i32
      %add3A_603 = arith.constant 96 : i32
      %add3A_604 = arith.addi %mul3A_602, %add3A_603 : i32
      %get3A_605 = arith.index_cast %add3A_604 : i32 to index
      %get3A_606 = tpu.vector_load %arg12[%get3A_605] {strides = array<i32>} : memref<21504xf32, #tpu.memory_space<vmem>>, vector<16xf32>,
      %get3A_607 = vector.shape_cast %get3A_606 : vector<16xf32> to vector<16xf32>
      %gt3A_608 = vector.broadcast %while3A_397 : i32 to vector<16xi32>
      %gt3A_609 = arith.cmpi sgt, %get3A_324, %gt3A_608 : vector<16xi32>
      %max3A_610 = arith.constant 0.000000e+00 : f32
      %max3A_611 = vector.broadcast %max3A_610 : f32 to vector<16xf32>
      %max3A_612 = arith.maximumf %get3A_607, %max3A_611 : vector<16xf32>
      %mul3A_613 = arith.mulf %max3A_612, %get3A_348 : vector<16xf32>
      %exp3A_614 = math.exp %mul3A_613 : vector<16xf32>
      %sub3A_615 = arith.constant 1.000000e+00 : f32
      %sub3A_616 = vector.broadcast %sub3A_615 : f32 to vector<16xf32>
      %sub3A_617 = arith.subf %sub3A_616, %exp3A_614 : vector<16xf32>
      %sub3A_618 = arith.constant 1.000000e+00 : f32
      %sub3A_619 = vector.broadcast %sub3A_618 : f32 to vector<16xf32>
      %sub3A_620 = arith.subf %sub3A_619, %sub3A_617 : vector<16xf32>
      %jit3A_621 = arith.constant 1.000000e+00 : f32
      %broadcast_in_dim3A_622 = vector.broadcast %jit3A_621 : f32 to vector<16xf32>
      %select_n3A_623 = arith.select %gt3A_609, %sub3A_620, %broadcast_in_dim3A_622 : vector<16xi1>, vector<16xf32>
      %mul3A_624 = arith.mulf %while3A_410, %select_n3A_623 : vector<16xf32>
      %mul3A_625 = arith.mulf %sub3A_617, %mul3A_624 : vector<16xf32>
      %jit3A_626 = arith.constant 0.000000e+00 : f32
      %broadcast_in_dim3A_627 = vector.broadcast %jit3A_626 : f32 to vector<16xf32>
      %select_n3A_628 = arith.select %gt3A_609, %mul3A_625, %broadcast_in_dim3A_627 : vector<16xi1>, vector<16xf32>
      %add3A_629 = arith.constant 1.000000e+00 : f32
      %add3A_630 = vector.broadcast %add3A_629 : f32 to vector<16xf32>
      %add3A_631 = arith.addf %add3A_630, %select_n3A_628 : vector<16xf32>
      %mul3A_632 = arith.mulf %while3A_411, %add3A_631 : vector<16xf32>
      %mul3A_633 = arith.constant 128 : i32
      %mul3A_634 = arith.muli %while3A_397, %mul3A_633 : i32
      %add3A_635 = arith.constant 112 : i32
      %add3A_636 = arith.addi %mul3A_634, %add3A_635 : i32
      %get3A_637 = arith.index_cast %add3A_636 : i32 to index
      %get3A_638 = tpu.vector_load %arg12[%get3A_637] {strides = array<i32>} : memref<21504xf32, #tpu.memory_space<vmem>>, vector<16xf32>,
      %get3A_639 = vector.shape_cast %get3A_638 : vector<16xf32> to vector<16xf32>
      %gt3A_640 = vector.broadcast %while3A_397 : i32 to vector<16xi32>
      %gt3A_641 = arith.cmpi sgt, %get3A_327, %gt3A_640 : vector<16xi32>
      %max3A_642 = arith.constant 0.000000e+00 : f32
      %max3A_643 = vector.broadcast %max3A_642 : f32 to vector<16xf32>
      %max3A_644 = arith.maximumf %get3A_639, %max3A_643 : vector<16xf32>
      %mul3A_645 = arith.mulf %max3A_644, %get3A_351 : vector<16xf32>
      %exp3A_646 = math.exp %mul3A_645 : vector<16xf32>
      %sub3A_647 = arith.constant 1.000000e+00 : f32
      %sub3A_648 = vector.broadcast %sub3A_647 : f32 to vector<16xf32>
      %sub3A_649 = arith.subf %sub3A_648, %exp3A_646 : vector<16xf32>
      %sub3A_650 = arith.constant 1.000000e+00 : f32
      %sub3A_651 = vector.broadcast %sub3A_650 : f32 to vector<16xf32>
      %sub3A_652 = arith.subf %sub3A_651, %sub3A_649 : vector<16xf32>
      %jit3A_653 = arith.constant 1.000000e+00 : f32
      %broadcast_in_dim3A_654 = vector.broadcast %jit3A_653 : f32 to vector<16xf32>
      %select_n3A_655 = arith.select %gt3A_641, %sub3A_652, %broadcast_in_dim3A_654 : vector<16xi1>, vector<16xf32>
      %mul3A_656 = arith.mulf %while3A_412, %select_n3A_655 : vector<16xf32>
      %mul3A_657 = arith.mulf %sub3A_649, %mul3A_656 : vector<16xf32>
      %jit3A_658 = arith.constant 0.000000e+00 : f32
      %broadcast_in_dim3A_659 = vector.broadcast %jit3A_658 : f32 to vector<16xf32>
      %select_n3A_660 = arith.select %gt3A_641, %mul3A_657, %broadcast_in_dim3A_659 : vector<16xi1>, vector<16xf32>
      %add3A_661 = arith.constant 1.000000e+00 : f32
      %add3A_662 = vector.broadcast %add3A_661 : f32 to vector<16xf32>
      %add3A_663 = arith.addf %add3A_662, %select_n3A_660 : vector<16xf32>
      %mul3A_664 = arith.mulf %while3A_413, %add3A_663 : vector<16xf32>
      scf.yield %mul3A_432, %mul3A_440, %mul3A_464, %mul3A_472, %mul3A_496, %mul3A_504, %mul3A_528, %mul3A_536, %mul3A_560, %mul3A_568, %mul3A_592, %mul3A_600, %mul3A_624, %mul3A_632, %mul3A_656, %mul3A_664 : vector<16xf32>, vector<16xf32>, vector<16xf32>, vector<16xf32>, vector<16xf32>, vector<16xf32>, vector<16xf32>, vector<16xf32>, vector<16xf32>, vector<16xf32>, vector<16xf32>, vector<16xf32>, vector<16xf32>, vector<16xf32>, vector<16xf32>, vector<16xf32>
    }
    %while3A_363 = arith.constant 1 : i32
    %while3A_364:16 = scf.for %while3A_397 = %while3A_360 to %while3A_356 step %while3A_363 iter_args(%while3A_398 = %while3A_362#0, %while3A_399 = %while3A_362#1, %while3A_400 = %while3A_362#2, %while3A_401 = %while3A_362#3, %while3A_402 = %while3A_362#4, %while3A_403 = %while3A_362#5, %while3A_404 = %while3A_362#6, %while3A_405 = %while3A_362#7, %while3A_406 = %while3A_362#8, %while3A_407 = %while3A_362#9, %while3A_408 = %while3A_362#10, %while3A_409 = %while3A_362#11, %while3A_410 = %while3A_362#12, %while3A_411 = %while3A_362#13, %while3A_412 = %while3A_362#14, %while3A_413 = %while3A_362#15) -> (vector<16xf32>, vector<16xf32>, vector<16xf32>, vector<16xf32>, vector<16xf32>, vector<16xf32>, vector<16xf32>, vector<16xf32>, vector<16xf32>, vector<16xf32>, vector<16xf32>, vector<16xf32>, vector<16xf32>, vector<16xf32>, vector<16xf32>, vector<16xf32>)  : i32 {
      %mul3A_414 = arith.constant 128 : i32
      %mul3A_415 = arith.muli %while3A_397, %mul3A_414 : i32
      %add3A_416 = arith.constant 0 : i32
      %add3A_417 = arith.addi %mul3A_415, %add3A_416 : i32
      %get3A_418 = arith.index_cast %add3A_417 : i32 to index
      %get3A_419 = tpu.vector_load %arg12[%get3A_418] {strides = array<i32>} : memref<21504xf32, #tpu.memory_space<vmem>>, vector<16xf32>,
      %get3A_420 = vector.shape_cast %get3A_419 : vector<16xf32> to vector<16xf32>
      %gt3A = vector.broadcast %while3A_397 : i32 to vector<16xi32>
      %gt3A_421 = arith.cmpi sgt, %get3A_306, %gt3A : vector<16xi32>
      %max3A_422 = arith.constant 0.000000e+00 : f32
      %max3A_423 = vector.broadcast %max3A_422 : f32 to vector<16xf32>
      %max3A_424 = arith.maximumf %get3A_420, %max3A_423 : vector<16xf32>
      %mul3A_425 = arith.mulf %max3A_424, %get3A_330 : vector<16xf32>
      %exp3A = math.exp %mul3A_425 : vector<16xf32>
      %sub3A = arith.constant 1.000000e+00 : f32
      %sub3A_426 = vector.broadcast %sub3A : f32 to vector<16xf32>
      %sub3A_427 = arith.subf %sub3A_426, %exp3A : vector<16xf32>
      %sub3A_428 = arith.constant 1.000000e+00 : f32
      %sub3A_429 = vector.broadcast %sub3A_428 : f32 to vector<16xf32>
      %sub3A_430 = arith.subf %sub3A_429, %sub3A_427 : vector<16xf32>
      %jit3A = arith.constant 1.000000e+00 : f32
      %broadcast_in_dim3A_431 = vector.broadcast %jit3A : f32 to vector<16xf32>
      %select_n3A = arith.select %gt3A_421, %sub3A_430, %broadcast_in_dim3A_431 : vector<16xi1>, vector<16xf32>
      %mul3A_432 = arith.mulf %while3A_398, %select_n3A : vector<16xf32>
      %mul3A_433 = arith.mulf %sub3A_427, %mul3A_432 : vector<16xf32>
      %jit3A_434 = arith.constant 0.000000e+00 : f32
      %broadcast_in_dim3A_435 = vector.broadcast %jit3A_434 : f32 to vector<16xf32>
      %select_n3A_436 = arith.select %gt3A_421, %mul3A_433, %broadcast_in_dim3A_435 : vector<16xi1>, vector<16xf32>
      %add3A_437 = arith.constant 1.000000e+00 : f32
      %add3A_438 = vector.broadcast %add3A_437 : f32 to vector<16xf32>
      %add3A_439 = arith.addf %add3A_438, %select_n3A_436 : vector<16xf32>
      %mul3A_440 = arith.mulf %while3A_399, %add3A_439 : vector<16xf32>
      %mul3A_441 = arith.constant 128 : i32
      %mul3A_442 = arith.muli %while3A_397, %mul3A_441 : i32
      %add3A_443 = arith.constant 16 : i32
      %add3A_444 = arith.addi %mul3A_442, %add3A_443 : i32
      %get3A_445 = arith.index_cast %add3A_444 : i32 to index
      %get3A_446 = tpu.vector_load %arg12[%get3A_445] {strides = array<i32>} : memref<21504xf32, #tpu.memory_space<vmem>>, vector<16xf32>,
      %get3A_447 = vector.shape_cast %get3A_446 : vector<16xf32> to vector<16xf32>
      %gt3A_448 = vector.broadcast %while3A_397 : i32 to vector<16xi32>
      %gt3A_449 = arith.cmpi sgt, %get3A_309, %gt3A_448 : vector<16xi32>
      %max3A_450 = arith.constant 0.000000e+00 : f32
      %max3A_451 = vector.broadcast %max3A_450 : f32 to vector<16xf32>
      %max3A_452 = arith.maximumf %get3A_447, %max3A_451 : vector<16xf32>
      %mul3A_453 = arith.mulf %max3A_452, %get3A_333 : vector<16xf32>
      %exp3A_454 = math.exp %mul3A_453 : vector<16xf32>
      %sub3A_455 = arith.constant 1.000000e+00 : f32
      %sub3A_456 = vector.broadcast %sub3A_455 : f32 to vector<16xf32>
      %sub3A_457 = arith.subf %sub3A_456, %exp3A_454 : vector<16xf32>
      %sub3A_458 = arith.constant 1.000000e+00 : f32
      %sub3A_459 = vector.broadcast %sub3A_458 : f32 to vector<16xf32>
      %sub3A_460 = arith.subf %sub3A_459, %sub3A_457 : vector<16xf32>
      %jit3A_461 = arith.constant 1.000000e+00 : f32
      %broadcast_in_dim3A_462 = vector.broadcast %jit3A_461 : f32 to vector<16xf32>
      %select_n3A_463 = arith.select %gt3A_449, %sub3A_460, %broadcast_in_dim3A_462 : vector<16xi1>, vector<16xf32>
      %mul3A_464 = arith.mulf %while3A_400, %select_n3A_463 : vector<16xf32>
      %mul3A_465 = arith.mulf %sub3A_457, %mul3A_464 : vector<16xf32>
      %jit3A_466 = arith.constant 0.000000e+00 : f32
      %broadcast_in_dim3A_467 = vector.broadcast %jit3A_466 : f32 to vector<16xf32>
      %select_n3A_468 = arith.select %gt3A_449, %mul3A_465, %broadcast_in_dim3A_467 : vector<16xi1>, vector<16xf32>
      %add3A_469 = arith.constant 1.000000e+00 : f32
      %add3A_470 = vector.broadcast %add3A_469 : f32 to vector<16xf32>
      %add3A_471 = arith.addf %add3A_470, %select_n3A_468 : vector<16xf32>
      %mul3A_472 = arith.mulf %while3A_401, %add3A_471 : vector<16xf32>
      %mul3A_473 = arith.constant 128 : i32
      %mul3A_474 = arith.muli %while3A_397, %mul3A_473 : i32
      %add3A_475 = arith.constant 32 : i32
      %add3A_476 = arith.addi %mul3A_474, %add3A_475 : i32
      %get3A_477 = arith.index_cast %add3A_476 : i32 to index
      %get3A_478 = tpu.vector_load %arg12[%get3A_477] {strides = array<i32>} : memref<21504xf32, #tpu.memory_space<vmem>>, vector<16xf32>,
      %get3A_479 = vector.shape_cast %get3A_478 : vector<16xf32> to vector<16xf32>
      %gt3A_480 = vector.broadcast %while3A_397 : i32 to vector<16xi32>
      %gt3A_481 = arith.cmpi sgt, %get3A_312, %gt3A_480 : vector<16xi32>
      %max3A_482 = arith.constant 0.000000e+00 : f32
      %max3A_483 = vector.broadcast %max3A_482 : f32 to vector<16xf32>
      %max3A_484 = arith.maximumf %get3A_479, %max3A_483 : vector<16xf32>
      %mul3A_485 = arith.mulf %max3A_484, %get3A_336 : vector<16xf32>
      %exp3A_486 = math.exp %mul3A_485 : vector<16xf32>
      %sub3A_487 = arith.constant 1.000000e+00 : f32
      %sub3A_488 = vector.broadcast %sub3A_487 : f32 to vector<16xf32>
      %sub3A_489 = arith.subf %sub3A_488, %exp3A_486 : vector<16xf32>
      %sub3A_490 = arith.constant 1.000000e+00 : f32
      %sub3A_491 = vector.broadcast %sub3A_490 : f32 to vector<16xf32>
      %sub3A_492 = arith.subf %sub3A_491, %sub3A_489 : vector<16xf32>
      %jit3A_493 = arith.constant 1.000000e+00 : f32
      %broadcast_in_dim3A_494 = vector.broadcast %jit3A_493 : f32 to vector<16xf32>
      %select_n3A_495 = arith.select %gt3A_481, %sub3A_492, %broadcast_in_dim3A_494 : vector<16xi1>, vector<16xf32>
      %mul3A_496 = arith.mulf %while3A_402, %select_n3A_495 : vector<16xf32>
      %mul3A_497 = arith.mulf %sub3A_489, %mul3A_496 : vector<16xf32>
      %jit3A_498 = arith.constant 0.000000e+00 : f32
      %broadcast_in_dim3A_499 = vector.broadcast %jit3A_498 : f32 to vector<16xf32>
      %select_n3A_500 = arith.select %gt3A_481, %mul3A_497, %broadcast_in_dim3A_499 : vector<16xi1>, vector<16xf32>
      %add3A_501 = arith.constant 1.000000e+00 : f32
      %add3A_502 = vector.broadcast %add3A_501 : f32 to vector<16xf32>
      %add3A_503 = arith.addf %add3A_502, %select_n3A_500 : vector<16xf32>
      %mul3A_504 = arith.mulf %while3A_403, %add3A_503 : vector<16xf32>
      %mul3A_505 = arith.constant 128 : i32
      %mul3A_506 = arith.muli %while3A_397, %mul3A_505 : i32
      %add3A_507 = arith.constant 48 : i32
      %add3A_508 = arith.addi %mul3A_506, %add3A_507 : i32
      %get3A_509 = arith.index_cast %add3A_508 : i32 to index
      %get3A_510 = tpu.vector_load %arg12[%get3A_509] {strides = array<i32>} : memref<21504xf32, #tpu.memory_space<vmem>>, vector<16xf32>,
      %get3A_511 = vector.shape_cast %get3A_510 : vector<16xf32> to vector<16xf32>
      %gt3A_512 = vector.broadcast %while3A_397 : i32 to vector<16xi32>
      %gt3A_513 = arith.cmpi sgt, %get3A_315, %gt3A_512 : vector<16xi32>
      %max3A_514 = arith.constant 0.000000e+00 : f32
      %max3A_515 = vector.broadcast %max3A_514 : f32 to vector<16xf32>
      %max3A_516 = arith.maximumf %get3A_511, %max3A_515 : vector<16xf32>
      %mul3A_517 = arith.mulf %max3A_516, %get3A_339 : vector<16xf32>
      %exp3A_518 = math.exp %mul3A_517 : vector<16xf32>
      %sub3A_519 = arith.constant 1.000000e+00 : f32
      %sub3A_520 = vector.broadcast %sub3A_519 : f32 to vector<16xf32>
      %sub3A_521 = arith.subf %sub3A_520, %exp3A_518 : vector<16xf32>
      %sub3A_522 = arith.constant 1.000000e+00 : f32
      %sub3A_523 = vector.broadcast %sub3A_522 : f32 to vector<16xf32>
      %sub3A_524 = arith.subf %sub3A_523, %sub3A_521 : vector<16xf32>
      %jit3A_525 = arith.constant 1.000000e+00 : f32
      %broadcast_in_dim3A_526 = vector.broadcast %jit3A_525 : f32 to vector<16xf32>
      %select_n3A_527 = arith.select %gt3A_513, %sub3A_524, %broadcast_in_dim3A_526 : vector<16xi1>, vector<16xf32>
      %mul3A_528 = arith.mulf %while3A_404, %select_n3A_527 : vector<16xf32>
      %mul3A_529 = arith.mulf %sub3A_521, %mul3A_528 : vector<16xf32>
      %jit3A_530 = arith.constant 0.000000e+00 : f32
      %broadcast_in_dim3A_531 = vector.broadcast %jit3A_530 : f32 to vector<16xf32>
      %select_n3A_532 = arith.select %gt3A_513, %mul3A_529, %broadcast_in_dim3A_531 : vector<16xi1>, vector<16xf32>
      %add3A_533 = arith.constant 1.000000e+00 : f32
      %add3A_534 = vector.broadcast %add3A_533 : f32 to vector<16xf32>
      %add3A_535 = arith.addf %add3A_534, %select_n3A_532 : vector<16xf32>
      %mul3A_536 = arith.mulf %while3A_405, %add3A_535 : vector<16xf32>
      %mul3A_537 = arith.constant 128 : i32
      %mul3A_538 = arith.muli %while3A_397, %mul3A_537 : i32
      %add3A_539 = arith.constant 64 : i32
      %add3A_540 = arith.addi %mul3A_538, %add3A_539 : i32
      %get3A_541 = arith.index_cast %add3A_540 : i32 to index
      %get3A_542 = tpu.vector_load %arg12[%get3A_541] {strides = array<i32>} : memref<21504xf32, #tpu.memory_space<vmem>>, vector<16xf32>,
      %get3A_543 = vector.shape_cast %get3A_542 : vector<16xf32> to vector<16xf32>
      %gt3A_544 = vector.broadcast %while3A_397 : i32 to vector<16xi32>
      %gt3A_545 = arith.cmpi sgt, %get3A_318, %gt3A_544 : vector<16xi32>
      %max3A_546 = arith.constant 0.000000e+00 : f32
      %max3A_547 = vector.broadcast %max3A_546 : f32 to vector<16xf32>
      %max3A_548 = arith.maximumf %get3A_543, %max3A_547 : vector<16xf32>
      %mul3A_549 = arith.mulf %max3A_548, %get3A_342 : vector<16xf32>
      %exp3A_550 = math.exp %mul3A_549 : vector<16xf32>
      %sub3A_551 = arith.constant 1.000000e+00 : f32
      %sub3A_552 = vector.broadcast %sub3A_551 : f32 to vector<16xf32>
      %sub3A_553 = arith.subf %sub3A_552, %exp3A_550 : vector<16xf32>
      %sub3A_554 = arith.constant 1.000000e+00 : f32
      %sub3A_555 = vector.broadcast %sub3A_554 : f32 to vector<16xf32>
      %sub3A_556 = arith.subf %sub3A_555, %sub3A_553 : vector<16xf32>
      %jit3A_557 = arith.constant 1.000000e+00 : f32
      %broadcast_in_dim3A_558 = vector.broadcast %jit3A_557 : f32 to vector<16xf32>
      %select_n3A_559 = arith.select %gt3A_545, %sub3A_556, %broadcast_in_dim3A_558 : vector<16xi1>, vector<16xf32>
      %mul3A_560 = arith.mulf %while3A_406, %select_n3A_559 : vector<16xf32>
      %mul3A_561 = arith.mulf %sub3A_553, %mul3A_560 : vector<16xf32>
      %jit3A_562 = arith.constant 0.000000e+00 : f32
      %broadcast_in_dim3A_563 = vector.broadcast %jit3A_562 : f32 to vector<16xf32>
      %select_n3A_564 = arith.select %gt3A_545, %mul3A_561, %broadcast_in_dim3A_563 : vector<16xi1>, vector<16xf32>
      %add3A_565 = arith.constant 1.000000e+00 : f32
      %add3A_566 = vector.broadcast %add3A_565 : f32 to vector<16xf32>
      %add3A_567 = arith.addf %add3A_566, %select_n3A_564 : vector<16xf32>
      %mul3A_568 = arith.mulf %while3A_407, %add3A_567 : vector<16xf32>
      %mul3A_569 = arith.constant 128 : i32
      %mul3A_570 = arith.muli %while3A_397, %mul3A_569 : i32
      %add3A_571 = arith.constant 80 : i32
      %add3A_572 = arith.addi %mul3A_570, %add3A_571 : i32
      %get3A_573 = arith.index_cast %add3A_572 : i32 to index
      %get3A_574 = tpu.vector_load %arg12[%get3A_573] {strides = array<i32>} : memref<21504xf32, #tpu.memory_space<vmem>>, vector<16xf32>,
      %get3A_575 = vector.shape_cast %get3A_574 : vector<16xf32> to vector<16xf32>
      %gt3A_576 = vector.broadcast %while3A_397 : i32 to vector<16xi32>
      %gt3A_577 = arith.cmpi sgt, %get3A_321, %gt3A_576 : vector<16xi32>
      %max3A_578 = arith.constant 0.000000e+00 : f32
      %max3A_579 = vector.broadcast %max3A_578 : f32 to vector<16xf32>
      %max3A_580 = arith.maximumf %get3A_575, %max3A_579 : vector<16xf32>
      %mul3A_581 = arith.mulf %max3A_580, %get3A_345 : vector<16xf32>
      %exp3A_582 = math.exp %mul3A_581 : vector<16xf32>
      %sub3A_583 = arith.constant 1.000000e+00 : f32
      %sub3A_584 = vector.broadcast %sub3A_583 : f32 to vector<16xf32>
      %sub3A_585 = arith.subf %sub3A_584, %exp3A_582 : vector<16xf32>
      %sub3A_586 = arith.constant 1.000000e+00 : f32
      %sub3A_587 = vector.broadcast %sub3A_586 : f32 to vector<16xf32>
      %sub3A_588 = arith.subf %sub3A_587, %sub3A_585 : vector<16xf32>
      %jit3A_589 = arith.constant 1.000000e+00 : f32
      %broadcast_in_dim3A_590 = vector.broadcast %jit3A_589 : f32 to vector<16xf32>
      %select_n3A_591 = arith.select %gt3A_577, %sub3A_588, %broadcast_in_dim3A_590 : vector<16xi1>, vector<16xf32>
      %mul3A_592 = arith.mulf %while3A_408, %select_n3A_591 : vector<16xf32>
      %mul3A_593 = arith.mulf %sub3A_585, %mul3A_592 : vector<16xf32>
      %jit3A_594 = arith.constant 0.000000e+00 : f32
      %broadcast_in_dim3A_595 = vector.broadcast %jit3A_594 : f32 to vector<16xf32>
      %select_n3A_596 = arith.select %gt3A_577, %mul3A_593, %broadcast_in_dim3A_595 : vector<16xi1>, vector<16xf32>
      %add3A_597 = arith.constant 1.000000e+00 : f32
      %add3A_598 = vector.broadcast %add3A_597 : f32 to vector<16xf32>
      %add3A_599 = arith.addf %add3A_598, %select_n3A_596 : vector<16xf32>
      %mul3A_600 = arith.mulf %while3A_409, %add3A_599 : vector<16xf32>
      %mul3A_601 = arith.constant 128 : i32
      %mul3A_602 = arith.muli %while3A_397, %mul3A_601 : i32
      %add3A_603 = arith.constant 96 : i32
      %add3A_604 = arith.addi %mul3A_602, %add3A_603 : i32
      %get3A_605 = arith.index_cast %add3A_604 : i32 to index
      %get3A_606 = tpu.vector_load %arg12[%get3A_605] {strides = array<i32>} : memref<21504xf32, #tpu.memory_space<vmem>>, vector<16xf32>,
      %get3A_607 = vector.shape_cast %get3A_606 : vector<16xf32> to vector<16xf32>
      %gt3A_608 = vector.broadcast %while3A_397 : i32 to vector<16xi32>
      %gt3A_609 = arith.cmpi sgt, %get3A_324, %gt3A_608 : vector<16xi32>
      %max3A_610 = arith.constant 0.000000e+00 : f32
      %max3A_611 = vector.broadcast %max3A_610 : f32 to vector<16xf32>
      %max3A_612 = arith.maximumf %get3A_607, %max3A_611 : vector<16xf32>
      %mul3A_613 = arith.mulf %max3A_612, %get3A_348 : vector<16xf32>
      %exp3A_614 = math.exp %mul3A_613 : vector<16xf32>
      %sub3A_615 = arith.constant 1.000000e+00 : f32
      %sub3A_616 = vector.broadcast %sub3A_615 : f32 to vector<16xf32>
      %sub3A_617 = arith.subf %sub3A_616, %exp3A_614 : vector<16xf32>
      %sub3A_618 = arith.constant 1.000000e+00 : f32
      %sub3A_619 = vector.broadcast %sub3A_618 : f32 to vector<16xf32>
      %sub3A_620 = arith.subf %sub3A_619, %sub3A_617 : vector<16xf32>
      %jit3A_621 = arith.constant 1.000000e+00 : f32
      %broadcast_in_dim3A_622 = vector.broadcast %jit3A_621 : f32 to vector<16xf32>
      %select_n3A_623 = arith.select %gt3A_609, %sub3A_620, %broadcast_in_dim3A_622 : vector<16xi1>, vector<16xf32>
      %mul3A_624 = arith.mulf %while3A_410, %select_n3A_623 : vector<16xf32>
      %mul3A_625 = arith.mulf %sub3A_617, %mul3A_624 : vector<16xf32>
      %jit3A_626 = arith.constant 0.000000e+00 : f32
      %broadcast_in_dim3A_627 = vector.broadcast %jit3A_626 : f32 to vector<16xf32>
      %select_n3A_628 = arith.select %gt3A_609, %mul3A_625, %broadcast_in_dim3A_627 : vector<16xi1>, vector<16xf32>
      %add3A_629 = arith.constant 1.000000e+00 : f32
      %add3A_630 = vector.broadcast %add3A_629 : f32 to vector<16xf32>
      %add3A_631 = arith.addf %add3A_630, %select_n3A_628 : vector<16xf32>
      %mul3A_632 = arith.mulf %while3A_411, %add3A_631 : vector<16xf32>
      %mul3A_633 = arith.constant 128 : i32
      %mul3A_634 = arith.muli %while3A_397, %mul3A_633 : i32
      %add3A_635 = arith.constant 112 : i32
      %add3A_636 = arith.addi %mul3A_634, %add3A_635 : i32
      %get3A_637 = arith.index_cast %add3A_636 : i32 to index
      %get3A_638 = tpu.vector_load %arg12[%get3A_637] {strides = array<i32>} : memref<21504xf32, #tpu.memory_space<vmem>>, vector<16xf32>,
      %get3A_639 = vector.shape_cast %get3A_638 : vector<16xf32> to vector<16xf32>
      %gt3A_640 = vector.broadcast %while3A_397 : i32 to vector<16xi32>
      %gt3A_641 = arith.cmpi sgt, %get3A_327, %gt3A_640 : vector<16xi32>
      %max3A_642 = arith.constant 0.000000e+00 : f32
      %max3A_643 = vector.broadcast %max3A_642 : f32 to vector<16xf32>
      %max3A_644 = arith.maximumf %get3A_639, %max3A_643 : vector<16xf32>
      %mul3A_645 = arith.mulf %max3A_644, %get3A_351 : vector<16xf32>
      %exp3A_646 = math.exp %mul3A_645 : vector<16xf32>
      %sub3A_647 = arith.constant 1.000000e+00 : f32
      %sub3A_648 = vector.broadcast %sub3A_647 : f32 to vector<16xf32>
      %sub3A_649 = arith.subf %sub3A_648, %exp3A_646 : vector<16xf32>
      %sub3A_650 = arith.constant 1.000000e+00 : f32
      %sub3A_651 = vector.broadcast %sub3A_650 : f32 to vector<16xf32>
      %sub3A_652 = arith.subf %sub3A_651, %sub3A_649 : vector<16xf32>
      %jit3A_653 = arith.constant 1.000000e+00 : f32
      %broadcast_in_dim3A_654 = vector.broadcast %jit3A_653 : f32 to vector<16xf32>
      %select_n3A_655 = arith.select %gt3A_641, %sub3A_652, %broadcast_in_dim3A_654 : vector<16xi1>, vector<16xf32>
      %mul3A_656 = arith.mulf %while3A_412, %select_n3A_655 : vector<16xf32>
      %mul3A_657 = arith.mulf %sub3A_649, %mul3A_656 : vector<16xf32>
      %jit3A_658 = arith.constant 0.000000e+00 : f32
      %broadcast_in_dim3A_659 = vector.broadcast %jit3A_658 : f32 to vector<16xf32>
      %select_n3A_660 = arith.select %gt3A_641, %mul3A_657, %broadcast_in_dim3A_659 : vector<16xi1>, vector<16xf32>
      %add3A_661 = arith.constant 1.000000e+00 : f32
      %add3A_662 = vector.broadcast %add3A_661 : f32 to vector<16xf32>
      %add3A_663 = arith.addf %add3A_662, %select_n3A_660 : vector<16xf32>
      %mul3A_664 = arith.mulf %while3A_413, %add3A_663 : vector<16xf32>
      scf.yield %mul3A_432, %mul3A_440, %mul3A_464, %mul3A_472, %mul3A_496, %mul3A_504, %mul3A_528, %mul3A_536, %mul3A_560, %mul3A_568, %mul3A_592, %mul3A_600, %mul3A_624, %mul3A_632, %mul3A_656, %mul3A_664 : vector<16xf32>, vector<16xf32>, vector<16xf32>, vector<16xf32>, vector<16xf32>, vector<16xf32>, vector<16xf32>, vector<16xf32>, vector<16xf32>, vector<16xf32>, vector<16xf32>, vector<16xf32>, vector<16xf32>, vector<16xf32>, vector<16xf32>, vector<16xf32>
    }
    %swap3A_365 = arith.constant 0 : index
    %swap3A_366 = tpu.vector_load %arg15[%swap3A_365] {strides = array<i32>} : memref<128xf32, #tpu.memory_space<vmem>>, vector<16xf32>,
    %swap3A_367 = vector.shape_cast %swap3A_366 : vector<16xf32> to vector<16xf32>
    %swap3A_368 = vector.shape_cast %while3A_364#1 : vector<16xf32> to vector<16xf32>
    tpu.vector_store %arg15[%swap3A_365], %swap3A_368 {strides = array<i32>} : memref<128xf32, #tpu.memory_space<vmem>>, vector<16xf32>,
    %swap3A_369 = arith.constant 16 : index
    %swap3A_370 = tpu.vector_load %arg15[%swap3A_369] {strides = array<i32>} : memref<128xf32, #tpu.memory_space<vmem>>, vector<16xf32>,
    %swap3A_371 = vector.shape_cast %swap3A_370 : vector<16xf32> to vector<16xf32>
    %swap3A_372 = vector.shape_cast %while3A_364#3 : vector<16xf32> to vector<16xf32>
    tpu.vector_store %arg15[%swap3A_369], %swap3A_372 {strides = array<i32>} : memref<128xf32, #tpu.memory_space<vmem>>, vector<16xf32>,
    %swap3A_373 = arith.constant 32 : index
    %swap3A_374 = tpu.vector_load %arg15[%swap3A_373] {strides = array<i32>} : memref<128xf32, #tpu.memory_space<vmem>>, vector<16xf32>,
    %swap3A_375 = vector.shape_cast %swap3A_374 : vector<16xf32> to vector<16xf32>
    %swap3A_376 = vector.shape_cast %while3A_364#5 : vector<16xf32> to vector<16xf32>
    tpu.vector_store %arg15[%swap3A_373], %swap3A_376 {strides = array<i32>} : memref<128xf32, #tpu.memory_space<vmem>>, vector<16xf32>,
    %swap3A_377 = arith.constant 48 : index
    %swap3A_378 = tpu.vector_load %arg15[%swap3A_377] {strides = array<i32>} : memref<128xf32, #tpu.memory_space<vmem>>, vector<16xf32>,
    %swap3A_379 = vector.shape_cast %swap3A_378 : vector<16xf32> to vector<16xf32>
    %swap3A_380 = vector.shape_cast %while3A_364#7 : vector<16xf32> to vector<16xf32>
    tpu.vector_store %arg15[%swap3A_377], %swap3A_380 {strides = array<i32>} : memref<128xf32, #tpu.memory_space<vmem>>, vector<16xf32>,
    %swap3A_381 = arith.constant 64 : index
    %swap3A_382 = tpu.vector_load %arg15[%swap3A_381] {strides = array<i32>} : memref<128xf32, #tpu.memory_space<vmem>>, vector<16xf32>,
    %swap3A_383 = vector.shape_cast %swap3A_382 : vector<16xf32> to vector<16xf32>
    %swap3A_384 = vector.shape_cast %while3A_364#9 : vector<16xf32> to vector<16xf32>
    tpu.vector_store %arg15[%swap3A_381], %swap3A_384 {strides = array<i32>} : memref<128xf32, #tpu.memory_space<vmem>>, vector<16xf32>,
    %swap3A_385 = arith.constant 80 : index
    %swap3A_386 = tpu.vector_load %arg15[%swap3A_385] {strides = array<i32>} : memref<128xf32, #tpu.memory_space<vmem>>, vector<16xf32>,
    %swap3A_387 = vector.shape_cast %swap3A_386 : vector<16xf32> to vector<16xf32>
    %swap3A_388 = vector.shape_cast %while3A_364#11 : vector<16xf32> to vector<16xf32>
    tpu.vector_store %arg15[%swap3A_385], %swap3A_388 {strides = array<i32>} : memref<128xf32, #tpu.memory_space<vmem>>, vector<16xf32>,
    %swap3A_389 = arith.constant 96 : index
    %swap3A_390 = tpu.vector_load %arg15[%swap3A_389] {strides = array<i32>} : memref<128xf32, #tpu.memory_space<vmem>>, vector<16xf32>,
    %swap3A_391 = vector.shape_cast %swap3A_390 : vector<16xf32> to vector<16xf32>
    %swap3A_392 = vector.shape_cast %while3A_364#13 : vector<16xf32> to vector<16xf32>
    tpu.vector_store %arg15[%swap3A_389], %swap3A_392 {strides = array<i32>} : memref<128xf32, #tpu.memory_space<vmem>>, vector<16xf32>,
    %swap3A_393 = arith.constant 112 : index
    %swap3A_394 = tpu.vector_load %arg15[%swap3A_393] {strides = array<i32>} : memref<128xf32, #tpu.memory_space<vmem>>, vector<16xf32>,
    %swap3A_395 = vector.shape_cast %swap3A_394 : vector<16xf32> to vector<16xf32>
    %swap3A_396 = vector.shape_cast %while3A_364#15 : vector<16xf32> to vector<16xf32>
    tpu.vector_store %arg15[%swap3A_393], %swap3A_396 {strides = array<i32>} : memref<128xf32, #tpu.memory_space<vmem>>, vector<16xf32>,
    "tpu.region"() ({
      %run_scoped3A = tpu.sem_alloc : memref<!tpu.dma_semaphore, #tpu.memory_space<semaphore_mem>>
      %dma_start3A = arith.constant 0 : i32
      %dma_start3A_397 = tpu.memref_slice %arg6[%add3A_6, %dma_start3A] : memref<64x128xf32, #tpu.memory_space<hbm>> -> memref<1x128xf32, #tpu.memory_space<hbm>>
      %dma_start3A_398 = tpu.memref_squeeze %dma_start3A_397 : memref<1x128xf32, #tpu.memory_space<hbm>> -> memref<128xf32, #tpu.memory_space<hbm>>
      %dma_start3A_399 = arith.constant 0 : i32
      %dma_start3A_400 = tpu.memref_slice %arg6[%add3A_6, %dma_start3A_399] : memref<64x128xf32, #tpu.memory_space<hbm>> -> memref<1x128xf32, #tpu.memory_space<hbm>>
      %dma_start3A_401 = tpu.memref_squeeze %dma_start3A_400 : memref<1x128xf32, #tpu.memory_space<hbm>> -> memref<128xf32, #tpu.memory_space<hbm>>
      tpu.enqueue_dma source(%arg15 : memref<128xf32, #tpu.memory_space<vmem>>) target(%dma_start3A_401 : memref<128xf32, #tpu.memory_space<hbm>>) target_semaphore(%run_scoped3A : memref<!tpu.dma_semaphore, #tpu.memory_space<semaphore_mem>>)
      %dma_wait3A = arith.constant 0 : i32
      %dma_wait3A_402 = tpu.memref_slice %arg6[%add3A_6, %dma_wait3A] : memref<64x128xf32, #tpu.memory_space<hbm>> -> memref<1x128xf32, #tpu.memory_space<hbm>>
      %dma_wait3A_403 = tpu.memref_squeeze %dma_wait3A_402 : memref<1x128xf32, #tpu.memory_space<hbm>> -> memref<128xf32, #tpu.memory_space<hbm>>
      %dma_wait3A_404 = arith.constant 0 : i32
      %dma_wait3A_405 = tpu.memref_slice %arg6[%add3A_6, %dma_wait3A_404] : memref<64x128xf32, #tpu.memory_space<hbm>> -> memref<1x128xf32, #tpu.memory_space<hbm>>
      %dma_wait3A_406 = tpu.memref_squeeze %dma_wait3A_405 : memref<1x128xf32, #tpu.memory_space<hbm>> -> memref<128xf32, #tpu.memory_space<hbm>>
      tpu.wait_dma2 semaphore(%run_scoped3A : memref<!tpu.dma_semaphore, #tpu.memory_space<semaphore_mem>>) src(%arg15 : memref<128xf32, #tpu.memory_space<vmem>>) dst(%dma_wait3A_406 : memref<128xf32, #tpu.memory_space<hbm>>)
      tpu.yield
    }) : () -> ()
    return
  }
}

module attributes {stable_mosaic.version = 14 : i64} {
  func.func @_tc_prepass(%arg0: i32, %arg1: memref<6x128xf32, #tpu.memory_space<vmem>>, %arg2: memref<1x168x128xi32, #tpu.memory_space<vmem>>, %arg3: memref<1x1x128xi32, #tpu.memory_space<vmem>>, %arg4: memref<1x1x128xf32, #tpu.memory_space<vmem>>) attributes {dimension_semantics = [#tpu.dimension_semantics<arbitrary>], iteration_bounds = array<i64: 64>, scalar_prefetch = 0 : i64, scratch_operands = 0 : i64, tpu.core_type = #tpu.core_type<tc>, window_params = [{transform_indices = @transform_0, window_bounds = array<i64: 6, 128>}, {transform_indices = @transform_1, window_bounds = array<i64: 1, 168, 128>}, {transform_indices = @transform_2, window_bounds = array<i64: 1, 1, 128>}, {transform_indices = @transform_3, window_bounds = array<i64: 1, 1, 128>}]} {
    %get3A = arith.constant 0 : index
    %get3A_0 = arith.constant 0 : index
    %get3A_1 = vector.load %arg1[%get3A, %get3A_0] : memref<6x128xf32, #tpu.memory_space<vmem>>, vector<1x128xf32>
    %get3A_2 = arith.constant 1 : index
    %get3A_3 = arith.constant 0 : index
    %get3A_4 = vector.load %arg1[%get3A_2, %get3A_3] : memref<6x128xf32, #tpu.memory_space<vmem>>, vector<1x128xf32>
    %get3A_5 = arith.constant 2 : index
    %get3A_6 = arith.constant 0 : index
    %get3A_7 = vector.load %arg1[%get3A_5, %get3A_6] : memref<6x128xf32, #tpu.memory_space<vmem>>, vector<1x128xf32>
    %get3A_8 = arith.constant 3 : index
    %get3A_9 = arith.constant 0 : index
    %get3A_10 = vector.load %arg1[%get3A_8, %get3A_9] : memref<6x128xf32, #tpu.memory_space<vmem>>, vector<1x128xf32>
    %get3A_11 = arith.constant 4 : index
    %get3A_12 = arith.constant 0 : index
    %get3A_13 = vector.load %arg1[%get3A_11, %get3A_12] : memref<6x128xf32, #tpu.memory_space<vmem>>, vector<1x128xf32>
    %get3A_14 = arith.constant 5 : index
    %get3A_15 = arith.constant 0 : index
    %get3A_16 = vector.load %arg1[%get3A_14, %get3A_15] : memref<6x128xf32, #tpu.memory_space<vmem>>, vector<1x128xf32>
    %mul3A = arith.mulf %get3A_10, %get3A_10 : vector<1x128xf32>
    %mul3A_17 = arith.mulf %get3A_13, %get3A_13 : vector<1x128xf32>
    %add3A = arith.addf %mul3A, %mul3A_17 : vector<1x128xf32>
    %mul3A_18 = arith.mulf %get3A_16, %get3A_16 : vector<1x128xf32>
    %add3A_19 = arith.addf %add3A, %mul3A_18 : vector<1x128xf32>
    %sqrt3A = math.sqrt %add3A_19 : vector<1x128xf32>
    %div3A = arith.divf %get3A_10, %sqrt3A : vector<1x128xf32>
    %div3A_20 = arith.divf %get3A_13, %sqrt3A : vector<1x128xf32>
    %div3A_21 = arith.divf %get3A_16, %sqrt3A : vector<1x128xf32>
    %eq3A = arith.constant 0.000000e+00 : f32
    %eq3A_22 = vector.broadcast %eq3A : f32 to vector<1x128xf32>
    %eq3A_23 = arith.cmpf oeq, %div3A, %eq3A_22 : vector<1x128xf32>
    %jit3A = arith.constant 1.000000e+00 : f32
    %broadcast_in_dim3A = vector.broadcast %jit3A : f32 to vector<1x128xf32>
    %select_n3A = arith.select %eq3A_23, %broadcast_in_dim3A, %div3A : vector<1x128xi1>, vector<1x128xf32>
    %neg3A = arith.constant 0.000000e+00 : f32
    %neg3A_24 = arith.constant 1.000000e+30 : f32
    %neg3A_25 = arith.subf %neg3A, %neg3A_24 : f32
    %sub3A = arith.constant -1.500000e+00 : f32
    %sub3A_26 = vector.broadcast %sub3A : f32 to vector<1x128xf32>
    %sub3A_27 = arith.subf %sub3A_26, %get3A_1 : vector<1x128xf32>
    %div3A_28 = arith.divf %sub3A_27, %select_n3A : vector<1x128xf32>
    %broadcast_in_dim3A_29 = vector.broadcast %neg3A_25 : f32 to vector<1x128xf32>
    %select_n3A_30 = arith.select %eq3A_23, %broadcast_in_dim3A_29, %div3A_28 : vector<1x128xi1>, vector<1x128xf32>
    %sub3A_31 = arith.constant 1.500000e+00 : f32
    %sub3A_32 = vector.broadcast %sub3A_31 : f32 to vector<1x128xf32>
    %sub3A_33 = arith.subf %sub3A_32, %get3A_1 : vector<1x128xf32>
    %div3A_34 = arith.divf %sub3A_33, %select_n3A : vector<1x128xf32>
    %jit3A_35 = arith.constant 1.000000e+30 : f32
    %broadcast_in_dim3A_36 = vector.broadcast %jit3A_35 : f32 to vector<1x128xf32>
    %select_n3A_37 = arith.select %eq3A_23, %broadcast_in_dim3A_36, %div3A_34 : vector<1x128xi1>, vector<1x128xf32>
    %min3A = arith.minimumf %select_n3A_30, %select_n3A_37 : vector<1x128xf32>
    %max3A = arith.maximumf %select_n3A_30, %select_n3A_37 : vector<1x128xf32>
    %not3A = arith.constant dense<true> : vector<1x128xi1>
    %not3A_38 = arith.xori %eq3A_23, %not3A : vector<1x128xi1>
    %ge3A = arith.constant -1.500000e+00 : f32
    %ge3A_39 = vector.broadcast %ge3A : f32 to vector<1x128xf32>
    %ge3A_40 = arith.cmpf oge, %get3A_1, %ge3A_39 : vector<1x128xf32>
    %le3A = arith.constant 1.500000e+00 : f32
    %le3A_41 = vector.broadcast %le3A : f32 to vector<1x128xf32>
    %le3A_42 = arith.cmpf ole, %get3A_1, %le3A_41 : vector<1x128xf32>
    %and3A = arith.andi %ge3A_40, %le3A_42 : vector<1x128xi1>
    %or3A = arith.ori %not3A_38, %and3A : vector<1x128xi1>
    %eq3A_43 = arith.constant 0.000000e+00 : f32
    %eq3A_44 = vector.broadcast %eq3A_43 : f32 to vector<1x128xf32>
    %eq3A_45 = arith.cmpf oeq, %div3A_20, %eq3A_44 : vector<1x128xf32>
    %jit3A_46 = arith.constant 1.000000e+00 : f32
    %broadcast_in_dim3A_47 = vector.broadcast %jit3A_46 : f32 to vector<1x128xf32>
    %select_n3A_48 = arith.select %eq3A_45, %broadcast_in_dim3A_47, %div3A_20 : vector<1x128xi1>, vector<1x128xf32>
    %neg3A_49 = arith.constant 0.000000e+00 : f32
    %neg3A_50 = arith.constant 1.000000e+30 : f32
    %neg3A_51 = arith.subf %neg3A_49, %neg3A_50 : f32
    %sub3A_52 = arith.constant -1.500000e+00 : f32
    %sub3A_53 = vector.broadcast %sub3A_52 : f32 to vector<1x128xf32>
    %sub3A_54 = arith.subf %sub3A_53, %get3A_4 : vector<1x128xf32>
    %div3A_55 = arith.divf %sub3A_54, %select_n3A_48 : vector<1x128xf32>
    %broadcast_in_dim3A_56 = vector.broadcast %neg3A_51 : f32 to vector<1x128xf32>
    %select_n3A_57 = arith.select %eq3A_45, %broadcast_in_dim3A_56, %div3A_55 : vector<1x128xi1>, vector<1x128xf32>
    %sub3A_58 = arith.constant 1.500000e+00 : f32
    %sub3A_59 = vector.broadcast %sub3A_58 : f32 to vector<1x128xf32>
    %sub3A_60 = arith.subf %sub3A_59, %get3A_4 : vector<1x128xf32>
    %div3A_61 = arith.divf %sub3A_60, %select_n3A_48 : vector<1x128xf32>
    %jit3A_62 = arith.constant 1.000000e+30 : f32
    %broadcast_in_dim3A_63 = vector.broadcast %jit3A_62 : f32 to vector<1x128xf32>
    %select_n3A_64 = arith.select %eq3A_45, %broadcast_in_dim3A_63, %div3A_61 : vector<1x128xi1>, vector<1x128xf32>
    %min3A_65 = arith.minimumf %select_n3A_57, %select_n3A_64 : vector<1x128xf32>
    %max3A_66 = arith.maximumf %select_n3A_57, %select_n3A_64 : vector<1x128xf32>
    %not3A_67 = arith.constant dense<true> : vector<1x128xi1>
    %not3A_68 = arith.xori %eq3A_45, %not3A_67 : vector<1x128xi1>
    %ge3A_69 = arith.constant -1.500000e+00 : f32
    %ge3A_70 = vector.broadcast %ge3A_69 : f32 to vector<1x128xf32>
    %ge3A_71 = arith.cmpf oge, %get3A_4, %ge3A_70 : vector<1x128xf32>
    %le3A_72 = arith.constant 1.500000e+00 : f32
    %le3A_73 = vector.broadcast %le3A_72 : f32 to vector<1x128xf32>
    %le3A_74 = arith.cmpf ole, %get3A_4, %le3A_73 : vector<1x128xf32>
    %and3A_75 = arith.andi %ge3A_71, %le3A_74 : vector<1x128xi1>
    %or3A_76 = arith.ori %not3A_68, %and3A_75 : vector<1x128xi1>
    %eq3A_77 = arith.constant 0.000000e+00 : f32
    %eq3A_78 = vector.broadcast %eq3A_77 : f32 to vector<1x128xf32>
    %eq3A_79 = arith.cmpf oeq, %div3A_21, %eq3A_78 : vector<1x128xf32>
    %jit3A_80 = arith.constant 1.000000e+00 : f32
    %broadcast_in_dim3A_81 = vector.broadcast %jit3A_80 : f32 to vector<1x128xf32>
    %select_n3A_82 = arith.select %eq3A_79, %broadcast_in_dim3A_81, %div3A_21 : vector<1x128xi1>, vector<1x128xf32>
    %neg3A_83 = arith.constant 0.000000e+00 : f32
    %neg3A_84 = arith.constant 1.000000e+30 : f32
    %neg3A_85 = arith.subf %neg3A_83, %neg3A_84 : f32
    %sub3A_86 = arith.constant -1.500000e+00 : f32
    %sub3A_87 = vector.broadcast %sub3A_86 : f32 to vector<1x128xf32>
    %sub3A_88 = arith.subf %sub3A_87, %get3A_7 : vector<1x128xf32>
    %div3A_89 = arith.divf %sub3A_88, %select_n3A_82 : vector<1x128xf32>
    %broadcast_in_dim3A_90 = vector.broadcast %neg3A_85 : f32 to vector<1x128xf32>
    %select_n3A_91 = arith.select %eq3A_79, %broadcast_in_dim3A_90, %div3A_89 : vector<1x128xi1>, vector<1x128xf32>
    %sub3A_92 = arith.constant 1.500000e+00 : f32
    %sub3A_93 = vector.broadcast %sub3A_92 : f32 to vector<1x128xf32>
    %sub3A_94 = arith.subf %sub3A_93, %get3A_7 : vector<1x128xf32>
    %div3A_95 = arith.divf %sub3A_94, %select_n3A_82 : vector<1x128xf32>
    %jit3A_96 = arith.constant 1.000000e+30 : f32
    %broadcast_in_dim3A_97 = vector.broadcast %jit3A_96 : f32 to vector<1x128xf32>
    %select_n3A_98 = arith.select %eq3A_79, %broadcast_in_dim3A_97, %div3A_95 : vector<1x128xi1>, vector<1x128xf32>
    %min3A_99 = arith.minimumf %select_n3A_91, %select_n3A_98 : vector<1x128xf32>
    %max3A_100 = arith.maximumf %select_n3A_91, %select_n3A_98 : vector<1x128xf32>
    %not3A_101 = arith.constant dense<true> : vector<1x128xi1>
    %not3A_102 = arith.xori %eq3A_79, %not3A_101 : vector<1x128xi1>
    %ge3A_103 = arith.constant -1.500000e+00 : f32
    %ge3A_104 = vector.broadcast %ge3A_103 : f32 to vector<1x128xf32>
    %ge3A_105 = arith.cmpf oge, %get3A_7, %ge3A_104 : vector<1x128xf32>
    %le3A_106 = arith.constant 1.500000e+00 : f32
    %le3A_107 = vector.broadcast %le3A_106 : f32 to vector<1x128xf32>
    %le3A_108 = arith.cmpf ole, %get3A_7, %le3A_107 : vector<1x128xf32>
    %and3A_109 = arith.andi %ge3A_105, %le3A_108 : vector<1x128xi1>
    %or3A_110 = arith.ori %not3A_102, %and3A_109 : vector<1x128xi1>
    %max3A_111 = arith.maximumf %min3A, %min3A_65 : vector<1x128xf32>
    %max3A_112 = arith.maximumf %max3A_111, %min3A_99 : vector<1x128xf32>
    %min3A_113 = arith.minimumf %max3A, %max3A_66 : vector<1x128xf32>
    %min3A_114 = arith.minimumf %min3A_113, %max3A_100 : vector<1x128xf32>
    %and3A_115 = arith.andi %or3A, %or3A_76 : vector<1x128xi1>
    %and3A_116 = arith.andi %and3A_115, %or3A_110 : vector<1x128xi1>
    %le3A_117 = arith.cmpf ole, %max3A_112, %min3A_114 : vector<1x128xf32>
    %and3A_118 = arith.andi %le3A_117, %and3A_116 : vector<1x128xi1>
    %sub3A_119 = arith.subf %min3A_114, %max3A_112 : vector<1x128xf32>
    %mul3A_120 = arith.constant 3.200000e+01 : f32
    %mul3A_121 = vector.broadcast %mul3A_120 : f32 to vector<1x128xf32>
    %mul3A_122 = arith.mulf %sub3A_119, %mul3A_121 : vector<1x128xf32>
    %min3A_123 = arith.constant 2.560000e+02 : f32
    %min3A_124 = vector.broadcast %min3A_123 : f32 to vector<1x128xf32>
    %min3A_125 = arith.minimumf %mul3A_122, %min3A_124 : vector<1x128xf32>
    %convert_element_type3A = arith.fptosi %min3A_125 : vector<1x128xf32> to vector<1x128xi32>
    %jit3A_126 = arith.constant 0 : i32
    %broadcast_in_dim3A_127 = vector.broadcast %jit3A_126 : i32 to vector<1x128xi32>
    %select_n3A_128 = arith.select %and3A_118, %convert_element_type3A, %broadcast_in_dim3A_127 : vector<1x128xi1>, vector<1x128xi32>
    %max3A_129 = arith.constant 1 : i32
    %max3A_130 = vector.broadcast %max3A_129 : i32 to vector<1x128xi32>
    %max3A_131 = arith.maxsi %select_n3A_128, %max3A_130 : vector<1x128xi32>
    %convert_element_type3A_132 = arith.sitofp %max3A_131 : vector<1x128xi32> to vector<1x128xf32>
    %div3A_133 = arith.divf %sub3A_119, %convert_element_type3A_132 : vector<1x128xf32>
    %iota3A = tpu.iota {dimensions = array<i32: 0>} : vector<168x128xi32>
    %convert_element_type3A_134 = arith.sitofp %iota3A : vector<168x128xi32> to vector<168x128xf32>
    %add3A_135 = arith.constant 5.000000e-01 : f32
    %add3A_136 = vector.broadcast %add3A_135 : f32 to vector<168x128xf32>
    %add3A_137 = arith.addf %convert_element_type3A_134, %add3A_136 : vector<168x128xf32>
    %mul3A_138 = vector.broadcast %sub3A_119 : vector<1x128xf32> to vector<168x128xf32>
    %mul3A_139 = arith.mulf %mul3A_138, %add3A_137 : vector<168x128xf32>
    %div3A_140 = vector.broadcast %convert_element_type3A_132 : vector<1x128xf32> to vector<168x128xf32>
    %div3A_141 = arith.divf %mul3A_139, %div3A_140 : vector<168x128xf32>
    %add3A_142 = vector.broadcast %max3A_112 : vector<1x128xf32> to vector<168x128xf32>
    %add3A_143 = arith.addf %add3A_142, %div3A_141 : vector<168x128xf32>
    %mul3A_144 = vector.broadcast %div3A : vector<1x128xf32> to vector<168x128xf32>
    %mul3A_145 = arith.mulf %mul3A_144, %add3A_143 : vector<168x128xf32>
    %add3A_146 = vector.broadcast %get3A_1 : vector<1x128xf32> to vector<168x128xf32>
    %add3A_147 = arith.addf %add3A_146, %mul3A_145 : vector<168x128xf32>
    %div3A_148 = arith.constant 1.500000e+00 : f32
    %div3A_149 = vector.broadcast %div3A_148 : f32 to vector<168x128xf32>
    %div3A_150 = arith.divf %add3A_147, %div3A_149 : vector<168x128xf32>
    %mul3A_151 = arith.constant 5.000000e-01 : f32
    %mul3A_152 = vector.broadcast %mul3A_151 : f32 to vector<168x128xf32>
    %mul3A_153 = arith.mulf %div3A_150, %mul3A_152 : vector<168x128xf32>
    %add3A_154 = arith.constant 5.000000e-01 : f32
    %add3A_155 = vector.broadcast %add3A_154 : f32 to vector<168x128xf32>
    %add3A_156 = arith.addf %mul3A_153, %add3A_155 : vector<168x128xf32>
    %mul3A_157 = arith.constant 1.280000e+02 : f32
    %mul3A_158 = vector.broadcast %mul3A_157 : f32 to vector<168x128xf32>
    %mul3A_159 = arith.mulf %add3A_156, %mul3A_158 : vector<168x128xf32>
    %floor3A = math.floor %mul3A_159 : vector<168x128xf32>
    %convert_element_type3A_160 = arith.fptosi %floor3A : vector<168x128xf32> to vector<168x128xi32>
    %jit3A_161 = arith.constant 0 : i32
    %jit3A_162 = arith.constant 127 : i32
    %max3A_163 = vector.broadcast %jit3A_161 : i32 to vector<168x128xi32>
    %max3A_164 = arith.maxsi %max3A_163, %convert_element_type3A_160 : vector<168x128xi32>
    %min3A_165 = vector.broadcast %jit3A_162 : i32 to vector<168x128xi32>
    %min3A_166 = arith.minsi %min3A_165, %max3A_164 : vector<168x128xi32>
    %mul3A_167 = vector.broadcast %div3A_20 : vector<1x128xf32> to vector<168x128xf32>
    %mul3A_168 = arith.mulf %mul3A_167, %add3A_143 : vector<168x128xf32>
    %add3A_169 = vector.broadcast %get3A_4 : vector<1x128xf32> to vector<168x128xf32>
    %add3A_170 = arith.addf %add3A_169, %mul3A_168 : vector<168x128xf32>
    %div3A_171 = arith.constant 1.500000e+00 : f32
    %div3A_172 = vector.broadcast %div3A_171 : f32 to vector<168x128xf32>
    %div3A_173 = arith.divf %add3A_170, %div3A_172 : vector<168x128xf32>
    %mul3A_174 = arith.constant 5.000000e-01 : f32
    %mul3A_175 = vector.broadcast %mul3A_174 : f32 to vector<168x128xf32>
    %mul3A_176 = arith.mulf %div3A_173, %mul3A_175 : vector<168x128xf32>
    %add3A_177 = arith.constant 5.000000e-01 : f32
    %add3A_178 = vector.broadcast %add3A_177 : f32 to vector<168x128xf32>
    %add3A_179 = arith.addf %mul3A_176, %add3A_178 : vector<168x128xf32>
    %mul3A_180 = arith.constant 1.280000e+02 : f32
    %mul3A_181 = vector.broadcast %mul3A_180 : f32 to vector<168x128xf32>
    %mul3A_182 = arith.mulf %add3A_179, %mul3A_181 : vector<168x128xf32>
    %floor3A_183 = math.floor %mul3A_182 : vector<168x128xf32>
    %convert_element_type3A_184 = arith.fptosi %floor3A_183 : vector<168x128xf32> to vector<168x128xi32>
    %jit3A_185 = arith.constant 0 : i32
    %jit3A_186 = arith.constant 127 : i32
    %max3A_187 = vector.broadcast %jit3A_185 : i32 to vector<168x128xi32>
    %max3A_188 = arith.maxsi %max3A_187, %convert_element_type3A_184 : vector<168x128xi32>
    %min3A_189 = vector.broadcast %jit3A_186 : i32 to vector<168x128xi32>
    %min3A_190 = arith.minsi %min3A_189, %max3A_188 : vector<168x128xi32>
    %mul3A_191 = vector.broadcast %div3A_21 : vector<1x128xf32> to vector<168x128xf32>
    %mul3A_192 = arith.mulf %mul3A_191, %add3A_143 : vector<168x128xf32>
    %add3A_193 = vector.broadcast %get3A_7 : vector<1x128xf32> to vector<168x128xf32>
    %add3A_194 = arith.addf %add3A_193, %mul3A_192 : vector<168x128xf32>
    %div3A_195 = arith.constant 1.500000e+00 : f32
    %div3A_196 = vector.broadcast %div3A_195 : f32 to vector<168x128xf32>
    %div3A_197 = arith.divf %add3A_194, %div3A_196 : vector<168x128xf32>
    %mul3A_198 = arith.constant 5.000000e-01 : f32
    %mul3A_199 = vector.broadcast %mul3A_198 : f32 to vector<168x128xf32>
    %mul3A_200 = arith.mulf %div3A_197, %mul3A_199 : vector<168x128xf32>
    %add3A_201 = arith.constant 5.000000e-01 : f32
    %add3A_202 = vector.broadcast %add3A_201 : f32 to vector<168x128xf32>
    %add3A_203 = arith.addf %mul3A_200, %add3A_202 : vector<168x128xf32>
    %mul3A_204 = arith.constant 1.280000e+02 : f32
    %mul3A_205 = vector.broadcast %mul3A_204 : f32 to vector<168x128xf32>
    %mul3A_206 = arith.mulf %add3A_203, %mul3A_205 : vector<168x128xf32>
    %floor3A_207 = math.floor %mul3A_206 : vector<168x128xf32>
    %convert_element_type3A_208 = arith.fptosi %floor3A_207 : vector<168x128xf32> to vector<168x128xi32>
    %jit3A_209 = arith.constant 0 : i32
    %jit3A_210 = arith.constant 127 : i32
    %max3A_211 = vector.broadcast %jit3A_209 : i32 to vector<168x128xi32>
    %max3A_212 = arith.maxsi %max3A_211, %convert_element_type3A_208 : vector<168x128xi32>
    %min3A_213 = vector.broadcast %jit3A_210 : i32 to vector<168x128xi32>
    %min3A_214 = arith.minsi %min3A_213, %max3A_212 : vector<168x128xi32>
    %mul3A_215 = arith.constant 128 : i32
    %mul3A_216 = vector.broadcast %mul3A_215 : i32 to vector<168x128xi32>
    %mul3A_217 = arith.muli %min3A_166, %mul3A_216 : vector<168x128xi32>
    %add3A_218 = arith.addi %mul3A_217, %min3A_190 : vector<168x128xi32>
    %mul3A_219 = arith.constant 128 : i32
    %mul3A_220 = vector.broadcast %mul3A_219 : i32 to vector<168x128xi32>
    %mul3A_221 = arith.muli %add3A_218, %mul3A_220 : vector<168x128xi32>
    %add3A_222 = arith.addi %mul3A_221, %min3A_214 : vector<168x128xi32>
    %reshape3A = vector.shape_cast %add3A_222 : vector<168x128xi32> to vector<1x168x128xi32>
    %swap3A = arith.constant 0 : index
    %swap3A_223 = arith.constant 0 : index
    %swap3A_224 = arith.constant 0 : index
    %swap3A_225 = vector.load %arg2[%swap3A, %swap3A_223, %swap3A_224] : memref<1x168x128xi32, #tpu.memory_space<vmem>>, vector<1x168x128xi32>
    tpu.vector_store %arg2[%swap3A, %swap3A_223, %swap3A_224], %reshape3A {strides = array<i32>} : memref<1x168x128xi32, #tpu.memory_space<vmem>>, vector<1x168x128xi32>,
    %reshape3A_226 = vector.shape_cast %select_n3A_128 : vector<1x128xi32> to vector<1x1x128xi32>
    %swap3A_227 = arith.constant 0 : index
    %swap3A_228 = arith.constant 0 : index
    %swap3A_229 = arith.constant 0 : index
    %swap3A_230 = vector.load %arg3[%swap3A_227, %swap3A_228, %swap3A_229] : memref<1x1x128xi32, #tpu.memory_space<vmem>>, vector<1x1x128xi32>
    tpu.vector_store %arg3[%swap3A_227, %swap3A_228, %swap3A_229], %reshape3A_226 {strides = array<i32>} : memref<1x1x128xi32, #tpu.memory_space<vmem>>, vector<1x1x128xi32>,
    %reshape3A_231 = vector.shape_cast %div3A_133 : vector<1x128xf32> to vector<1x1x128xf32>
    %swap3A_232 = arith.constant 0 : index
    %swap3A_233 = arith.constant 0 : index
    %swap3A_234 = arith.constant 0 : index
    %swap3A_235 = vector.load %arg4[%swap3A_232, %swap3A_233, %swap3A_234] : memref<1x1x128xf32, #tpu.memory_space<vmem>>, vector<1x1x128xf32>
    tpu.vector_store %arg4[%swap3A_232, %swap3A_233, %swap3A_234], %reshape3A_231 {strides = array<i32>} : memref<1x1x128xf32, #tpu.memory_space<vmem>>, vector<1x1x128xf32>,
    return
  }
  func.func @transform_0(%arg0: i32) -> (i32, i32) {
    %c0_i32 = arith.constant 0 : i32
    %c0_i32_0 = arith.constant 0 : i32
    return %c0_i32, %arg0 : i32, i32
  }
  func.func @transform_1(%arg0: i32) -> (i32, i32, i32) {
    %c0_i32 = arith.constant 0 : i32
    %c0_i32_0 = arith.constant 0 : i32
    %c0_i32_1 = arith.constant 0 : i32
    return %arg0, %c0_i32, %c0_i32_0 : i32, i32, i32
  }
  func.func @transform_2(%arg0: i32) -> (i32, i32, i32) {
    %c0_i32 = arith.constant 0 : i32
    %c0_i32_0 = arith.constant 0 : i32
    %c0_i32_1 = arith.constant 0 : i32
    return %arg0, %c0_i32, %c0_i32_0 : i32, i32, i32
  }
  func.func @transform_3(%arg0: i32) -> (i32, i32, i32) {
    %c0_i32 = arith.constant 0 : i32
    %c0_i32_0 = arith.constant 0 : i32
    %c0_i32_1 = arith.constant 0 : i32
    return %arg0, %c0_i32, %c0_i32_0 : i32, i32, i32
  }
}

</mosaic_0001>

<sc_bundles>
// kernel: kernel.4.cloned.1.call-start
scs
__scs_entry_jumppad:
0x0: {  	(pc) =	sbr.rel $0x88, $3  }
0x1: {  	(tag) =	ssettag $0x0;
	lr =	simm.s32 $0x1  }
0x2: {  	[smem:$0x3F9F] =	sst lr;
	_ =	strace $0xD0000000  }
0x3: {  	_ = 	snop  }
0x4: {  	_ = 	snop  }
0x5: {  	_ = 	snop  }
0x6: {  	_ = 	snop  }
0x7: {  	_ = 	snop  }
__scs_overlays_trampoline_lowered:
0x8: {  	[smem:$0x3FAE] =	sst s0  }
0x9: {  	[smem:$0x3FAF] =	sst s1  }
0xa: {  	[smem:$0x3FB0] =	sst s2  }
0xb: {  	[smem:$0x3FB1] =	sst s3  }
0xc: {  	[smem:$0x3FB2] =	sst s4  }
0xd: {  	[smem:$0x3FB3] =	sst s5  }
0xe: {  	[smem:$0x3FB4] =	sst s6  }
0xf: {  	[smem:$0x3FB5] =	sst s7  }
0x10: {  	[smem:$0x3FB6] =	sst s8  }
0x11: {  	[smem:$0x3FB7] =	sst s9;
	s0 =	simm.s32 @!p0 $0x0  }
0x12: {  	s1 =	sld [smem:$0x3F9D];
	s0 =	simm.s32 @p0 $0x1  }
0x13: {  	[smem:$0x3FB8] =	sst s0;
	s0 =	simm.s32 @!p1 $0x0  }
0x14: {  	s2 =	sld [smem:$0x3F9C];
	s0 =	simm.s32 @p1 $0x1  }
0x15: {  	[smem:$0x3FB9] =	sst s0;
	s0 =	simm.s32 @!p2 $0x0  }
0x16: {  	s3 =	sld [smem:$0x3FDB];
	s0 =	simm.s32 @p2 $0x1  }
0x17: {  	s4 =	simm.s32 $0x1BF5;
	[smem:$0x3FBB] =	sst s0  }
0x18: {  	s0 =	sld [smem:$0x3F9E];
	_ =	swait.ge [sflag:s4], $0x0  }
0x19: {  	s7 =	sld [smem:$0x3F9F]  }
0x1a: {  	s8 =	sadd.s32 $0xFFFFE003, lr  }
0x1b: {  	s9 =	sadd.s32 $0xFFFFFEF7, lr;
	s5 =	simm.s32 $0xFFFFFFFF;
	p2 =	slt.u32 s8, $0xFFFFF086  }
0x1c: {  	p1 =	slt.u32 s9, $0xF7A;
	s5 =	simm.s32 @!p2 $0x0  }
0x1d: {  	s5 =	simm.s32 @p1 $0x1;
	p0 =	seq.s32 s7, s2  }
0x1e: {  	s7 =	smul.u32 @!p0 $0xF7A, s2;
	p2 =	seq.s32 @!p0 s5, $0x0  }
0x1f: {  	s9 =	smul.u32 $0xF7A, s1;
	s8 =	simm.s32 @!p0 $0x1BF5;
	p2 =	por !p2, p0  }
0x20: {  	[sflag:s8] =	ssyncset.s32 @!p0 $0xFFFFF086;
	s6 =	sadd.s32 @!p0 s3, s7;
	s7 =	simm.s32 @!p0 $0x108  }
0x21: {  	s3 =	sadd.s32 s3, s9;
	s6 =	sadd.s32 @!p0 $0x88, s6;
	s7 =	simm.s32 @p2 $0x1082  }
0x22: {  	[simem:s7], [sflag:s8] =	dma.local @!p0 [hbm:s6], $0xF7A  }
0x23: {  	s9 =	sor.u32 $0xD0000000, s2;
	s6 =	simm.s32 $0x108;
	_ =	swait.ge @!p0 [sflag:s8], $0x0  }
0x24: {  	s3 =	sadd.s32 $0x88, s3;
	s6 =	simm.s32 @!p1 $0x1082;
	[sflag:s4] =	ssyncset.s32 $0xFFFFF086  }
0x25: {  	[simem:s6], [sflag:s4] =	dma.local [hbm:s3], $0xF7A  }
0x26: {  	[smem:$0x3F9F] =	sst s1;
	(tag) =	ssettag s2;
	_ =	strace s9  }
0x27: {  	s1 =	sld [smem:$0x3FAF]  }
0x28: {  	s2 =	sld [smem:$0x3FB0]  }
0x29: {  	s4 =	sld [smem:$0x3FB2]  }
0x2a: {  	p0 =	seq.s32 s5, $0x0;
	s5 =	sld [smem:$0x3FB3]  }
0x2b: {  	s6 =	sld [smem:$0x3FB4]  }
0x2c: {  	s7 =	sld [smem:$0x3FB5]  }
0x2d: {  	s3 =	simm.s32 $0x108;
	s8 =	sld [smem:$0x3FB6]  }
0x2e: {  	s3 =	simm.s32 @!p0 $0x1082;
	s9 =	sld [smem:$0x3FB7]  }
0x2f: {  	lr =	sadd.s32 s0, s3;
	s0 =	sld [smem:$0x3FAE]  }
0x30: {  	s3 =	sld [smem:$0x3FB1]  }
0x31: {  	[smem:$0x3FBA] =	sst s10  }
0x32: {  	s10 =	sld [smem:$0x3FB8];
	_ =	sdelay $0x3  }
0x33: {  	p0 =	seq.s32 s10, $0x1;
	s10 =	sld [smem:$0x3FBA];
	_ =	sdelay $0x3  }
0x34: {  	[smem:$0x3FBA] =	sst s10  }
0x35: {  	s10 =	sld [smem:$0x3FB9];
	_ =	sdelay $0x3  }
0x36: {  	p1 =	seq.s32 s10, $0x1;
	s10 =	sld [smem:$0x3FBA];
	_ =	sdelay $0x3  }
0x37: {  	[smem:$0x3FBA] =	sst s10  }
0x38: {  	s10 =	sld [smem:$0x3FBB]  }
0x39: {  	_ = 	snop;
	(pc) =	sbr.ind lr, $3  }
0x3a: {  	_ = 	snop  }
0x3b: {  	_ = 	snop  }
0x3c: {  	p2 =	seq.s32 s10, $0x1;
	s10 =	sld [smem:$0x3FBA]  }
0x3d: {  	_ =	shalt  }
0x3e: {  	_ =	shalt  }
0x3f: {  	_ =	shalt  }
0x40: {  	_ =	shalt  }
0x41: {  	_ =	shalt  }
0x42: {  	_ =	shalt  }
0x43: {  	_ =	shalt  }
0x44: {  	_ =	shalt  }
0x45: {  	_ =	shalt  }
0x46: {  	_ =	shalt  }
0x47: {  	_ =	shalt  }
0x48: {  	_ =	shalt  }
0x49: {  	_ =	shalt  }
0x4a: {  	_ =	shalt  }
0x4b: {  	_ =	shalt  }
0x4c: {  	_ =	shalt  }
0x4d: {  	_ =	shalt  }
0x4e: {  	_ =	shalt  }
0x4f: {  	_ =	shalt  }
0x50: {  	_ =	shalt  }
0x51: {  	_ =	shalt  }
0x52: {  	_ =	shalt  }
0x53: {  	_ =	shalt  }
0x54: {  	_ =	shalt  }
0x55: {  	_ =	shalt  }
0x56: {  	_ =	shalt  }
0x57: {  	_ =	shalt  }
0x58: {  	_ =	shalt  }
0x59: {  	_ =	shalt  }
0x5a: {  	_ =	shalt  }
0x5b: {  	_ =	shalt  }
0x5c: {  	_ =	shalt  }
0x5d: {  	_ =	shalt  }
0x5e: {  	_ =	shalt  }
0x5f: {  	_ =	shalt  }
0x60: {  	_ =	shalt  }
0x61: {  	_ =	shalt  }
0x62: {  	_ =	shalt  }
0x63: {  	_ =	shalt  }
0x64: {  	_ =	shalt  }
0x65: {  	_ =	shalt  }
0x66: {  	_ =	shalt  }
0x67: {  	_ =	shalt  }
0x68: {  	_ =	shalt  }
0x69: {  	_ =	shalt  }
0x6a: {  	_ =	shalt  }
0x6b: {  	_ =	shalt  }
0x6c: {  	_ =	shalt  }
0x6d: {  	_ =	shalt  }
0x6e: {  	_ =	shalt  }
0x6f: {  	_ =	shalt  }
0x70: {  	_ =	shalt  }
0x71: {  	_ =	shalt  }
0x72: {  	_ =	shalt  }
0x73: {  	_ =	shalt  }
0x74: {  	_ =	shalt  }
0x75: {  	_ =	shalt  }
0x76: {  	_ =	shalt  }
0x77: {  	_ =	shalt  }
0x78: {  	_ =	shalt  }
0x79: {  	_ =	shalt  }
0x7a: {  	_ =	shalt  }
0x7b: {  	_ =	shalt  }
0x7c: {  	_ =	shalt  }
0x7d: {  	_ =	shalt  }
0x7e: {  	_ =	shalt  }
0x7f: {  	_ =	shalt  }
0x80: {  	_ =	shalt  }
0x81: {  	_ =	shalt  }
0x82: {  	_ =	shalt  }
0x83: {  	_ =	shalt  }
0x84: {  	_ =	shalt  }
0x85: {  	_ =	shalt  }
0x86: {  	_ =	shalt  }
0x87: {  	_ =	shalt  }
.Lfunc_end0:
.L_simem_size_0:
called_computation_lowered:
.L_overlay_start_0:
0x88: {  	s2 =	sld [smem:$0x3FD9]  }
0x89: {  	s3 =	sld [smem:$0x3FFE];
	_ =	sdelay $0x1  }
0x8a: {  	s1 =	srdreg.scid  }
0x8b: {  	s0 =	sand.u32 $0x1, s1  }
0x8c: {  	s17 =	sshll.u32 s0, $0xA;
	s2 =	sadd.s32 s3, s2  }
0x8d: {  	s2 =	sadd.s32 s2, s17  }
0x8e: {  	[smem:$0x3FC6] =	sst s2  }
0x8f: {  	_ = 	snop  }
0x90: {  	s2 =	sld [smem:$0x3FC9]  }
0x91: {  	s18 =	sld [smem:$0x3FD0];
	(tm) =	ssettm $0x1  }
0x92: {  	s4 =	sld [smem:$0x3FFB];
	_ =	sdelay $0x3  }
0x93: {  	_ =	strace s4  }
0x94: {  	s4 =	sld [smem:$0x3FFC];
	_ =	sdelay $0x3  }
0x95: {  	_ =	strace s4  }
0x96: {  	s4 =	sld [smem:$0x3FFD];
	_ =	sdelay $0x3  }
0x97: {  	_ =	strace s4  }
0x98: {  	_ =	strace $0x8FFFFFFF  }
0x99: {  	s19 =	sld [smem:$0x3FDB];
	_ =	sdelay $0x1  }
0x9a: {  	s5 =	simm.s32 $_scs_section_size  }
0x9b: {  	s6 =	simm.s32 $_size__tile_overlayer_lowered;
	s7 =	simm.s32 $_tile_overlayer_lowered  }
0x9c: {  	s22 =	simm.s32 $0x1BFF;
	s21 =	sshll.u32 s7, $0x1;
	s4 =	sadd.s32 s5, s19  }
0x9d: {  	s8 =	simm.s32 $0x0;
	s20 =	sshll.u32 s6, $0x1;
	s6 =	sadd.s32 s21, s4  }
0x9e: {  	[timem:s8], [sflag:s22] =	dma.local [hbm:s6], s20  }
0x9f: {  	_ =	swait.ge [sflag:s22], s20  }
0xa0: {  	s5 =	ssub.s32 $0x0, s20;
	[sflag:s22] =	ssyncset.done $0x0  }
0xa1: {  	[sflag:s22] =	ssyncadd.s32 s5;
	_ =	sdelay $0x1  }
0xa2: {  	s23 =	simm.s32 $0x1B8B  }
0xa3: {  	_ =	swait.ge [sflag:s23], $0x1  }
0xa4: {  	[sflag:s23] =	ssyncset.done $0x0  }
0xa5: {  	s25 =	simm.s32 $0x1B8E;
	s24 =	sld [smem:$0x3FFE];
	[sflag:s23] =	ssyncadd.s32 $0xFFFFFFFF  }
0xa6: {  	s26 =	simm.s32 $execute0_lowered;
	[smem:$0x3FD2] =	sst s25  }
0xa7: {  	s6 =	sshll.u32 s26, $0x1;
	_ =	strace $0x80000046;
	[dreg:$0x1] =	wrdreg $0xFFFFFFFF  }
0xa8: {  	s28 =	simm.s32 $_size_execute0_lowered;
	s4 =	sadd.s32 s4, s6;
	[dreg:$0x0] =	wrdreg $0x0  }
0xa9: {  	s6 =	sshll.u32 s28, $0x1;
	[dreg:$0x2] =	wrdreg s4  }
0xaa: {  	[dreg:$0x3] =	wrdreg s6  }
0xab: {  	[dreg:$0x4] =	wrdreg $0xC0  }
0xac: {  	_ =	task [dreg:s8], $0x5FFFF  }
0xad: {  	[dreg:$0x1] =	wrdreg $0xFFFFFFFF  }
0xae: {  	[dreg:$0x0] =	wrdreg $0x60  }
0xaf: {  	[dreg:$0x2] =	wrdreg s2  }
0xb0: {  	[dreg:$0x3] =	wrdreg s24  }
0xb1: {  	[dreg:$0x4] =	wrdreg s18  }
0xb2: {  	[dreg:$0x5] =	wrdreg $0x9  }
0xb3: {  	_ =	task.clear_ibuf [dreg:s8], $0x6FFFF;
	_ =	strace $0x90000046  }
0xb4: {  	s29 =	simm.s32 $0x9;
	_ =	strace $0x80000048  }
0xb5: {  	_ =	swait.ge [sflag:s29], $0x1  }
0xb6: {  	[sflag:s29] =	ssyncadd.s32 $0xFFFFFFFF  }
0xb7: {  	_ =	strace $0x90000048  }
0xb8: {  	_ =	sfence  }
0xb9: {  	s30 =	sld [smem:$0x0];
	_ =	sdelay $0x2  }
0xba: {  	s31 =	sshll.u32 s1, $0xD;
	s1 =	sshrl.u32 s1, $0x2  }
0xbb: {  	s3 =	sand.u32 $0x4000, s31;
	s1 =	sadd.s32 s1, s30  }
0xbc: {  	s0 =	sor.u32 s3, s0;
	s1 =	sshll.u32 s1, $0x11  }
0xbd: {  	s0 =	sor.u32 s1, s0  }
0xbe: {  	s0 =	sadd.s32 $0x8F2B, s0  }
0xbf: {  	[sflag:s0] =	ssyncadd.remote.s32 $0x1  }
0xc0: {  	_ =	sfence.sel $0xFFFF  }
0xc1: {  	[dreg:$0x0] =	wrdreg $0xFFFFFFFF;
	(pc) =	sbr.abs _section_cstart, $3  }
0xc2: {  	[dreg:$0x1] =	wrdreg $0xFFFFFFFF  }
0xc3: {  	_ =	task.clear_ibuf [dreg:s8], $0x2FFFF;
	_ =	strace $0x9FFFFFFF  }
0xc4: {  	(tm) =	ssettm $0x7FFFFFFF  }
0xc5: {  	_ =	shalt  }
tec
execute0_lowered:
.L_overlay_start_1:
0x0: {  	(tag) =	ssettag $0x1  }
0x1: {  	s1 =	rddreg [dreg:$0x0]  }
0x2: {  	s4 =	rddreg [dreg:$0x1]  }
0x3: {  	s8 =	rddreg [dreg:$0x2]  }
0x4: {  	s0 =	rddreg [dreg:$0x3];
	s2 =	simm.s32 $0x0  }
0x5: {  	s5 =	srdreg.scid;
	s3 =	stileid.u32;
	s15 =	simm.s32 $0x3  }
0x6: {  	s16 =	simm.s32 $0xA800;
	s17 =	simm.s32 $0xA880;
	s18 =	simm.s32 $0x15100  }
0x7: {  	s19 =	simm.s32 $0x15180;
	s20 =	simm.s32 $0x1;
	s21 =	simm.s32 $0x15200  }
0x8: {  	s22 =	simm.s32 $0x2;
	s23 =	simm.s32 $0x0;
	[smem:$0x7FF] =	sst s2  }
0x9: {  	s7 =	sadd.s32 $0x1000, s4;
	s5 =	sand.u32 $0x1, s5;
	s6 =	sshll.u32 s3, $0x9  }
0xa: {  	s9 =	sshrl.u32 s3, $0x1;
	s12 =	sadd.s32 $0xC00, s4;
	s13 =	sadd.s32 $0x2B000, s4  }
0xb: {  	s10 =	sshll.u32 s5, $0x8;
	s11 =	smul.u32 $0x2A000, s9;
	s6 =	sand.u32 $0x200, s6  }
0xc: {  	_ =	strace $0x80000047;
	s5 =	ssub.s32 $0x2, s5;
	s6 =	sor.u32 s10, s6  }
0xd: {  	s28 =	sshll.u32 s9, $0xA;
	s25 =	sshrl.u32 s5, $0x1;
	s10 =	sor.u32 s11, s6  }
0xe: {  	s14 =	ssub.s32 s5, s25;
	s9 =	sor.u32 s28, s6;
	s6 =	sor.u32 $0x80, s6  }
0xf: {  	s26 =	sshrl.u32 s10, $0x3;
	s29 =	sshrl.u32 s9, $0x3;
	s30 =	sor.u32 s11, s6  }
.Ltmp0:
0x10: {  	s6 =	sor.u32 s28, s6;
	s4 =	sadd.s32 s7, s26;
	(pc) =	sbr.rel .LBB2_1-.Ltmp0, $4  }
0x11: {  	s5 =	sadd.s32 s8, s29;
	s9 =	sshrl.u32 s30, $0x3;
	s31 =	sshrl.u32 s6, $0x3  }
0x12: {  	s6 =	sadd.s32 s12, s29;
	s10 =	sadd.s32 s13, s29;
	s7 =	sadd.s32 s7, s9  }
0x13: {  	s8 =	sadd.s32 s8, s31;
	s9 =	sadd.s32 s12, s31;
	s11 =	sadd.s32 s13, s31  }
0x14: {  	s12 =	smax.u32 s14, $0x1;
	s13 =	simm.s32 $0x80;
	s14 =	simm.s32 $0x400  }
.LBB2_21:
0x15: {  	v1 =	vimm.f32 $1.000000000e+00  }
0x16: {  	v2 =	vimm.f32 $1.000000000e+00;
	v3 =	vimm.f32 $1.000000000e+00;
	v4 =	vimm.f32 $1.000000000e+00  }
0x17: {  	v5 =	vimm.f32 $1.000000000e+00;
	v6 =	vimm.f32 $1.000000000e+00;
	v13 =	vimm.f32 $1.000000000e+00  }
.LBB2_25:
0x18: {  	[tilespmem:$0x15200] =	vst v0  }
0x19: {  	[tilespmem:$0x15210] =	vst v1  }
0x1a: {  	[tilespmem:$0x15220] =	vst v2  }
0x1b: {  	[tilespmem:$0x15230] =	vst v3  }
0x1c: {  	[tilespmem:$0x15240] =	vst v4  }
0x1d: {  	[tilespmem:$0x15250] =	vst v5;
	s23 =	sadd.s32 $0x1, s23  }
0x1e: {  	[tilespmem:$0x15260] =	vst v6;
	p0 =	sne.s32 s23, s12  }
.Ltmp1:
0x1f: {  	[tilespmem:$0x15270] =	vst v13;
	(pc) =	sbr.rel @!p0 .LBB2_26-.Ltmp1, $4  }
0x20: {  	[hbm4b:s11+s2] =	stream.linear.scatter [tilespmem:s21], [sflag:$0x3], $0x80, $0x38;
	[tilespmem:$0x15280] =	vst v63  }
0x21: {  	_ =	swait.ge [sflag:s15], $0x80  }
0x22: {  	[sflag:s15] =	ssyncset.done $0x0  }
0x23: {  	[sflag:s15] =	ssyncadd.s32 $0xFFFFFF80  }
.LBB2_1:
0x24: {  	[tilespmem:s2], [sflag:$0x3] =	stream.strided.gather [hbm4b:s4+s13], $0x5400, s14, s13, $0x38;
	[tilespmem:$0x15280] =	vst v63  }
0x25: {  	_ =	swait.ge [sflag:s15], $0x5400  }
0x26: {  	[sflag:s15] =	ssyncset.done $0x0  }
0x27: {  	[sflag:s15] =	ssyncadd.s32 $0xFFFFAC00  }
0x28: {  	[tilespmem:s16], [sflag:$0x3] =	stream.linear.gather [hbm4b:s5+s2], $0x80, $0x38;
	[tilespmem:$0x15280] =	vst v63  }
0x29: {  	_ =	swait.ge [sflag:s15], $0x80  }
0x2a: {  	[sflag:s15] =	ssyncset.done $0x0  }
0x2b: {  	[sflag:s15] =	ssyncadd.s32 $0xFFFFFF80  }
0x2c: {  	[tilespmem:s17], [sflag:$0x3] =	stream.linear.gather [hbm4b:s6+s2], $0x80, $0x38;
	[tilespmem:$0x15280] =	vst v63  }
0x2d: {  	_ =	swait.ge [sflag:s15], $0x80  }
0x2e: {  	[sflag:s15] =	ssyncset.done $0x0  }
0x2f: {  	[sflag:s15] =	ssyncadd.s32 $0xFFFFFF80  }
0x30: {  	v0 =	vld [tilespmem:$0xA800]  }
0x31: {  	v1 =	vld [tilespmem:$0xA810];
	_ =	sdelay $0x1  }
0x32: {  	v2 =	vld [tilespmem:$0xA820];
	_ =	sdelay $0x1  }
0x33: {  	v3 =	vld [tilespmem:$0xA830]  }
0x34: {  	vm0 =	vgt.s32 v0, v1  }
0x35: {  	v60 =	vld [tilespmem:$0xA840];
	v0 =	vsel vm0, v0, v1  }
0x36: {  	vm0 =	vgt.s32 v0, v2  }
0x37: {  	v61 =	vld [tilespmem:$0xA850];
	v0 =	vsel vm0, v0, v2  }
0x38: {  	vm0 =	vgt.s32 v0, v3  }
0x39: {  	v62 =	vld [tilespmem:$0xA860];
	v0 =	vsel vm0, v0, v3  }
0x3a: {  	vm0 =	vgt.s32 v0, v60  }
0x3b: {  	v63 =	vld [tilespmem:$0xA870];
	v0 =	vsel vm0, v0, v60  }
0x3c: {  	vm0 =	vgt.s32 v0, v61  }
0x3d: {  	v0 =	vsel vm0, v0, v61  }
0x3e: {  	vm0 =	vgt.s32 v0, v62  }
0x3f: {  	v0 =	vsel vm0, v0, v62  }
0x40: {  	vm0 =	vgt.s32 v0, v63  }
0x41: {  	v0 =	vsel vm0, v0, v63  }
0x42: {  	(v2sf) =	vpush v0, $0x0  }
0x43: {  	(v2sf) =	vpush v0, $0x1;
	_ =	sdelay $0x1  }
0x44: {  	(v2sf) =	vpush v0, $0x2;
	_ =	sdelay $0x1  }
0x45: {  	(v2sf) =	vpush v0, $0x3;
	_ =	sdelay $0x1  }
0x46: {  	(v2sf) =	vpush v0, $0x4;
	_ =	sdelay $0x1  }
0x47: {  	(v2sf) =	vpush v0, $0x5;
	_ =	sdelay $0x1  }
0x48: {  	(v2sf) =	vpush v0, $0x6;
	_ =	sdelay $0x1  }
0x49: {  	(v2sf) =	vpush v0, $0x7;
	_ =	sdelay $0x1  }
0x4a: {  	s24 =	spop (v2sf);
	(v2sf) =	vpush v0, $0x8  }
0x4b: {  	s25 =	spop (v2sf)  }
0x4c: {  	(v2sf) =	vpush v0, $0x9;
	p0 =	sgt.s32 s24, s25  }
0x4d: {  	s25 =	smov.u32 @p0 s24;
	s24 =	spop (v2sf)  }
0x4e: {  	(v2sf) =	vpush v0, $0xA;
	p0 =	sgt.s32 s25, s24  }
0x4f: {  	s24 =	smov.u32 @p0 s25;
	s25 =	spop (v2sf)  }
0x50: {  	(v2sf) =	vpush v0, $0xB;
	p0 =	sgt.s32 s24, s25  }
0x51: {  	s25 =	smov.u32 @p0 s24;
	s24 =	spop (v2sf)  }
0x52: {  	(v2sf) =	vpush v0, $0xC;
	p0 =	sgt.s32 s25, s24  }
0x53: {  	s24 =	smov.u32 @p0 s25;
	s25 =	spop (v2sf)  }
0x54: {  	(v2sf) =	vpush v0, $0xD;
	p0 =	sgt.s32 s24, s25  }
0x55: {  	s25 =	smov.u32 @p0 s24;
	s24 =	spop (v2sf)  }
0x56: {  	(v2sf) =	vpush v0, $0xE;
	p0 =	sgt.s32 s25, s24  }
0x57: {  	s24 =	smov.u32 @p0 s25;
	s25 =	spop (v2sf)  }
0x58: {  	(v2sf) =	vpush v0, $0xF;
	p0 =	sgt.s32 s24, s25  }
0x59: {  	s26 =	spop (v2sf);
	s25 =	smov.u32 @p0 s24  }
0x5a: {  	p0 =	sgt.s32 s25, s26  }
0x5b: {  	s24 =	spop (v2sf);
	s26 =	smov.u32 @p0 s25  }
0x5c: {  	p0 =	sgt.s32 s26, s24  }
0x5d: {  	s25 =	spop (v2sf);
	s24 =	smov.u32 @p0 s26  }
0x5e: {  	p0 =	sgt.s32 s24, s25  }
0x5f: {  	s26 =	spop (v2sf);
	s25 =	smov.u32 @p0 s24  }
0x60: {  	p0 =	sgt.s32 s25, s26  }
0x61: {  	s24 =	spop (v2sf);
	s26 =	smov.u32 @p0 s25  }
0x62: {  	p0 =	sgt.s32 s26, s24  }
0x63: {  	s25 =	spop (v2sf);
	s24 =	smov.u32 @p0 s26  }
0x64: {  	p0 =	sgt.s32 s24, s25  }
0x65: {  	s26 =	spop (v2sf);
	s25 =	smov.u32 @p0 s24  }
0x66: {  	p0 =	sgt.s32 s25, s26  }
0x67: {  	s26 =	smov.u32 @p0 s25;
	s25 =	spop (v2sf)  }
0x68: {  	p0 =	sgt.s32 s26, s25  }
0x69: {  	s25 =	smov.u32 @p0 s26  }
0x6a: {  	s31 =	sadd.s32 $0x7, s25  }
0x6b: {  	s28 =	sshra.s32 s31, $0x3  }
0x6c: {  	p0 =	slt.s32 s28, $0x1  }
.Ltmp2:
0x6d: {  	_ = 	snop;
	(pc) =	sbr.rel @p0 .LBB2_4-.Ltmp2, $2  }
0x6e: {  	_ =	sdelay $0x2  }
0x6f: {  	s24 =	simm.s32 $0x5400  }
0x70: {  	p0 =	sne.s32 s28, $0x1  }
.Ltmp3:
0x71: {  	_ = 	snop;
	(pc) =	sbr.rel @!p0 .LBB2_4-.Ltmp3, $3  }
0x72: {  	_ =	sdelay $0x1  }
0x73: {  	[tilespmem:s24], [sflag:$0x1] =	stream.indirect.gather [hbm4b:s1+s14], $0x1, s2, s14, $0xb8;
	[tilespmem:$0x15280] =	vst v63  }
0x74: {  	s26 =	sadd.s32 $0xFFFFFFFF, s28;
	s29 =	simm.s32 $0x0  }
.LBB2_3:
0x75: {  	p0 =	sne.s32 s26, $0x1  }
.Ltmp4:
0x76: {  	_ = 	snop;
	(pc) =	sbr.rel @p0 .LBB2_3-.Ltmp4, $4  }
0x77: {  	_ = 	snop  }
0x78: {  	s24 =	sadd.s32 $0x400, s24;
	s29 =	sadd.s32 $0x400, s29  }
0x79: {  	s26 =	sadd.s32 $0xFFFFFFFF, s26  }
0x7a: {  	[tilespmem:s24], [sflag:$0x1] =	stream.indirect.gather [hbm4b:s1+s14], $0x1, s29, s14, $0xb8;
	[tilespmem:$0x15280] =	vst v63  }
.LBB2_4:
0x7b: {  	s29 =	simm.s32 $0xA900  }
0x7c: {  	[tilespmem:s29], [sflag:$0x3] =	stream.strided.gather [hbm4b:s7+s13], $0x5400, s14, s13, $0x38;
	[tilespmem:$0x15280] =	vst v63  }
0x7d: {  	_ =	swait.ge [sflag:s15], $0x5400  }
0x7e: {  	[sflag:s15] =	ssyncset.done $0x0  }
0x7f: {  	[sflag:s15] =	ssyncadd.s32 $0xFFFFAC00  }
0x80: {  	[tilespmem:s18], [sflag:$0x3] =	stream.linear.gather [hbm4b:s8+s2], $0x80, $0x38;
	[tilespmem:$0x15280] =	vst v63  }
0x81: {  	_ =	swait.ge [sflag:s15], $0x80  }
0x82: {  	[sflag:s15] =	ssyncset.done $0x0  }
0x83: {  	[sflag:s15] =	ssyncadd.s32 $0xFFFFFF80  }
0x84: {  	[tilespmem:s19], [sflag:$0x3] =	stream.linear.gather [hbm4b:s9+s2], $0x80, $0x38;
	[tilespmem:$0x15280] =	vst v63  }
0x85: {  	_ =	swait.ge [sflag:s15], $0x80  }
0x86: {  	[sflag:s15] =	ssyncset.done $0x0  }
0x87: {  	[sflag:s15] =	ssyncadd.s32 $0xFFFFFF80  }
0x88: {  	v0 =	vld [tilespmem:$0x15100]  }
0x89: {  	v1 =	vld [tilespmem:$0x15110];
	_ =	sdelay $0x1  }
0x8a: {  	v2 =	vld [tilespmem:$0x15120];
	_ =	sdelay $0x1  }
0x8b: {  	v3 =	vld [tilespmem:$0x15130]  }
0x8c: {  	vm0 =	vgt.s32 v0, v1  }
0x8d: {  	v60 =	vld [tilespmem:$0x15140];
	v0 =	vsel vm0, v0, v1  }
0x8e: {  	vm0 =	vgt.s32 v0, v2  }
0x8f: {  	v61 =	vld [tilespmem:$0x15150];
	v0 =	vsel vm0, v0, v2  }
0x90: {  	vm0 =	vgt.s32 v0, v3  }
0x91: {  	v62 =	vld [tilespmem:$0x15160];
	v0 =	vsel vm0, v0, v3  }
0x92: {  	vm0 =	vgt.s32 v0, v60  }
0x93: {  	v63 =	vld [tilespmem:$0x15170];
	v0 =	vsel vm0, v0, v60  }
0x94: {  	vm0 =	vgt.s32 v0, v61  }
0x95: {  	v0 =	vsel vm0, v0, v61  }
0x96: {  	vm0 =	vgt.s32 v0, v62  }
0x97: {  	v0 =	vsel vm0, v0, v62  }
0x98: {  	vm0 =	vgt.s32 v0, v63  }
0x99: {  	v0 =	vsel vm0, v0, v63  }
0x9a: {  	(v2sf) =	vpush v0, $0x0  }
0x9b: {  	(v2sf) =	vpush v0, $0x1;
	_ =	sdelay $0x1  }
0x9c: {  	(v2sf) =	vpush v0, $0x2;
	_ =	sdelay $0x1  }
0x9d: {  	(v2sf) =	vpush v0, $0x3;
	_ =	sdelay $0x1  }
0x9e: {  	(v2sf) =	vpush v0, $0x4;
	_ =	sdelay $0x1  }
0x9f: {  	(v2sf) =	vpush v0, $0x5;
	_ =	sdelay $0x1  }
0xa0: {  	(v2sf) =	vpush v0, $0x6;
	_ =	sdelay $0x1  }
0xa1: {  	(v2sf) =	vpush v0, $0x7;
	_ =	sdelay $0x1  }
0xa2: {  	s24 =	spop (v2sf);
	(v2sf) =	vpush v0, $0x8  }
0xa3: {  	s26 =	spop (v2sf)  }
0xa4: {  	(v2sf) =	vpush v0, $0x9;
	p0 =	sgt.s32 s24, s26  }
0xa5: {  	s26 =	smov.u32 @p0 s24;
	s24 =	spop (v2sf)  }
0xa6: {  	(v2sf) =	vpush v0, $0xA;
	p0 =	sgt.s32 s26, s24  }
0xa7: {  	s24 =	smov.u32 @p0 s26;
	s26 =	spop (v2sf)  }
0xa8: {  	(v2sf) =	vpush v0, $0xB;
	p0 =	sgt.s32 s24, s26  }
0xa9: {  	s26 =	smov.u32 @p0 s24;
	s24 =	spop (v2sf)  }
0xaa: {  	(v2sf) =	vpush v0, $0xC;
	p0 =	sgt.s32 s26, s24  }
0xab: {  	s24 =	smov.u32 @p0 s26;
	s26 =	spop (v2sf)  }
0xac: {  	(v2sf) =	vpush v0, $0xD;
	p0 =	sgt.s32 s24, s26  }
0xad: {  	s26 =	smov.u32 @p0 s24;
	s24 =	spop (v2sf)  }
0xae: {  	(v2sf) =	vpush v0, $0xE;
	p0 =	sgt.s32 s26, s24  }
0xaf: {  	s24 =	smov.u32 @p0 s26;
	s26 =	spop (v2sf)  }
0xb0: {  	(v2sf) =	vpush v0, $0xF;
	p0 =	sgt.s32 s24, s26  }
0xb1: {  	s30 =	spop (v2sf);
	s26 =	smov.u32 @p0 s24  }
0xb2: {  	p0 =	sgt.s32 s26, s30  }
0xb3: {  	s24 =	spop (v2sf);
	s30 =	smov.u32 @p0 s26  }
0xb4: {  	p0 =	sgt.s32 s30, s24  }
0xb5: {  	s26 =	spop (v2sf);
	s24 =	smov.u32 @p0 s30  }
0xb6: {  	p0 =	sgt.s32 s24, s26  }
0xb7: {  	s30 =	spop (v2sf);
	s26 =	smov.u32 @p0 s24  }
0xb8: {  	p0 =	sgt.s32 s26, s30  }
0xb9: {  	s24 =	spop (v2sf);
	s30 =	smov.u32 @p0 s26  }
0xba: {  	p0 =	sgt.s32 s30, s24  }
0xbb: {  	s26 =	spop (v2sf);
	s24 =	smov.u32 @p0 s30  }
0xbc: {  	p0 =	sgt.s32 s24, s26  }
0xbd: {  	s30 =	spop (v2sf);
	s26 =	smov.u32 @p0 s24  }
0xbe: {  	p0 =	sgt.s32 s26, s30  }
0xbf: {  	s24 =	spop (v2sf);
	s30 =	smov.u32 @p0 s26  }
0xc0: {  	p0 =	sgt.s32 s30, s24  }
0xc1: {  	s24 =	smov.u32 @p0 s30  }
0xc2: {  	s31 =	sadd.s32 $0x7, s24  }
0xc3: {  	s26 =	sshra.s32 s31, $0x3  }
0xc4: {  	p0 =	sgt.s32 s26, $0x0  }
.Ltmp5:
0xc5: {  	_ = 	snop;
	(pc) =	sbr.rel @!p0 .LBB2_5-.Ltmp5, $2  }
0xc6: {  	_ =	sdelay $0x2  }
0xc7: {  	s30 =	simm.s32 $0xFD00  }
0xc8: {  	p0 =	seq.s32 s26, $0x1  }
.Ltmp6:
0xc9: {  	_ = 	snop;
	(pc) =	sbr.rel @p0 .LBB2_5-.Ltmp6, $3  }
0xca: {  	_ =	sdelay $0x1  }
0xcb: {  	[tilespmem:s30], [sflag:$0x2] =	stream.indirect.gather [hbm4b:s1+s14], $0x1, s29, s14, $0xb8;
	[tilespmem:$0x15280] =	vst v63  }
0xcc: {  	s31 =	sadd.s32 $0xFFFFFFFF, s26  }
.LBB2_12:
0xcd: {  	p0 =	seq.s32 s31, $0x1  }
.Ltmp7:
0xce: {  	_ = 	snop;
	(pc) =	sbr.rel @!p0 .LBB2_12-.Ltmp7, $4  }
0xcf: {  	_ = 	snop  }
0xd0: {  	s30 =	sadd.s32 $0x400, s30;
	s29 =	sadd.s32 $0x400, s29  }
0xd1: {  	s31 =	sadd.s32 $0xFFFFFFFF, s31  }
0xd2: {  	[tilespmem:s30], [sflag:$0x2] =	stream.indirect.gather [hbm4b:s1+s14], $0x1, s29, s14, $0xb8;
	[tilespmem:$0x15280] =	vst v63  }
.LBB2_5:
0xd3: {  	p0 =	sgt.s32 s28, $0x0  }
.Ltmp8:
0xd4: {  	_ = 	snop;
	(pc) =	sbr.rel @!p0 .LBB2_9-.Ltmp8, $1  }
0xd5: {  	_ =	sdelay $0x3  }
0xd6: {  	p0 =	sne.s32 s28, $0x1  }
.Ltmp9:
0xd7: {  	_ = 	snop;
	(pc) =	sbr.rel @!p0 .LBB2_8-.Ltmp9, $3  }
0xd8: {  	_ =	sdelay $0x1  }
0xd9: {  	_ =	swait.ge [sflag:s20], $0x400  }
0xda: {  	s28 =	sadd.s32 $0xFFFFFFFF, s28;
	[sflag:s20] =	ssyncset.done $0x0  }
.LBB2_7:
0xdb: {  	p0 =	sne.s32 s28, $0x1;
	s28 =	sadd.s32 $0xFFFFFFFF, s28;
	[sflag:s20] =	ssyncadd.s32 $0xFFFFFC00  }
.Ltmp10:
0xdc: {  	(pc) =	sbr.rel @p0 .LBB2_7-.Ltmp10, $3  }
0xdd: {  	_ =	sdelay $0x1  }
0xde: {  	_ =	swait.ge [sflag:s20], $0x400  }
0xdf: {  	[sflag:s20] =	ssyncset.done $0x0  }
.LBB2_8:
0xe0: {  	[sflag:s20] =	ssyncadd.s32 $0xFFFFFC00  }
.LBB2_9:
0xe1: {  	p0 =	slt.s32 s25, $0x1  }
.Ltmp11:
0xe2: {  	_ = 	snop;
	(pc) =	sbr.rel @p0 .LBB2_10-.Ltmp11, $2  }
0xe3: {  	_ =	sdelay $0x2  }
0xe4: {  	v0 =	vimm.f32 $1.000000000e+00  }
0xe5: {  	v1 =	vld [tilespmem:$0xA880]  }
0xe6: {  	v2 =	vld [tilespmem:$0xA890]  }
0xe7: {  	v3 =	vld [tilespmem:$0xA8A0]  }
0xe8: {  	v4 =	vld [tilespmem:$0xA8B0]  }
0xe9: {  	s28 =	simm.s32 $0x5440;
	v5 =	vld [tilespmem:$0xA8F0]  }
0xea: {  	v7 =	vld [tilespmem:s28+$0x30]  }
0xeb: {  	v6 =	vld [tilespmem:$0xA8C0]  }
0xec: {  	v8 =	vld [tilespmem:s28+$0xFFFFFFD0]  }
0xed: {  	v9 =	vld [tilespmem:s28+$0xFFFFFFE0]  }
0xee: {  	v10 =	vld [tilespmem:s28+$0xFFFFFFF0]  }
0xef: {  	v11 =	vld [tilespmem:s28+$0x0];
	v7 =	vmax.f32 v7, $0.0e+00  }
0xf0: {  	v12 =	vld [tilespmem:s28+$0xFFFFFFC0];
	v7 =	vmul.f32 v7, v5  }
0xf1: {  	v13 =	vld [tilespmem:s28+$0x10]  }
0xf2: {  	v16 =	vld [tilespmem:s28+$0x20];
	v8 =	vmax.f32 v8, $0.0e+00;
	v14 =	vmul.f32 $1.442695020e+00, v7  }
0xf3: {  	v10 =	vmax.f32 v10, $0.0e+00;
	v15 =	vmul.f32 v8, v2;
	v8 =	vmax.f32 v9, $0.0e+00;
	v7 =	vld [tilespmem:$0xA8D0]  }
0xf4: {  	v11 =	vmax.f32 v11, $0.0e+00;
	v9 =	vmul.f32 v8, v3;
	(erf) = vpow2.f32 v14  }
0xf5: {  	v14 =	vmul.f32 $1.442695020e+00, v15;
	v15 =	vmul.f32 v11, v6;
	v11 =	vmax.f32 v12, $0.0e+00  }
0xf6: {  	v10 =	vmul.f32 v10, v4;
	v11 =	vmul.f32 v11, v1  }
0xf7: {  	v8 =	vld [tilespmem:$0xA8E0];
	v12 =	vmax.f32 v13, $0.0e+00;
	v13 =	vmul.f32 $1.442695020e+00, v9;
	(erf) = vpow2.f32 v14  }
0xf8: {  	v17 =	vmul.f32 v12, v7;
	v12 =	vmax.f32 v16, $0.0e+00;
	v16 =	vmul.f32 $1.442695020e+00, v11  }
0xf9: {  	v18 =	vmul.f32 $1.442695020e+00, v10;
	v10 =	vld [tilespmem:$0xA810];
	(erf) = vpow2.f32 v13  }
0xfa: {  	v9 =	vld [tilespmem:$0xA800];
	v13 =	vmul.f32 $1.442695020e+00, v15;
	(erf) = vpow2.f32 v16  }
0xfb: {  	v30 =	vimm.f32 $1.000000000e+00;
	v14 =	vld [tilespmem:$0xA830];
	(erf) = vpow2.f32 v18  }
0xfc: {  	v31 =	vimm.f32 $1.000000000e+00;
	v11 =	vld [tilespmem:$0xA820];
	v19 =	vmul.f32 v12, v8;
	(erf) = vpow2.f32 v13  }
0xfd: {  	v28 =	vimm.f32 $1.000000000e+00;
	v29 =	vimm.f32 $1.000000000e+00;
	v12 =	vld [tilespmem:$0xA870];
	v16 =	vmul.f32 $1.442695020e+00, v17  }
0xfe: {  	v27 =	vimm.f32 $1.000000000e+00;
	v23 =	vimm.f32 $1.000000000e+00;
	v15 =	vld [tilespmem:$0xA840];
	v17 =	vmul.f32 $1.442695020e+00, v19;
	v13 =	vpop (erf)  }
0xff: {  	v24 =	vimm.f32 $1.000000000e+00;
	s28 =	simm.s32 $0x0;
	(erf) = vpow2.f32 v16;
	v13 =	vsub.f32 $1.000000000e+00, v13  }
0x100: {  	v25 =	vimm.f32 $1.000000000e+00;
	vm2 =	vgt.s32 v10, s28;
	v16 =	vld [tilespmem:$0xA850];
	(erf) = vpow2.f32 v17  }
0x101: {  	vm0 =	vgt.s32 v9, s28;
	vm1 =	vgt.s32 v14, s28;
	v19 =	vpop (erf);
	v18 =	vsub.f32 $1.000000000e+00, v13  }
0x102: {  	vm4 =	vgt.s32 v11, s28;
	vm7 =	vgt.s32 v12, s28;
	v17 =	vld [tilespmem:$0xA860];
	v32 =	vsub.f32 $1.000000000e+00, v19;
	v19 =	vpop (erf)  }
0x103: {  	vm5 =	vgt.s32 v15, s28;
	v33 =	vsub.f32 $1.000000000e+00, v19;
	v18 =	vnsel vm7, $0x3F800000, v18;
	v19 =	vpop (erf)  }
0x104: {  	v18 =	vmul.f32 v18, v0;
	v34 =	vsub.f32 $1.000000000e+00, v19;
	v19 =	vsub.f32 $1.000000000e+00, v32;
	v20 =	vpop (erf)  }
0x105: {  	vm3 =	vgt.s32 v16, s28;
	v21 =	vsub.f32 $1.000000000e+00, v33;
	v35 =	vsub.f32 $1.000000000e+00, v20;
	v20 =	vpop (erf)  }
0x106: {  	v13 =	vmul.f32 v18, v13;
	v36 =	vsub.f32 $1.000000000e+00, v20;
	v20 =	vsub.f32 $1.000000000e+00, v34  }
0x107: {  	vm6 =	vgt.s32 v17, s28;
	v40 =	vnsel vm4, $0x3F800000, v21;
	v21 =	vsub.f32 $1.000000000e+00, v35  }
0x108: {  	p0 =	sne.s32 s25, $0x1;
	v39 =	vnsel vm2, $0x3F800000, v19;
	v13 =	vadd.f32 $1.000000000e+00, v13;
	v19 =	vpop (erf);
	v20 =	vnsel vm0, $0x3F800000, v20  }
.Ltmp12:
0x109: {  	v38 =	vsub.f32 $1.000000000e+00, v19;
	v19 =	vpop (erf);
	v41 =	vnsel vm1, $0x3F800000, v21;
	v26 =	vmul.f32 v20, v0;
	(pc) =	sbr.rel @!p0 .LBB2_15-.Ltmp12, $4  }
0x10a: {  	v20 =	vimm.f32 $1.000000000e+00;
	v37 =	vsub.f32 $1.000000000e+00, v19;
	v19 =	vsub.f32 $1.000000000e+00, v36  }
0x10b: {  	v21 =	vimm.f32 $1.000000000e+00;
	v13 =	vnsel vm7, $0x3F800000, v13;
	v22 =	vsub.f32 $1.000000000e+00, v38  }
0x10c: {  	v13 =	vmul.f32 v13, v0;
	v44 =	vsub.f32 $1.000000000e+00, v37;
	v43 =	vnsel vm5, $0x3F800000, v19  }
0x10d: {  	s29 =	simm.s32 $0x54C0;
	s28 =	simm.s32 $0x1;
	v19 =	vimm.f32 $1.000000000e+00;
	v42 =	vnsel vm3, $0x3F800000, v22;
	v22 =	vimm.f32 $1.000000000e+00  }
.LBB2_14:
0x10e: {  	v0 =	vmul.f32 v39, v0;
	v30 =	vmul.f32 v40, v30;
	v39 =	vnsel vm6, $0x3F800000, v44  }
0x10f: {  	v45 =	vld [tilespmem:s29+$0x30];
	vm9 =	vmmov vm0;
	vm7 =	vmmov vm2;
	vm8 =	vmmov vm4;
	s30 =	smov.u32 s28;
	s28 =	sadd.s32 $0x1, s28  }
0x110: {  	v31 =	vmul.f32 v41, v31;
	v28 =	vmul.f32 v43, v28;
	v40 =	vld [tilespmem:s29+$0xFFFFFFD0];
	p0 =	sne.s32 s25, s28  }
0x111: {  	v29 =	vmul.f32 v42, v29;
	vm0 =	vgt.s32 v9, s30;
	v27 =	vmul.f32 v39, v27;
	v41 =	vld [tilespmem:s29+$0xFFFFFFE0]  }
0x112: {  	vm2 =	vgt.s32 v10, s30;
	v34 =	vmul.f32 v26, v34;
	v32 =	vmul.f32 v0, v32;
	v39 =	vld [tilespmem:s29+$0xFFFFFFF0]  }
0x113: {  	vm4 =	vgt.s32 v11, s30;
	v33 =	vmul.f32 v30, v33;
	v35 =	vmul.f32 v31, v35;
	v42 =	vld [tilespmem:s29+$0x0]  }
0x114: {  	v36 =	vmul.f32 v28, v36;
	v38 =	vmul.f32 v29, v38;
	v43 =	vld [tilespmem:s29+$0x10];
	v44 =	vmax.f32 v45, $0.0e+00  }
0x115: {  	v37 =	vmul.f32 v27, v37;
	v40 =	vmax.f32 v40, $0.0e+00;
	v45 =	vld [tilespmem:s29+$0x20];
	v44 =	vmul.f32 v44, v5  }
0x116: {  	v34 =	vadd.f32 $1.000000000e+00, v34;
	v46 =	vld [tilespmem:s29+$0xFFFFFFC0];
	v40 =	vmul.f32 v40, v2;
	v41 =	vmax.f32 v41, $0.0e+00  }
0x117: {  	v41 =	vmul.f32 v41, v3;
	v39 =	vmax.f32 v39, $0.0e+00;
	v44 =	vmul.f32 $1.442695020e+00, v44  }
0x118: {  	v40 =	vmul.f32 $1.442695020e+00, v40;
	v39 =	vmul.f32 v39, v4;
	v42 =	vmax.f32 v42, $0.0e+00  }
0x119: {  	v42 =	vmul.f32 v42, v6;
	v43 =	vmax.f32 v43, $0.0e+00;
	(erf) = vpow2.f32 v44  }
0x11a: {  	v41 =	vmul.f32 $1.442695020e+00, v41;
	v43 =	vmul.f32 v43, v7;
	v44 =	vmax.f32 v45, $0.0e+00  }
0x11b: {  	v39 =	vmul.f32 $1.442695020e+00, v39;
	v45 =	vmax.f32 v46, $0.0e+00;
	v44 =	vmul.f32 v44, v8  }
0x11c: {  	v32 =	vadd.f32 $1.000000000e+00, v32;
	v42 =	vmul.f32 $1.442695020e+00, v42;
	v45 =	vmul.f32 v45, v1  }
0x11d: {  	v33 =	vadd.f32 $1.000000000e+00, v33;
	v43 =	vmul.f32 $1.442695020e+00, v43;
	v44 =	vmul.f32 $1.442695020e+00, v44  }
0x11e: {  	v35 =	vadd.f32 $1.000000000e+00, v35;
	v45 =	vmul.f32 $1.442695020e+00, v45;
	(erf) = vpow2.f32 v40  }
0x11f: {  	v36 =	vadd.f32 $1.000000000e+00, v36;
	v38 =	vadd.f32 $1.000000000e+00, v38;
	(erf) = vpow2.f32 v41  }
0x120: {  	v34 =	vnsel vm9, $0x3F800000, v34;
	v37 =	vadd.f32 $1.000000000e+00, v37;
	(erf) = vpow2.f32 v45  }
0x121: {  	v32 =	vnsel vm7, $0x3F800000, v32;
	v33 =	vnsel vm8, $0x3F800000, v33;
	(erf) = vpow2.f32 v39  }
0x122: {  	v35 =	vnsel vm1, $0x3F800000, v35;
	v36 =	vnsel vm5, $0x3F800000, v36;
	(erf) = vpow2.f32 v42;
	v39 =	vpop (erf)  }
0x123: {  	v38 =	vnsel vm3, $0x3F800000, v38;
	v39 =	vsub.f32 $1.000000000e+00, v39;
	(erf) = vpow2.f32 v43  }
0x124: {  	v20 =	vmul.f32 v34, v20;
	v34 =	vnsel vm6, $0x3F800000, v37;
	(erf) = vpow2.f32 v44  }
0x125: {  	v21 =	vmul.f32 v32, v21;
	v22 =	vmul.f32 v33, v22;
	v37 =	vsub.f32 $1.000000000e+00, v39  }
0x126: {  	vm7 =	vgt.s32 v12, s30;
	v19 =	vmul.f32 v35, v19;
	v23 =	vmul.f32 v36, v23  }
0x127: {  	v24 =	vmul.f32 v38, v24;
	v25 =	vmul.f32 v34, v25;
	v35 =	vnsel vm7, $0x3F800000, v37;
	v32 =	vpop (erf)  }
0x128: {  	vm1 =	vgt.s32 v14, s30;
	v32 =	vsub.f32 $1.000000000e+00, v32;
	v18 =	vmul.f32 v35, v18;
	v33 =	vpop (erf)  }
0x129: {  	vm5 =	vgt.s32 v15, s30;
	vm3 =	vgt.s32 v16, s30;
	v33 =	vsub.f32 $1.000000000e+00, v33;
	v34 =	vpop (erf)  }
0x12a: {  	v34 =	vsub.f32 $1.000000000e+00, v34;
	v36 =	vsub.f32 $1.000000000e+00, v32;
	v42 =	vmul.f32 v18, v39;
	v35 =	vpop (erf)  }
0x12b: {  	vm6 =	vgt.s32 v17, s30;
	v38 =	vsub.f32 $1.000000000e+00, v33;
	v35 =	vsub.f32 $1.000000000e+00, v35;
	v40 =	vpop (erf)  }
0x12c: {  	v39 =	vnsel vm2, $0x3F800000, v36;
	v36 =	vsub.f32 $1.000000000e+00, v40;
	v41 =	vadd.f32 $1.000000000e+00, v42;
	v37 =	vpop (erf)  }
.Ltmp13:
0x12d: {  	v42 =	vsub.f32 $1.000000000e+00, v34;
	v40 =	vnsel vm4, $0x3F800000, v38;
	v38 =	vsub.f32 $1.000000000e+00, v37;
	v37 =	vpop (erf);
	(pc) =	sbr.rel @p0 .LBB2_14-.Ltmp13, $4  }
0x12e: {  	v43 =	vsub.f32 $1.000000000e+00, v35;
	v37 =	vsub.f32 $1.000000000e+00, v37;
	v41 =	vnsel vm7, $0x3F800000, v41  }
0x12f: {  	v45 =	vsub.f32 $1.000000000e+00, v36;
	v46 =	vsub.f32 $1.000000000e+00, v38;
	v13 =	vmul.f32 v41, v13  }
0x130: {  	v42 =	vnsel vm0, $0x3F800000, v42;
	v41 =	vnsel vm1, $0x3F800000, v43;
	v44 =	vsub.f32 $1.000000000e+00, v37  }
0x131: {  	s29 =	sadd.s32 $0x80, s29;
	v26 =	vmul.f32 v42, v26;
	v43 =	vnsel vm5, $0x3F800000, v45;
	v42 =	vnsel vm3, $0x3F800000, v46  }
.LBB2_15:
0x132: {  	v0 =	vmul.f32 v39, v0  }
0x133: {  	v1 =	vmul.f32 v40, v30;
	v2 =	vmul.f32 v41, v31  }
0x134: {  	v3 =	vnsel vm6, $0x3F800000, v44;
	v4 =	vmul.f32 v43, v28;
	v5 =	vmul.f32 v42, v29  }
0x135: {  	vm0 =	vmmov vm0;
	v3 =	vmul.f32 v3, v27;
	v6 =	vmul.f32 v26, v34  }
0x136: {  	vm2 =	vmmov vm2;
	v0 =	vmul.f32 v0, v32;
	v1 =	vmul.f32 v1, v33  }
0x137: {  	vm4 =	vmmov vm4;
	v2 =	vmul.f32 v2, v35;
	v4 =	vmul.f32 v4, v36  }
0x138: {  	v5 =	vmul.f32 v5, v38;
	v6 =	vadd.f32 $1.000000000e+00, v6;
	v0 =	vadd.f32 $1.000000000e+00, v0  }
0x139: {  	v3 =	vmul.f32 v3, v37;
	v1 =	vadd.f32 $1.000000000e+00, v1;
	v2 =	vadd.f32 $1.000000000e+00, v2  }
0x13a: {  	v4 =	vadd.f32 $1.000000000e+00, v4;
	v5 =	vadd.f32 $1.000000000e+00, v5;
	v6 =	vnsel vm0, $0x3F800000, v6  }
.Ltmp14:
0x13b: {  	v3 =	vadd.f32 $1.000000000e+00, v3;
	v7 =	vnsel vm2, $0x3F800000, v0;
	v8 =	vnsel vm4, $0x3F800000, v1;
	(pc) =	sbr.rel .LBB2_16-.Ltmp14, $4  }
0x13c: {  	v9 =	vnsel vm1, $0x3F800000, v2;
	v4 =	vnsel vm5, $0x3F800000, v4;
	v0 =	vmul.f32 v6, v20  }
0x13d: {  	v5 =	vnsel vm3, $0x3F800000, v5;
	v1 =	vmul.f32 v7, v21;
	v2 =	vmul.f32 v8, v22  }
0x13e: {  	v6 =	vnsel vm6, $0x3F800000, v3;
	v3 =	vmul.f32 v9, v19;
	v4 =	vmul.f32 v4, v23  }
0x13f: {  	v5 =	vmul.f32 v5, v24;
	v6 =	vmul.f32 v6, v25  }
.LBB2_10:
0x140: {  	v1 =	vimm.f32 $1.000000000e+00  }
0x141: {  	v2 =	vimm.f32 $1.000000000e+00;
	v3 =	vimm.f32 $1.000000000e+00;
	v4 =	vimm.f32 $1.000000000e+00  }
0x142: {  	v5 =	vimm.f32 $1.000000000e+00;
	v6 =	vimm.f32 $1.000000000e+00;
	v13 =	vimm.f32 $1.000000000e+00  }
.LBB2_16:
0x143: {  	[tilespmem:$0x15200] =	vst v0  }
0x144: {  	[tilespmem:$0x15210] =	vst v1  }
0x145: {  	[tilespmem:$0x15220] =	vst v2  }
0x146: {  	[tilespmem:$0x15230] =	vst v3  }
0x147: {  	[tilespmem:$0x15240] =	vst v4  }
0x148: {  	[tilespmem:$0x15270] =	vst v13  }
0x149: {  	p0 =	slt.s32 s26, $0x1;
	[tilespmem:$0x15250] =	vst v5  }
.Ltmp15:
0x14a: {  	[tilespmem:$0x15260] =	vst v6;
	(pc) =	sbr.rel @p0 .LBB2_20-.Ltmp15, $4  }
0x14b: {  	[hbm4b:s10+s2] =	stream.linear.scatter [tilespmem:s21], [sflag:$0x3], $0x80, $0x38;
	[tilespmem:$0x15280] =	vst v63  }
0x14c: {  	_ =	swait.ge [sflag:s15], $0x80  }
0x14d: {  	[sflag:s15] =	ssyncset.done $0x0  }
0x14e: {  	[sflag:s15] =	ssyncadd.s32 $0xFFFFFF80  }
0x14f: {  	p0 =	sne.s32 s26, $0x1  }
.Ltmp16:
0x150: {  	_ = 	snop;
	(pc) =	sbr.rel @!p0 .LBB2_19-.Ltmp16, $3  }
0x151: {  	_ =	sdelay $0x1  }
0x152: {  	_ =	swait.ge [sflag:s22], $0x400  }
0x153: {  	s25 =	sadd.s32 $0xFFFFFFFF, s26;
	[sflag:s22] =	ssyncset.done $0x0  }
.LBB2_18:
0x154: {  	p0 =	sne.s32 s25, $0x1;
	s25 =	sadd.s32 $0xFFFFFFFF, s25;
	[sflag:s22] =	ssyncadd.s32 $0xFFFFFC00  }
.Ltmp17:
0x155: {  	(pc) =	sbr.rel @p0 .LBB2_18-.Ltmp17, $3  }
0x156: {  	_ =	sdelay $0x1  }
0x157: {  	_ =	swait.ge [sflag:s22], $0x400  }
0x158: {  	[sflag:s22] =	ssyncset.done $0x0  }
.LBB2_19:
0x159: {  	[sflag:s22] =	ssyncadd.s32 $0xFFFFFC00  }
.LBB2_20:
0x15a: {  	p0 =	slt.s32 s24, $0x1  }
.Ltmp18:
0x15b: {  	_ = 	snop;
	(pc) =	sbr.rel @p0 .LBB2_21-.Ltmp18, $2  }
0x15c: {  	_ =	sdelay $0x2  }
0x15d: {  	v0 =	vimm.f32 $1.000000000e+00  }
0x15e: {  	v1 =	vld [tilespmem:$0x15180]  }
0x15f: {  	v2 =	vld [tilespmem:$0x15190]  }
0x160: {  	v3 =	vld [tilespmem:$0x151A0]  }
0x161: {  	v4 =	vld [tilespmem:$0x151B0]  }
0x162: {  	s25 =	simm.s32 $0xFD40;
	v5 =	vld [tilespmem:$0x151F0]  }
0x163: {  	v7 =	vld [tilespmem:s25+$0x30]  }
0x164: {  	v6 =	vld [tilespmem:$0x151C0]  }
0x165: {  	v8 =	vld [tilespmem:s25+$0xFFFFFFD0]  }
0x166: {  	v9 =	vld [tilespmem:s25+$0xFFFFFFE0]  }
0x167: {  	v10 =	vld [tilespmem:s25+$0xFFFFFFF0]  }
0x168: {  	v11 =	vld [tilespmem:s25+$0x0];
	v7 =	vmax.f32 v7, $0.0e+00  }
0x169: {  	v12 =	vld [tilespmem:s25+$0xFFFFFFC0];
	v7 =	vmul.f32 v7, v5  }
0x16a: {  	v13 =	vld [tilespmem:s25+$0x10]  }
0x16b: {  	v16 =	vld [tilespmem:s25+$0x20];
	v8 =	vmax.f32 v8, $0.0e+00;
	v14 =	vmul.f32 $1.442695020e+00, v7  }
0x16c: {  	v10 =	vmax.f32 v10, $0.0e+00;
	v15 =	vmul.f32 v8, v2;
	v8 =	vmax.f32 v9, $0.0e+00;
	v7 =	vld [tilespmem:$0x151D0]  }
0x16d: {  	v11 =	vmax.f32 v11, $0.0e+00;
	v9 =	vmul.f32 v8, v3;
	(erf) = vpow2.f32 v14  }
0x16e: {  	v14 =	vmul.f32 $1.442695020e+00, v15;
	v15 =	vmul.f32 v11, v6;
	v11 =	vmax.f32 v12, $0.0e+00  }
0x16f: {  	v10 =	vmul.f32 v10, v4;
	v11 =	vmul.f32 v11, v1  }
0x170: {  	v8 =	vld [tilespmem:$0x151E0];
	v12 =	vmax.f32 v13, $0.0e+00;
	v13 =	vmul.f32 $1.442695020e+00, v9;
	(erf) = vpow2.f32 v14  }
0x171: {  	v17 =	vmul.f32 v12, v7;
	v12 =	vmax.f32 v16, $0.0e+00;
	v16 =	vmul.f32 $1.442695020e+00, v11  }
0x172: {  	v18 =	vmul.f32 $1.442695020e+00, v10;
	v10 =	vld [tilespmem:$0x15110];
	(erf) = vpow2.f32 v13  }
0x173: {  	v9 =	vld [tilespmem:$0x15100];
	v13 =	vmul.f32 $1.442695020e+00, v15;
	(erf) = vpow2.f32 v16  }
0x174: {  	v30 =	vimm.f32 $1.000000000e+00;
	v14 =	vld [tilespmem:$0x15130];
	(erf) = vpow2.f32 v18  }
0x175: {  	v31 =	vimm.f32 $1.000000000e+00;
	v11 =	vld [tilespmem:$0x15120];
	v19 =	vmul.f32 v12, v8;
	(erf) = vpow2.f32 v13  }
0x176: {  	v28 =	vimm.f32 $1.000000000e+00;
	v29 =	vimm.f32 $1.000000000e+00;
	v12 =	vld [tilespmem:$0x15170];
	v16 =	vmul.f32 $1.442695020e+00, v17  }
0x177: {  	v27 =	vimm.f32 $1.000000000e+00;
	v23 =	vimm.f32 $1.000000000e+00;
	v15 =	vld [tilespmem:$0x15140];
	v17 =	vmul.f32 $1.442695020e+00, v19;
	v13 =	vpop (erf)  }
0x178: {  	s31 =	simm.s32 $0x0;
	v24 =	vimm.f32 $1.000000000e+00;
	(erf) = vpow2.f32 v16;
	v13 =	vsub.f32 $1.000000000e+00, v13  }
0x179: {  	v25 =	vimm.f32 $1.000000000e+00;
	vm2 =	vgt.s32 v10, s31;
	v16 =	vld [tilespmem:$0x15150];
	(erf) = vpow2.f32 v17  }
0x17a: {  	vm0 =	vgt.s32 v9, s31;
	vm1 =	vgt.s32 v14, s31;
	v19 =	vpop (erf);
	v18 =	vsub.f32 $1.000000000e+00, v13  }
0x17b: {  	vm4 =	vgt.s32 v11, s31;
	vm7 =	vgt.s32 v12, s31;
	v17 =	vld [tilespmem:$0x15160];
	v32 =	vsub.f32 $1.000000000e+00, v19;
	v19 =	vpop (erf)  }
0x17c: {  	vm5 =	vgt.s32 v15, s31;
	v33 =	vsub.f32 $1.000000000e+00, v19;
	v18 =	vnsel vm7, $0x3F800000, v18;
	v19 =	vpop (erf)  }
0x17d: {  	v18 =	vmul.f32 v18, v0;
	v34 =	vsub.f32 $1.000000000e+00, v19;
	v19 =	vsub.f32 $1.000000000e+00, v32;
	v20 =	vpop (erf)  }
0x17e: {  	vm3 =	vgt.s32 v16, s31;
	v21 =	vsub.f32 $1.000000000e+00, v33;
	v35 =	vsub.f32 $1.000000000e+00, v20;
	v20 =	vpop (erf)  }
0x17f: {  	v13 =	vmul.f32 v18, v13;
	v36 =	vsub.f32 $1.000000000e+00, v20;
	v20 =	vsub.f32 $1.000000000e+00, v34  }
0x180: {  	vm6 =	vgt.s32 v17, s31;
	v40 =	vnsel vm4, $0x3F800000, v21;
	v21 =	vsub.f32 $1.000000000e+00, v35  }
0x181: {  	p0 =	sne.s32 s24, $0x1;
	v39 =	vnsel vm2, $0x3F800000, v19;
	v13 =	vadd.f32 $1.000000000e+00, v13;
	v19 =	vpop (erf);
	v20 =	vnsel vm0, $0x3F800000, v20  }
.Ltmp19:
0x182: {  	v38 =	vsub.f32 $1.000000000e+00, v19;
	v19 =	vpop (erf);
	v41 =	vnsel vm1, $0x3F800000, v21;
	v26 =	vmul.f32 v20, v0;
	(pc) =	sbr.rel @!p0 .LBB2_24-.Ltmp19, $4  }
0x183: {  	v20 =	vimm.f32 $1.000000000e+00;
	v37 =	vsub.f32 $1.000000000e+00, v19;
	v19 =	vsub.f32 $1.000000000e+00, v36  }
0x184: {  	v21 =	vimm.f32 $1.000000000e+00;
	v13 =	vnsel vm7, $0x3F800000, v13;
	v22 =	vsub.f32 $1.000000000e+00, v38  }
0x185: {  	v13 =	vmul.f32 v13, v0;
	v44 =	vsub.f32 $1.000000000e+00, v37;
	v43 =	vnsel vm5, $0x3F800000, v19  }
0x186: {  	s26 =	simm.s32 $0xFDC0;
	s25 =	simm.s32 $0x1;
	v19 =	vimm.f32 $1.000000000e+00;
	v42 =	vnsel vm3, $0x3F800000, v22;
	v22 =	vimm.f32 $1.000000000e+00  }
.LBB2_23:
0x187: {  	v0 =	vmul.f32 v39, v0;
	v30 =	vmul.f32 v40, v30;
	v39 =	vnsel vm6, $0x3F800000, v44  }
0x188: {  	v45 =	vld [tilespmem:s26+$0x30];
	vm9 =	vmmov vm0;
	vm7 =	vmmov vm2;
	vm8 =	vmmov vm4;
	s28 =	smov.u32 s25;
	s25 =	sadd.s32 $0x1, s25  }
0x189: {  	v31 =	vmul.f32 v41, v31;
	v28 =	vmul.f32 v43, v28;
	v40 =	vld [tilespmem:s26+$0xFFFFFFD0];
	p0 =	sne.s32 s24, s25  }
0x18a: {  	v29 =	vmul.f32 v42, v29;
	vm0 =	vgt.s32 v9, s28;
	v27 =	vmul.f32 v39, v27;
	v41 =	vld [tilespmem:s26+$0xFFFFFFE0]  }
0x18b: {  	vm2 =	vgt.s32 v10, s28;
	v34 =	vmul.f32 v26, v34;
	v32 =	vmul.f32 v0, v32;
	v39 =	vld [tilespmem:s26+$0xFFFFFFF0]  }
0x18c: {  	vm4 =	vgt.s32 v11, s28;
	v33 =	vmul.f32 v30, v33;
	v35 =	vmul.f32 v31, v35;
	v42 =	vld [tilespmem:s26+$0x0]  }
0x18d: {  	v36 =	vmul.f32 v28, v36;
	v38 =	vmul.f32 v29, v38;
	v43 =	vld [tilespmem:s26+$0x10];
	v44 =	vmax.f32 v45, $0.0e+00  }
0x18e: {  	v37 =	vmul.f32 v27, v37;
	v40 =	vmax.f32 v40, $0.0e+00;
	v45 =	vld [tilespmem:s26+$0x20];
	v44 =	vmul.f32 v44, v5  }
0x18f: {  	v34 =	vadd.f32 $1.000000000e+00, v34;
	v46 =	vld [tilespmem:s26+$0xFFFFFFC0];
	v40 =	vmul.f32 v40, v2;
	v41 =	vmax.f32 v41, $0.0e+00  }
0x190: {  	v41 =	vmul.f32 v41, v3;
	v39 =	vmax.f32 v39, $0.0e+00;
	v44 =	vmul.f32 $1.442695020e+00, v44  }
0x191: {  	v40 =	vmul.f32 $1.442695020e+00, v40;
	v39 =	vmul.f32 v39, v4;
	v42 =	vmax.f32 v42, $0.0e+00  }
0x192: {  	v42 =	vmul.f32 v42, v6;
	v43 =	vmax.f32 v43, $0.0e+00;
	(erf) = vpow2.f32 v44  }
0x193: {  	v41 =	vmul.f32 $1.442695020e+00, v41;
	v43 =	vmul.f32 v43, v7;
	v44 =	vmax.f32 v45, $0.0e+00  }
0x194: {  	v39 =	vmul.f32 $1.442695020e+00, v39;
	v45 =	vmax.f32 v46, $0.0e+00;
	v44 =	vmul.f32 v44, v8  }
0x195: {  	v32 =	vadd.f32 $1.000000000e+00, v32;
	v42 =	vmul.f32 $1.442695020e+00, v42;
	v45 =	vmul.f32 v45, v1  }
0x196: {  	v33 =	vadd.f32 $1.000000000e+00, v33;
	v43 =	vmul.f32 $1.442695020e+00, v43;
	v44 =	vmul.f32 $1.442695020e+00, v44  }
0x197: {  	v35 =	vadd.f32 $1.000000000e+00, v35;
	v45 =	vmul.f32 $1.442695020e+00, v45;
	(erf) = vpow2.f32 v40  }
0x198: {  	v36 =	vadd.f32 $1.000000000e+00, v36;
	v38 =	vadd.f32 $1.000000000e+00, v38;
	(erf) = vpow2.f32 v41  }
0x199: {  	v34 =	vnsel vm9, $0x3F800000, v34;
	v37 =	vadd.f32 $1.000000000e+00, v37;
	(erf) = vpow2.f32 v45  }
0x19a: {  	v32 =	vnsel vm7, $0x3F800000, v32;
	v33 =	vnsel vm8, $0x3F800000, v33;
	(erf) = vpow2.f32 v39  }
0x19b: {  	v35 =	vnsel vm1, $0x3F800000, v35;
	v36 =	vnsel vm5, $0x3F800000, v36;
	(erf) = vpow2.f32 v42;
	v39 =	vpop (erf)  }
0x19c: {  	v38 =	vnsel vm3, $0x3F800000, v38;
	v39 =	vsub.f32 $1.000000000e+00, v39;
	(erf) = vpow2.f32 v43  }
0x19d: {  	v20 =	vmul.f32 v34, v20;
	v34 =	vnsel vm6, $0x3F800000, v37;
	(erf) = vpow2.f32 v44  }
0x19e: {  	v21 =	vmul.f32 v32, v21;
	v22 =	vmul.f32 v33, v22;
	v37 =	vsub.f32 $1.000000000e+00, v39  }
0x19f: {  	vm7 =	vgt.s32 v12, s28;
	v19 =	vmul.f32 v35, v19;
	v23 =	vmul.f32 v36, v23  }
0x1a0: {  	v24 =	vmul.f32 v38, v24;
	v25 =	vmul.f32 v34, v25;
	v35 =	vnsel vm7, $0x3F800000, v37;
	v32 =	vpop (erf)  }
0x1a1: {  	vm1 =	vgt.s32 v14, s28;
	v32 =	vsub.f32 $1.000000000e+00, v32;
	v18 =	vmul.f32 v35, v18;
	v33 =	vpop (erf)  }
0x1a2: {  	vm5 =	vgt.s32 v15, s28;
	vm3 =	vgt.s32 v16, s28;
	v33 =	vsub.f32 $1.000000000e+00, v33;
	v34 =	vpop (erf)  }
0x1a3: {  	v34 =	vsub.f32 $1.000000000e+00, v34;
	v36 =	vsub.f32 $1.000000000e+00, v32;
	v42 =	vmul.f32 v18, v39;
	v35 =	vpop (erf)  }
0x1a4: {  	vm6 =	vgt.s32 v17, s28;
	v38 =	vsub.f32 $1.000000000e+00, v33;
	v35 =	vsub.f32 $1.000000000e+00, v35;
	v40 =	vpop (erf)  }
0x1a5: {  	v39 =	vnsel vm2, $0x3F800000, v36;
	v36 =	vsub.f32 $1.000000000e+00, v40;
	v41 =	vadd.f32 $1.000000000e+00, v42;
	v37 =	vpop (erf)  }
.Ltmp20:
0x1a6: {  	v42 =	vsub.f32 $1.000000000e+00, v34;
	v40 =	vnsel vm4, $0x3F800000, v38;
	v38 =	vsub.f32 $1.000000000e+00, v37;
	v37 =	vpop (erf);
	(pc) =	sbr.rel @p0 .LBB2_23-.Ltmp20, $4  }
0x1a7: {  	v43 =	vsub.f32 $1.000000000e+00, v35;
	v37 =	vsub.f32 $1.000000000e+00, v37;
	v41 =	vnsel vm7, $0x3F800000, v41  }
0x1a8: {  	v45 =	vsub.f32 $1.000000000e+00, v36;
	v46 =	vsub.f32 $1.000000000e+00, v38;
	v13 =	vmul.f32 v41, v13  }
0x1a9: {  	v42 =	vnsel vm0, $0x3F800000, v42;
	v41 =	vnsel vm1, $0x3F800000, v43;
	v44 =	vsub.f32 $1.000000000e+00, v37  }
0x1aa: {  	s26 =	sadd.s32 $0x80, s26;
	v26 =	vmul.f32 v42, v26;
	v43 =	vnsel vm5, $0x3F800000, v45;
	v42 =	vnsel vm3, $0x3F800000, v46  }
.LBB2_24:
0x1ab: {  	v0 =	vmul.f32 v39, v0  }
0x1ac: {  	v1 =	vmul.f32 v40, v30;
	v2 =	vmul.f32 v41, v31  }
0x1ad: {  	v3 =	vnsel vm6, $0x3F800000, v44;
	v4 =	vmul.f32 v43, v28;
	v5 =	vmul.f32 v42, v29  }
0x1ae: {  	vm0 =	vmmov vm0;
	v3 =	vmul.f32 v3, v27;
	v6 =	vmul.f32 v26, v34  }
0x1af: {  	vm2 =	vmmov vm2;
	v0 =	vmul.f32 v0, v32;
	v1 =	vmul.f32 v1, v33  }
0x1b0: {  	vm4 =	vmmov vm4;
	v2 =	vmul.f32 v2, v35;
	v4 =	vmul.f32 v4, v36  }
0x1b1: {  	v5 =	vmul.f32 v5, v38;
	v6 =	vadd.f32 $1.000000000e+00, v6;
	v0 =	vadd.f32 $1.000000000e+00, v0  }
0x1b2: {  	v3 =	vmul.f32 v3, v37;
	v1 =	vadd.f32 $1.000000000e+00, v1;
	v2 =	vadd.f32 $1.000000000e+00, v2  }
0x1b3: {  	v4 =	vadd.f32 $1.000000000e+00, v4;
	v5 =	vadd.f32 $1.000000000e+00, v5;
	v6 =	vnsel vm0, $0x3F800000, v6  }
.Ltmp21:
0x1b4: {  	v3 =	vadd.f32 $1.000000000e+00, v3;
	v7 =	vnsel vm2, $0x3F800000, v0;
	v8 =	vnsel vm4, $0x3F800000, v1;
	(pc) =	sbr.rel .LBB2_25-.Ltmp21, $4  }
0x1b5: {  	v9 =	vnsel vm1, $0x3F800000, v2;
	v4 =	vnsel vm5, $0x3F800000, v4;
	v0 =	vmul.f32 v6, v20  }
0x1b6: {  	v5 =	vnsel vm3, $0x3F800000, v5;
	v1 =	vmul.f32 v7, v21;
	v2 =	vmul.f32 v8, v22  }
0x1b7: {  	v6 =	vnsel vm6, $0x3F800000, v3;
	v3 =	vmul.f32 v9, v19;
	v4 =	vmul.f32 v4, v23  }
0x1b8: {  	v5 =	vmul.f32 v5, v24;
	v6 =	vmul.f32 v6, v25  }
.LBB2_26:
0x1b9: {  	_ =	sfence.sel $0x180000  }
0x1ba: {  	[bflag:$0x0] =	sbarrier.arrive $0xFFFF  }
0x1bb: {  	p0 =	sne.s32 s3, $0x0;
	_ =	strace $0x90000047  }
0x1bc: {  	s0 =	sadd.s32 @!p0 $0x100000, s0;
	[bflag:$0x2] =	sbarrier.arrive $0xFFFF  }
0x1bd: {  	[sflag:s0] =	ssyncadd.tile.s32 @!p0 $0x1;
	_ =	shalt  }
.Lfunc_end2:
_tile_overlayer_lowered:
.L_overlay_start_2:
0x1be: {  	(tag) =	ssettag $0x2  }
0x1bf: {  	s0 =	rddreg [dreg:$0x0];
	s2 =	stileid.u32  }
0x1c0: {  	s1 =	rddreg [dreg:$0x1];
	p0 =	sne.s32 s2, $0x0  }
0x1c1: {  	s3 =	rddreg [dreg:$0x2];
	[bflag:$0x3] =	sbarrier.arrive $0xFFFF;
	s2 =	simm.s32 @!p0 $0x1C03  }
0x1c2: {  	[timem:s3], [sflag:s2] =	dma.local @!p0 [hbm:s0], s1  }
0x1c3: {  	s0 =	simm.s32 @!p0 $0x3  }
0x1c4: {  	_ =	swait.ge @!p0 [sflag:s0], s1  }
0x1c5: {  	s1 =	ssub.s32 @!p0 $0x0, s1;
	[sflag:s0] =	ssyncset.done @!p0 $0x0  }
0x1c6: {  	[sflag:s0] =	ssyncadd.s32 @!p0 s1  }
0x1c7: {  	[bflag:$0x3] =	sbarrier.arrive $0xFFFF  }
0x1c8: {  	_ =	shalt  }

</sc_bundles>
